<compile_context>
chip_gen: v7x
topology: tpu7x:2x2x1
jax: 0.10.2.dev20260603
libtpu: 0.0.44.dev20260713+nightly
codegen_flags: <defaults>
</compile_context>

<pallas_src>
import functools

import jax
import jax.numpy as jnp
from jax import lax
from jax.experimental import pallas as pl
from jax.experimental.pallas import tpu as pltpu
from jax.experimental.pallas import tpu_sc as plsc

NT = 32
CH = 128
G = 64
BN = 5000

_sc_params = pltpu.CompilerParams(needs_layout_passes=False)
_mesh = plsc.VectorSubcoreMesh(core_axis_name="c", subcore_axis_name="s")


def _stripe_chunks(stripe, maxsz=CH):
    sizes = [maxsz] * (stripe // maxsz)
    if stripe % maxsz:
        sizes.append(stripe % maxsz)
    return sizes


def _make_deg_kernel(NCH, NA):
    @functools.partial(
        pl.kernel,
        out_type=jax.ShapeDtypeStruct((NT * NA,), jnp.float32),
        mesh=_mesh,
        scratch_types=[
            pltpu.VMEM((NCH, CH), jnp.int32),
            pltpu.VMEM((NA,), jnp.float32),
        ],
        compiler_params=_sc_params,
    )
    def deg_kernel(dst_hbm, out_hbm, dstv, degv):
        c = lax.axis_index("c")
        s = lax.axis_index("s")
        w = c * 16 + s
        pltpu.sync_copy(dst_hbm.at[w], dstv)

        zeros16 = jnp.zeros((16,), jnp.float32)

        def zero_body(i, carry):
            degv[pl.ds(i * 16, 16)] = zeros16
            return carry

        lax.fori_loop(0, NA // 16, zero_body, 0)

        ones16 = jnp.ones((16,), jnp.float32)

        def hist_body(r, carry):
            for k in range(CH // 16):
                idx = dstv[r, pl.ds(k * 16, 16)]
                plsc.addupdate_scatter(degv, [idx], ones16)
            return carry

        lax.fori_loop(0, NCH, hist_body, 0)
        pltpu.sync_copy(degv, out_hbm.at[pl.ds(w * NA, NA)])

    return deg_kernel


def _make_edge_kernel(N, NCH, NA, D):
    EP_T = NCH * CH
    stripe = NA // 16

    @functools.partial(
        pl.kernel,
        out_type=jax.ShapeDtypeStruct((2, NA, D), jnp.float32),
        mesh=_mesh,
        scratch_types=[
            pltpu.VMEM((EP_T,), jnp.int32),
            pltpu.VMEM((2, CH), jnp.int32),
            pltpu.VMEM((2, CH, D), jnp.float32),
            pltpu.VMEM_SHARED((NA, D), jnp.float32),
            pltpu.SemaphoreType.DMA,
            pltpu.SemaphoreType.DMA,
            pltpu.SemaphoreType.DMA,
            pltpu.SemaphoreType.DMA,
            pltpu.SemaphoreType.DMA,
            pltpu.SemaphoreType.DMA,
        ],
        compiler_params=_sc_params,
    )
    def edge_kernel(y_hbm, src_hbm, dst_hbm, out_hbm, srcv, dstb, buf, acc,
                    sem0, sem1, wsem0, wsem1, dsem0, dsem1):
        c = lax.axis_index("c")
        s = lax.axis_index("s")
        w = c * 16 + s
        pltpu.sync_copy(src_hbm.at[w], srcv)

        sems = (sem0, sem1)
        dsems = (dsem0, dsem1)

        def gather(j, slot, sem):
            return pltpu.async_copy(
                y_hbm.at[srcv.at[pl.ds(j * CH, CH)]], buf.at[slot], sem)

        def dst_load(j, slot):
            return pltpu.async_copy(dst_hbm.at[w, j], dstb.at[slot],
                                    dsems[slot])

        gather(0, 0, sem0)
        dst_load(0, 0)
        dst_load(1, 1)

        zeros16 = jnp.zeros((16,), jnp.float32)

        def zero_body(i, carry):
            r = i // (D // 16)
            k = lax.rem(i, D // 16)
            buf[1, r, pl.ds(k * 16, 16)] = zeros16
            return carry

        lax.fori_loop(0, CH * D // 16, zero_body, 0)

        base = s * stripe
        off = 0
        for sz in _stripe_chunks(stripe):
            pltpu.sync_copy(buf.at[1, pl.ds(0, sz)],
                            acc.at[pl.ds(base + off, sz)])
            off += sz
        plsc.subcore_barrier()

        def body(jj, carry):
            for b in range(2):
                j = jj * 2 + b
                nslot = 1 - b

                @pl.when(j + 1 < NCH)
                def _():
                    gather(j + 1, nslot, sems[nslot])

                pltpu.make_async_copy(
                    y_hbm.at[srcv.at[pl.ds(j * CH, CH)]], buf.at[b],
                    sems[b]).wait()
                pltpu.make_async_copy(dst_hbm.at[w, j], dstb.at[b],
                                      dsems[b]).wait()
                pltpu.sync_copy(buf.at[b], acc.at[dstb.at[b]], add=True)

                @pl.when(j + 2 < NCH)
                def _():
                    dst_load(j + 2, b)
            return carry

        lax.fori_loop(0, NCH // 2, body, 0)
        plsc.subcore_barrier()

        wsems = (wsem0, wsem1)
        chunks = []
        off = 0
        for sz in _stripe_chunks(stripe):
            chunks.append((off, sz))
            off += sz
        for k, (off, sz) in enumerate(chunks):
            slot = k % 2
            if k >= 2:
                poff, psz = chunks[k - 2]
                pltpu.make_async_copy(
                    buf.at[slot, pl.ds(0, psz)],
                    out_hbm.at[c, pl.ds(base + poff, psz)],
                    wsems[slot]).wait()
            pltpu.sync_copy(acc.at[pl.ds(base + off, sz)],
                            buf.at[slot, pl.ds(0, sz)])
            pltpu.async_copy(buf.at[slot, pl.ds(0, sz)],
                             out_hbm.at[c, pl.ds(base + off, sz)],
                             wsems[slot])
        for k in range(max(0, len(chunks) - 2), len(chunks)):
            off, sz = chunks[k]
            pltpu.make_async_copy(
                buf.at[k % 2, pl.ds(0, sz)],
                out_hbm.at[c, pl.ds(base + off, sz)],
                wsems[k % 2]).wait()

    return edge_kernel


def _matmul1(x, W1, NB):
    N, D = x.shape
    H = W1.shape[1]

    def body(x_ref, w_ref, xw_ref):
        xw_ref[...] = jnp.dot(x_ref[...], w_ref[...],
                              preferred_element_type=jnp.float32)

    return pl.pallas_call(
        body,
        grid=(NB,),
        in_specs=[
            pl.BlockSpec((BN, D), lambda i: (i, 0)),
            pl.BlockSpec((D, H), lambda i: (0, 0)),
        ],
        out_specs=pl.BlockSpec((BN, H), lambda i: (i, 0)),
        out_shape=jax.ShapeDtypeStruct((N, H), jnp.float32),
    )(x, W1)


def _scale1(xw, deg_t, NB):
    N, H = xw.shape

    def body(xw_ref, degt_ref, y_ref, dis_ref):
        deg = jnp.sum(degt_ref[...], axis=1, keepdims=True) + 1.0
        dis = lax.rsqrt(deg)
        y_ref[...] = xw_ref[...] * dis
        dis_ref[...] = dis

    return pl.pallas_call(
        body,
        grid=(NB,),
        in_specs=[
            pl.BlockSpec((BN, H), lambda i: (i, 0)),
            pl.BlockSpec((BN, NT), lambda i: (i, 0)),
        ],
        out_specs=[
            pl.BlockSpec((BN, H), lambda i: (i, 0)),
            pl.BlockSpec((BN, 1), lambda i: (i, 0)),
        ],
        out_shape=[
            jax.ShapeDtypeStruct((N, H), jnp.float32),
            jax.ShapeDtypeStruct((N, 1), jnp.float32),
        ],
    )(xw, deg_t)


def _finish_matmul2(parts, y1, dis, b1, W2, NB):
    N, H = y1.shape

    def body(p_ref, y_ref, dis_ref, b_ref, w_ref, out_ref):
        pre = p_ref[0] + p_ref[1] + y_ref[...]
        h = jnp.maximum(dis_ref[...] * pre + b_ref[...], 0.0)
        out_ref[...] = dis_ref[...] * jnp.dot(
            h, w_ref[...], preferred_element_type=jnp.float32)

    return pl.pallas_call(
        body,
        grid=(NB,),
        in_specs=[
            pl.BlockSpec((2, BN, H), lambda i: (0, i, 0)),
            pl.BlockSpec((BN, H), lambda i: (i, 0)),
            pl.BlockSpec((BN, 1), lambda i: (i, 0)),
            pl.BlockSpec((1, H), lambda i: (0, 0)),
            pl.BlockSpec((H, H), lambda i: (0, 0)),
        ],
        out_specs=pl.BlockSpec((BN, H), lambda i: (i, 0)),
        out_shape=jax.ShapeDtypeStruct((N, H), jnp.float32),
    )(parts, y1, dis, b1, W2)


def _finish_pool_classify(parts, y2, dis, b2, batch3, Wc, bc, NB):
    N, H = y2.shape
    C = Wc.shape[1]

    def body(p_ref, y_ref, dis_ref, b_ref, bat_ref, wc_ref, bc_ref, out_ref,
             pooled, cnt):
        i = pl.program_id(0)

        @pl.when(i == 0)
        def _():
            pooled[...] = jnp.zeros_like(pooled)
            cnt[...] = jnp.zeros_like(cnt)

        pre = p_ref[0] + p_ref[1] + y_ref[...]
        h = jnp.maximum(dis_ref[...] * pre + b_ref[...], 0.0)
        bat = bat_ref[0]
        gid = lax.broadcasted_iota(jnp.int32, (G, BN), 0)
        oh = (bat == gid).astype(jnp.float32)
        pooled[...] += jnp.dot(oh, h, preferred_element_type=jnp.float32)
        cnt[...] += jnp.broadcast_to(
            jnp.sum(oh, axis=1, keepdims=True), cnt.shape)

        @pl.when(i == NB - 1)
        def _():
            mean = pooled[...] / jnp.maximum(cnt[...], 1.0)
            out_ref[...] = jnp.dot(
                mean, wc_ref[...], preferred_element_type=jnp.float32) \
                + bc_ref[...]

    return pl.pallas_call(
        body,
        grid=(NB,),
        in_specs=[
            pl.BlockSpec((2, BN, H), lambda i: (0, i, 0)),
            pl.BlockSpec((BN, H), lambda i: (i, 0)),
            pl.BlockSpec((BN, 1), lambda i: (i, 0)),
            pl.BlockSpec((1, H), lambda i: (0, 0)),
            pl.BlockSpec((1, 1, BN), lambda i: (i, 0, 0)),
            pl.BlockSpec((H, C), lambda i: (0, 0)),
            pl.BlockSpec((1, C), lambda i: (0, 0)),
        ],
        out_specs=pl.BlockSpec((G, C), lambda i: (0, 0)),
        out_shape=jax.ShapeDtypeStruct((G, C), jnp.float32),
        scratch_shapes=[
            pltpu.VMEM((G, H), jnp.float32),
            pltpu.VMEM((G, H), jnp.float32),
        ],
    )(parts, y2, dis, b2, batch3, Wc, bc)


def kernel(x, edge_index, batch, W1, b1, W2, b2, Wc, bc):
    N, D = x.shape
    H = W1.shape[1]
    E = edge_index.shape[1]
    src, dst = edge_index[0], edge_index[1]

    NCH = -(-E // (NT * CH))
    NCH += NCH % 2
    EP = NT * NCH * CH
    NA = -(-(N + 16) // 128) * 128
    NB = N // BN

    npad = EP - E
    pad_src = (jnp.arange(npad, dtype=jnp.int32) * 97) % N
    pad_dst = N + jnp.arange(npad, dtype=jnp.int32) % 16
    srcp = jnp.concatenate([src, pad_src]).reshape(NT, NCH * CH)
    dstp = jnp.concatenate([dst, pad_dst]).reshape(NT, NCH, CH)
    batch3 = batch.reshape(NB, 1, BN)

    deg_kernel = _make_deg_kernel(NCH, NA)
    edge_kernel = _make_edge_kernel(N, NCH, NA, H)

    deg_parts = deg_kernel(dstp).reshape(NT, NA)
    deg_t = deg_parts.T

    xw1 = _matmul1(x, W1, NB)
    y1, dis = _scale1(xw1, deg_t, NB)
    parts1 = edge_kernel(y1, srcp, dstp)
    y2 = _finish_matmul2(parts1, y1, dis, b1.reshape(1, H), W2, NB)
    parts2 = edge_kernel(y2, srcp, dstp)
    return _finish_pool_classify(parts2, y2, dis, b2.reshape(1, H),
                                 batch3, Wc, bc.reshape(1, Wc.shape[1]), NB)

# --- scband reference (transcript-rebuilt; emitter-appended) ---
"""Pipeline reference for scband-classifier-76209899700340 (READ-ONLY COPY).

The authoritative reference and input builder live on the scoring server;
editing this copy changes nothing except your own understanding.
"""

import jax, jax.numpy as jnp
import numpy as np

N = 10000
E = 320000
D = 128
H = 128
C = 10
G = 64


def gcn_conv(x, src, dst, W, b):
    # PyG GCNConv: add self loops, symmetric normalization D^-1/2 (A+I) D^-1/2 X W + b
    n = x.shape[0]
    loop = jnp.arange(n, dtype=src.dtype)
    s = jnp.concatenate([src, loop])
    d = jnp.concatenate([dst, loop])
    deg = jnp.zeros((n,), x.dtype).at[d].add(1.0)
    dis = jnp.where(deg > 0, 1.0 / jnp.sqrt(deg), 0.0)
    norm = dis[s] * dis[d]
    xw = x @ W
    msg = xw[s] * norm[:, None]
    out = jnp.zeros((n, W.shape[1]), x.dtype).at[d].add(msg)
    return out + b


def setup_inputs(seed: int = 0) -> dict:
    key = jax.random.key(seed)
    ks = jax.random.split(key, 10)
    x = jax.random.normal(ks[0], (N, D), dtype=jnp.float32)
    edge_index = jax.random.randint(ks[1], (2, E), 0, N, dtype=jnp.int32)
    batch = jnp.sort(jax.random.randint(ks[2], (N,), 0, G, dtype=jnp.int32))
    W1 = jax.random.normal(ks[3], (D, H), dtype=jnp.float32) * 0.05
    b1 = jnp.zeros((H,), dtype=jnp.float32)
    W2 = jax.random.normal(ks[4], (H, H), dtype=jnp.float32) * 0.05
    b2 = jnp.zeros((H,), dtype=jnp.float32)
    Wc = jax.random.normal(ks[5], (H, C), dtype=jnp.float32) * 0.05
    bc = jnp.zeros((C,), dtype=jnp.float32)
    return {"x": x, "edge_index": edge_index, "batch": batch,
            "W1": W1, "b1": b1, "W2": W2, "b2": b2, "Wc": Wc, "bc": bc}


def reference(x, edge_index, batch, W1, b1, W2, b2, Wc, bc):
    src, dst = edge_index[0], edge_index[1]
    h = jax.nn.relu(gcn_conv(x, src, dst, W1, b1))
    h = jax.nn.relu(gcn_conv(h, src, dst, W2, b2))
    counts = jnp.zeros((G,), h.dtype).at[batch].add(1.0)
    pooled = jnp.zeros((G, h.shape[1]), h.dtype).at[batch].add(h)
    pooled = pooled / jnp.clip(counts, 1.0)[:, None]
    return pooled @ Wc + bc

if __name__ == "__main__":
    import jax
    _d = setup_inputs()
    print(jax.jit(kernel)(*tuple(_d.values())))

</pallas_src>

<mosaic_0001>
#map = affine_map<(d0, d1) -> (0, 0, 0)>
#map1 = affine_map<(d0, d1) -> (0)>
module attributes {stable_mosaic.version = 14 : i64} {
  func.func @deg_kernel(%arg0: i32, %arg1: i32, %arg2: memref<32x80x128xi32, #tpu.memory_space<hbm>>, %arg3: memref<323584xf32, #tpu.memory_space<hbm>>, %arg4: memref<80x128xi32, #tpu.memory_space<vmem>>, %arg5: memref<10112xf32, #tpu.memory_space<vmem>>) attributes {dimension_semantics = [#tpu.dimension_semantics<core_parallel>, #tpu.dimension_semantics<subcore_parallel>], iteration_bounds = array<i64: 2, 16>, scalar_prefetch = 0 : i64, scratch_operands = 2 : i64, tpu.core_type = #tpu.core_type<sc_vector_subcore>, window_params = [{transform_indices = #map}, {transform_indices = #map1}]} {
    %mul3A = arith.constant 16 : i32
    %mul3A_0 = arith.muli %arg0, %mul3A : i32
    %add3A = arith.addi %mul3A_0, %arg1 : i32
    "tpu.region"() ({
      %run_scoped3A = tpu.sem_alloc : memref<!tpu.dma_semaphore, #tpu.memory_space<semaphore_mem>>
      %dma_start3A = arith.constant 0 : i32
      %dma_start3A_17 = arith.constant 0 : i32
      %dma_start3A_18 = tpu.memref_slice %arg2[%add3A, %dma_start3A, %dma_start3A_17] : memref<32x80x128xi32, #tpu.memory_space<hbm>> -> memref<1x80x128xi32, #tpu.memory_space<hbm>>
      %dma_start3A_19 = tpu.memref_squeeze %dma_start3A_18 : memref<1x80x128xi32, #tpu.memory_space<hbm>> -> memref<80x128xi32, #tpu.memory_space<hbm>>
      %dma_start3A_20 = arith.constant 0 : i32
      %dma_start3A_21 = arith.constant 0 : i32
      %dma_start3A_22 = tpu.memref_slice %arg2[%add3A, %dma_start3A_20, %dma_start3A_21] : memref<32x80x128xi32, #tpu.memory_space<hbm>> -> memref<1x80x128xi32, #tpu.memory_space<hbm>>
      %dma_start3A_23 = tpu.memref_squeeze %dma_start3A_22 : memref<1x80x128xi32, #tpu.memory_space<hbm>> -> memref<80x128xi32, #tpu.memory_space<hbm>>
      tpu.enqueue_dma source(%dma_start3A_23 : memref<80x128xi32, #tpu.memory_space<hbm>>) target(%arg4 : memref<80x128xi32, #tpu.memory_space<vmem>>) target_semaphore(%run_scoped3A : memref<!tpu.dma_semaphore, #tpu.memory_space<semaphore_mem>>)
      %dma_wait3A = arith.constant 0 : i32
      %dma_wait3A_24 = arith.constant 0 : i32
      %dma_wait3A_25 = tpu.memref_slice %arg2[%add3A, %dma_wait3A, %dma_wait3A_24] : memref<32x80x128xi32, #tpu.memory_space<hbm>> -> memref<1x80x128xi32, #tpu.memory_space<hbm>>
      %dma_wait3A_26 = tpu.memref_squeeze %dma_wait3A_25 : memref<1x80x128xi32, #tpu.memory_space<hbm>> -> memref<80x128xi32, #tpu.memory_space<hbm>>
      %dma_wait3A_27 = arith.constant 0 : i32
      %dma_wait3A_28 = arith.constant 0 : i32
      %dma_wait3A_29 = tpu.memref_slice %arg2[%add3A, %dma_wait3A_27, %dma_wait3A_28] : memref<32x80x128xi32, #tpu.memory_space<hbm>> -> memref<1x80x128xi32, #tpu.memory_space<hbm>>
      %dma_wait3A_30 = tpu.memref_squeeze %dma_wait3A_29 : memref<1x80x128xi32, #tpu.memory_space<hbm>> -> memref<80x128xi32, #tpu.memory_space<hbm>>
      tpu.wait_dma2 semaphore(%run_scoped3A : memref<!tpu.dma_semaphore, #tpu.memory_space<semaphore_mem>>) src(%dma_wait3A_30 : memref<80x128xi32, #tpu.memory_space<hbm>>) dst(%arg4 : memref<80x128xi32, #tpu.memory_space<vmem>>)
      tpu.yield
    }) : () -> ()
    %broadcast_in_dim3A = arith.constant 0.000000e+00 : f32
    %broadcast_in_dim3A_1 = vector.broadcast %broadcast_in_dim3A : f32 to vector<16xf32>
    %scan3A = arith.constant 0 : i32
    %scan3A_2 = arith.constant 0 : i32
    %scan3A_3 = arith.constant 632 : i32
    %scan3A_4 = arith.addi %scan3A_2, %scan3A_3 : i32
    %scan3A_5 = arith.constant 1 : i32
    scf.for %scan3A_17 = %scan3A_2 to %scan3A_4 step %scan3A_5  : i32 {
      %mul3A_18 = arith.constant 16 : i32
      %mul3A_19 = arith.muli %scan3A_17, %mul3A_18 : i32
      %swap3A = arith.index_cast %mul3A_19 : i32 to index
      %swap3A_20 = tpu.vector_load %arg5[%swap3A] {strides = array<i32>} : memref<10112xf32, #tpu.memory_space<vmem>>, vector<16xf32>,
      tpu.vector_store %arg5[%swap3A], %broadcast_in_dim3A_1 {strides = array<i32>} : memref<10112xf32, #tpu.memory_space<vmem>>, vector<16xf32>,
    }
    %scan3A_6 = arith.constant 632 : i32
    %broadcast_in_dim3A_7 = arith.constant 1.000000e+00 : f32
    %broadcast_in_dim3A_8 = vector.broadcast %broadcast_in_dim3A_7 : f32 to vector<16xf32>
    %scan3A_9 = arith.constant 0 : i32
    %scan3A_10 = arith.constant 0 : i32
    %scan3A_11 = arith.constant 80 : i32
    %scan3A_12 = arith.addi %scan3A_10, %scan3A_11 : i32
    %scan3A_13 = arith.constant 1 : i32
    scf.for %scan3A_17 = %scan3A_10 to %scan3A_12 step %scan3A_13  : i32 {
      %get3A = arith.index_cast %scan3A_17 : i32 to index
      %get3A_18 = arith.constant 0 : index
      %get3A_19 = tpu.vector_load %arg4[%get3A, %get3A_18] {strides = array<i32>} : memref<80x128xi32, #tpu.memory_space<vmem>>, vector<16xi32>,
      tpu.vector_store_idx %arg5[%get3A_19], %broadcast_in_dim3A_8 {add = true} : memref<10112xf32, #tpu.memory_space<vmem>>[vector<16xi32>], vector<16xf32>,
      %get3A_20 = arith.index_cast %scan3A_17 : i32 to index
      %get3A_21 = arith.constant 16 : index
      %get3A_22 = tpu.vector_load %arg4[%get3A_20, %get3A_21] {strides = array<i32>} : memref<80x128xi32, #tpu.memory_space<vmem>>, vector<16xi32>,
      tpu.vector_store_idx %arg5[%get3A_22], %broadcast_in_dim3A_8 {add = true} : memref<10112xf32, #tpu.memory_space<vmem>>[vector<16xi32>], vector<16xf32>,
      %get3A_23 = arith.index_cast %scan3A_17 : i32 to index
      %get3A_24 = arith.constant 32 : index
      %get3A_25 = tpu.vector_load %arg4[%get3A_23, %get3A_24] {strides = array<i32>} : memref<80x128xi32, #tpu.memory_space<vmem>>, vector<16xi32>,
      tpu.vector_store_idx %arg5[%get3A_25], %broadcast_in_dim3A_8 {add = true} : memref<10112xf32, #tpu.memory_space<vmem>>[vector<16xi32>], vector<16xf32>,
      %get3A_26 = arith.index_cast %scan3A_17 : i32 to index
      %get3A_27 = arith.constant 48 : index
      %get3A_28 = tpu.vector_load %arg4[%get3A_26, %get3A_27] {strides = array<i32>} : memref<80x128xi32, #tpu.memory_space<vmem>>, vector<16xi32>,
      tpu.vector_store_idx %arg5[%get3A_28], %broadcast_in_dim3A_8 {add = true} : memref<10112xf32, #tpu.memory_space<vmem>>[vector<16xi32>], vector<16xf32>,
      %get3A_29 = arith.index_cast %scan3A_17 : i32 to index
      %get3A_30 = arith.constant 64 : index
      %get3A_31 = tpu.vector_load %arg4[%get3A_29, %get3A_30] {strides = array<i32>} : memref<80x128xi32, #tpu.memory_space<vmem>>, vector<16xi32>,
      tpu.vector_store_idx %arg5[%get3A_31], %broadcast_in_dim3A_8 {add = true} : memref<10112xf32, #tpu.memory_space<vmem>>[vector<16xi32>], vector<16xf32>,
      %get3A_32 = arith.index_cast %scan3A_17 : i32 to index
      %get3A_33 = arith.constant 80 : index
      %get3A_34 = tpu.vector_load %arg4[%get3A_32, %get3A_33] {strides = array<i32>} : memref<80x128xi32, #tpu.memory_space<vmem>>, vector<16xi32>,
      tpu.vector_store_idx %arg5[%get3A_34], %broadcast_in_dim3A_8 {add = true} : memref<10112xf32, #tpu.memory_space<vmem>>[vector<16xi32>], vector<16xf32>,
      %get3A_35 = arith.index_cast %scan3A_17 : i32 to index
      %get3A_36 = arith.constant 96 : index
      %get3A_37 = tpu.vector_load %arg4[%get3A_35, %get3A_36] {strides = array<i32>} : memref<80x128xi32, #tpu.memory_space<vmem>>, vector<16xi32>,
      tpu.vector_store_idx %arg5[%get3A_37], %broadcast_in_dim3A_8 {add = true} : memref<10112xf32, #tpu.memory_space<vmem>>[vector<16xi32>], vector<16xf32>,
      %get3A_38 = arith.index_cast %scan3A_17 : i32 to index
      %get3A_39 = arith.constant 112 : index
      %get3A_40 = tpu.vector_load %arg4[%get3A_38, %get3A_39] {strides = array<i32>} : memref<80x128xi32, #tpu.memory_space<vmem>>, vector<16xi32>,
      tpu.vector_store_idx %arg5[%get3A_40], %broadcast_in_dim3A_8 {add = true} : memref<10112xf32, #tpu.memory_space<vmem>>[vector<16xi32>], vector<16xf32>,
    }
    %scan3A_14 = arith.constant 80 : i32
    %mul3A_15 = arith.constant 10112 : i32
    %mul3A_16 = arith.muli %add3A, %mul3A_15 : i32
    "tpu.region"() ({
      %run_scoped3A = tpu.sem_alloc : memref<!tpu.dma_semaphore, #tpu.memory_space<semaphore_mem>>
      %dma_start3A = tpu.memref_slice %arg3[%mul3A_16] : memref<323584xf32, #tpu.memory_space<hbm>> -> memref<10112xf32, #tpu.memory_space<hbm>>
      %dma_start3A_17 = tpu.memref_slice %arg3[%mul3A_16] : memref<323584xf32, #tpu.memory_space<hbm>> -> memref<10112xf32, #tpu.memory_space<hbm>>
      tpu.enqueue_dma source(%arg5 : memref<10112xf32, #tpu.memory_space<vmem>>) target(%dma_start3A_17 : memref<10112xf32, #tpu.memory_space<hbm>>) target_semaphore(%run_scoped3A : memref<!tpu.dma_semaphore, #tpu.memory_space<semaphore_mem>>)
      %dma_wait3A = tpu.memref_slice %arg3[%mul3A_16] : memref<323584xf32, #tpu.memory_space<hbm>> -> memref<10112xf32, #tpu.memory_space<hbm>>
      %dma_wait3A_18 = tpu.memref_slice %arg3[%mul3A_16] : memref<323584xf32, #tpu.memory_space<hbm>> -> memref<10112xf32, #tpu.memory_space<hbm>>
      tpu.wait_dma2 semaphore(%run_scoped3A : memref<!tpu.dma_semaphore, #tpu.memory_space<semaphore_mem>>) src(%arg5 : memref<10112xf32, #tpu.memory_space<vmem>>) dst(%dma_wait3A_18 : memref<10112xf32, #tpu.memory_space<hbm>>)
      tpu.yield
    }) : () -> ()
    return
  }
}

#map = affine_map<(d0, d1) -> (0, 0)>
#map1 = affine_map<(d0, d1) -> (0, 0, 0)>
module attributes {stable_mosaic.version = 14 : i64} {
  func.func @edge_kernel(%arg0: i32, %arg1: i32, %arg2: memref<10000x128xf32, #tpu.memory_space<hbm>>, %arg3: memref<32x10240xi32, #tpu.memory_space<hbm>>, %arg4: memref<32x80x128xi32, #tpu.memory_space<hbm>>, %arg5: memref<2x10112x128xf32, #tpu.memory_space<hbm>>, %arg6: memref<10240xi32, #tpu.memory_space<vmem>>, %arg7: memref<2x128xi32, #tpu.memory_space<vmem>>, %arg8: memref<2x128x128xf32, #tpu.memory_space<vmem>>, %arg9: memref<10112x128xf32, #tpu.memory_space<vmem_shared>>, %arg10: memref<!tpu.dma_semaphore, #tpu.memory_space<semaphore_mem>>, %arg11: memref<!tpu.dma_semaphore, #tpu.memory_space<semaphore_mem>>, %arg12: memref<!tpu.dma_semaphore, #tpu.memory_space<semaphore_mem>>, %arg13: memref<!tpu.dma_semaphore, #tpu.memory_space<semaphore_mem>>, %arg14: memref<!tpu.dma_semaphore, #tpu.memory_space<semaphore_mem>>, %arg15: memref<!tpu.dma_semaphore, #tpu.memory_space<semaphore_mem>>) attributes {dimension_semantics = [#tpu.dimension_semantics<core_parallel>, #tpu.dimension_semantics<subcore_parallel>], iteration_bounds = array<i64: 2, 16>, scalar_prefetch = 0 : i64, scratch_operands = 10 : i64, tpu.core_type = #tpu.core_type<sc_vector_subcore>, window_params = [{transform_indices = #map}, {transform_indices = #map}, {transform_indices = #map1}, {transform_indices = #map1}]} {
    %mul3A = arith.constant 16 : i32
    %mul3A_0 = arith.muli %arg0, %mul3A : i32
    %add3A = arith.addi %mul3A_0, %arg1 : i32
    "tpu.region"() ({
      %run_scoped3A_251 = tpu.sem_alloc : memref<!tpu.dma_semaphore, #tpu.memory_space<semaphore_mem>>
      %dma_start3A_252 = arith.constant 0 : i32
      %dma_start3A_253 = tpu.memref_slice %arg3[%add3A, %dma_start3A_252] : memref<32x10240xi32, #tpu.memory_space<hbm>> -> memref<1x10240xi32, #tpu.memory_space<hbm>>
      %dma_start3A_254 = tpu.memref_squeeze %dma_start3A_253 : memref<1x10240xi32, #tpu.memory_space<hbm>> -> memref<10240xi32, #tpu.memory_space<hbm>>
      %dma_start3A_255 = arith.constant 0 : i32
      %dma_start3A_256 = tpu.memref_slice %arg3[%add3A, %dma_start3A_255] : memref<32x10240xi32, #tpu.memory_space<hbm>> -> memref<1x10240xi32, #tpu.memory_space<hbm>>
      %dma_start3A_257 = tpu.memref_squeeze %dma_start3A_256 : memref<1x10240xi32, #tpu.memory_space<hbm>> -> memref<10240xi32, #tpu.memory_space<hbm>>
      tpu.enqueue_dma source(%dma_start3A_257 : memref<10240xi32, #tpu.memory_space<hbm>>) target(%arg6 : memref<10240xi32, #tpu.memory_space<vmem>>) target_semaphore(%run_scoped3A_251 : memref<!tpu.dma_semaphore, #tpu.memory_space<semaphore_mem>>)
      %dma_wait3A_258 = arith.constant 0 : i32
      %dma_wait3A_259 = tpu.memref_slice %arg3[%add3A, %dma_wait3A_258] : memref<32x10240xi32, #tpu.memory_space<hbm>> -> memref<1x10240xi32, #tpu.memory_space<hbm>>
      %dma_wait3A_260 = tpu.memref_squeeze %dma_wait3A_259 : memref<1x10240xi32, #tpu.memory_space<hbm>> -> memref<10240xi32, #tpu.memory_space<hbm>>
      %dma_wait3A_261 = arith.constant 0 : i32
      %dma_wait3A_262 = tpu.memref_slice %arg3[%add3A, %dma_wait3A_261] : memref<32x10240xi32, #tpu.memory_space<hbm>> -> memref<1x10240xi32, #tpu.memory_space<hbm>>
      %dma_wait3A_263 = tpu.memref_squeeze %dma_wait3A_262 : memref<1x10240xi32, #tpu.memory_space<hbm>> -> memref<10240xi32, #tpu.memory_space<hbm>>
      tpu.wait_dma2 semaphore(%run_scoped3A_251 : memref<!tpu.dma_semaphore, #tpu.memory_space<semaphore_mem>>) src(%dma_wait3A_263 : memref<10240xi32, #tpu.memory_space<hbm>>) dst(%arg6 : memref<10240xi32, #tpu.memory_space<vmem>>)
      tpu.yield
    }) : () -> ()
    %dma_start3A = arith.constant 0 : i32
    %dma_start3A_1 = arith.constant 0 : i32
    %dma_start3A_2 = arith.constant 0 : i32
    %dma_start3A_3 = tpu.memref_slice %arg8[%dma_start3A, %dma_start3A_1, %dma_start3A_2] : memref<2x128x128xf32, #tpu.memory_space<vmem>> -> memref<1x128x128xf32, #tpu.memory_space<vmem>>
    %dma_start3A_4 = tpu.memref_squeeze %dma_start3A_3 : memref<1x128x128xf32, #tpu.memory_space<vmem>> -> memref<128x128xf32, #tpu.memory_space<vmem>>
    %dma_start3A_5 = arith.constant 0 : i32
    %dma_start3A_6 = tpu.memref_slice %arg6[%dma_start3A_5] : memref<10240xi32, #tpu.memory_space<vmem>> -> memref<128xi32, #tpu.memory_space<vmem>>
    %dma_start3A_7 = arith.constant 0 : i32
    %dma_start3A_8 = arith.constant 0 : i32
    %dma_start3A_9 = tpu.memref_slice %arg2[%dma_start3A_7, %dma_start3A_8] : memref<10000x128xf32, #tpu.memory_space<hbm>> -> memref<10000x128xf32, #tpu.memory_space<hbm>>
    tpu.enqueue_indirect_dma source(%dma_start3A_9 : memref<10000x128xf32, #tpu.memory_space<hbm>>) target(%dma_start3A_4 : memref<128x128xf32, #tpu.memory_space<vmem>>) offsets(%dma_start3A_6 : memref<128xi32, #tpu.memory_space<vmem>>) semaphore(%arg10 : memref<!tpu.dma_semaphore, #tpu.memory_space<semaphore_mem>>)
    %dma_start3A_10 = arith.constant 0 : i32
    %dma_start3A_11 = arith.constant 0 : i32
    %dma_start3A_12 = arith.constant 0 : i32
    %dma_start3A_13 = tpu.memref_slice %arg7[%dma_start3A_11, %dma_start3A_12] : memref<2x128xi32, #tpu.memory_space<vmem>> -> memref<1x128xi32, #tpu.memory_space<vmem>>
    %dma_start3A_14 = tpu.memref_squeeze %dma_start3A_13 : memref<1x128xi32, #tpu.memory_space<vmem>> -> memref<128xi32, #tpu.memory_space<vmem>>
    %dma_start3A_15 = arith.constant 0 : i32
    %dma_start3A_16 = tpu.memref_slice %arg4[%add3A, %dma_start3A_10, %dma_start3A_15] : memref<32x80x128xi32, #tpu.memory_space<hbm>> -> memref<1x1x128xi32, #tpu.memory_space<hbm>>
    %dma_start3A_17 = tpu.memref_squeeze %dma_start3A_16 : memref<1x1x128xi32, #tpu.memory_space<hbm>> -> memref<128xi32, #tpu.memory_space<hbm>>
    %dma_start3A_18 = arith.constant 0 : i32
    %dma_start3A_19 = tpu.memref_slice %arg7[%dma_start3A_11, %dma_start3A_18] : memref<2x128xi32, #tpu.memory_space<vmem>> -> memref<1x128xi32, #tpu.memory_space<vmem>>
    %dma_start3A_20 = tpu.memref_squeeze %dma_start3A_19 : memref<1x128xi32, #tpu.memory_space<vmem>> -> memref<128xi32, #tpu.memory_space<vmem>>
    %dma_start3A_21 = arith.constant 0 : i32
    %dma_start3A_22 = tpu.memref_slice %arg4[%add3A, %dma_start3A_10, %dma_start3A_21] : memref<32x80x128xi32, #tpu.memory_space<hbm>> -> memref<1x1x128xi32, #tpu.memory_space<hbm>>
    %dma_start3A_23 = tpu.memref_squeeze %dma_start3A_22 : memref<1x1x128xi32, #tpu.memory_space<hbm>> -> memref<128xi32, #tpu.memory_space<hbm>>
    tpu.enqueue_dma source(%dma_start3A_23 : memref<128xi32, #tpu.memory_space<hbm>>) target(%dma_start3A_20 : memref<128xi32, #tpu.memory_space<vmem>>) target_semaphore(%arg14 : memref<!tpu.dma_semaphore, #tpu.memory_space<semaphore_mem>>)
    %dma_start3A_24 = arith.constant 1 : i32
    %dma_start3A_25 = arith.constant 1 : i32
    %dma_start3A_26 = arith.constant 0 : i32
    %dma_start3A_27 = tpu.memref_slice %arg7[%dma_start3A_25, %dma_start3A_26] : memref<2x128xi32, #tpu.memory_space<vmem>> -> memref<1x128xi32, #tpu.memory_space<vmem>>
    %dma_start3A_28 = tpu.memref_squeeze %dma_start3A_27 : memref<1x128xi32, #tpu.memory_space<vmem>> -> memref<128xi32, #tpu.memory_space<vmem>>
    %dma_start3A_29 = arith.constant 0 : i32
    %dma_start3A_30 = tpu.memref_slice %arg4[%add3A, %dma_start3A_24, %dma_start3A_29] : memref<32x80x128xi32, #tpu.memory_space<hbm>> -> memref<1x1x128xi32, #tpu.memory_space<hbm>>
    %dma_start3A_31 = tpu.memref_squeeze %dma_start3A_30 : memref<1x1x128xi32, #tpu.memory_space<hbm>> -> memref<128xi32, #tpu.memory_space<hbm>>
    %dma_start3A_32 = arith.constant 0 : i32
    %dma_start3A_33 = tpu.memref_slice %arg7[%dma_start3A_25, %dma_start3A_32] : memref<2x128xi32, #tpu.memory_space<vmem>> -> memref<1x128xi32, #tpu.memory_space<vmem>>
    %dma_start3A_34 = tpu.memref_squeeze %dma_start3A_33 : memref<1x128xi32, #tpu.memory_space<vmem>> -> memref<128xi32, #tpu.memory_space<vmem>>
    %dma_start3A_35 = arith.constant 0 : i32
    %dma_start3A_36 = tpu.memref_slice %arg4[%add3A, %dma_start3A_24, %dma_start3A_35] : memref<32x80x128xi32, #tpu.memory_space<hbm>> -> memref<1x1x128xi32, #tpu.memory_space<hbm>>
    %dma_start3A_37 = tpu.memref_squeeze %dma_start3A_36 : memref<1x1x128xi32, #tpu.memory_space<hbm>> -> memref<128xi32, #tpu.memory_space<hbm>>
    tpu.enqueue_dma source(%dma_start3A_37 : memref<128xi32, #tpu.memory_space<hbm>>) target(%dma_start3A_34 : memref<128xi32, #tpu.memory_space<vmem>>) target_semaphore(%arg15 : memref<!tpu.dma_semaphore, #tpu.memory_space<semaphore_mem>>)
    %broadcast_in_dim3A = arith.constant 0.000000e+00 : f32
    %broadcast_in_dim3A_38 = vector.broadcast %broadcast_in_dim3A : f32 to vector<16xf32>
    %scan3A = arith.constant 0 : i32
    %scan3A_39 = arith.constant 0 : i32
    %scan3A_40 = arith.constant 1024 : i32
    %scan3A_41 = arith.addi %scan3A_39, %scan3A_40 : i32
    %scan3A_42 = arith.constant 1 : i32
    scf.for %scan3A_251 = %scan3A_39 to %scan3A_41 step %scan3A_42  : i32 {
      %jit3A = arith.constant 8 : i32
      %div3A = arith.divsi %scan3A_251, %jit3A : i32
      %sign3A = arith.constant 0 : i32
      %sign3A_252 = arith.cmpi sgt, %scan3A_251, %sign3A : i32
      %sign3A_253 = arith.extui %sign3A_252 : i1 to i32
      %sign3A_254 = arith.constant 0 : i32
      %sign3A_255 = arith.cmpi slt, %scan3A_251, %sign3A_254 : i32
      %sign3A_256 = arith.extui %sign3A_255 : i1 to i32
      %sign3A_257 = arith.subi %sign3A_253, %sign3A_256 : i32
      %sign3A_258 = arith.constant 0 : i32
      %sign3A_259 = arith.cmpi sgt, %jit3A, %sign3A_258 : i32
      %sign3A_260 = arith.extui %sign3A_259 : i1 to i32
      %sign3A_261 = arith.constant 0 : i32
      %sign3A_262 = arith.cmpi slt, %jit3A, %sign3A_261 : i32
      %sign3A_263 = arith.extui %sign3A_262 : i1 to i32
      %sign3A_264 = arith.subi %sign3A_260, %sign3A_263 : i32
      %ne3A = arith.cmpi ne, %sign3A_257, %sign3A_264 : i32
      %rem3A = arith.remsi %scan3A_251, %jit3A : i32
      %ne3A_265 = arith.constant 0 : i32
      %ne3A_266 = arith.cmpi ne, %rem3A, %ne3A_265 : i32
      %and3A = arith.andi %ne3A, %ne3A_266 : i1
      %sub3A = arith.constant 1 : i32
      %sub3A_267 = arith.subi %div3A, %sub3A : i32
      %select_n3A = arith.select %and3A, %sub3A_267, %div3A : i32
      %rem3A_268 = arith.constant 8 : i32
      %rem3A_269 = arith.remsi %scan3A_251, %rem3A_268 : i32
      %mul3A_270 = arith.constant 16 : i32
      %mul3A_271 = arith.muli %rem3A_269, %mul3A_270 : i32
      %swap3A = arith.constant 1 : i32
      %swap3A_272 = arith.index_cast %swap3A : i32 to index
      %swap3A_273 = arith.index_cast %select_n3A : i32 to index
      %swap3A_274 = arith.index_cast %mul3A_271 : i32 to index
      %swap3A_275 = tpu.vector_load %arg8[%swap3A_272, %swap3A_273, %swap3A_274] {strides = array<i32>} : memref<2x128x128xf32, #tpu.memory_space<vmem>>, vector<16xf32>,
      tpu.vector_store %arg8[%swap3A_272, %swap3A_273, %swap3A_274], %broadcast_in_dim3A_38 {strides = array<i32>} : memref<2x128x128xf32, #tpu.memory_space<vmem>>, vector<16xf32>,
    }
    %scan3A_43 = arith.constant 1024 : i32
    %mul3A_44 = arith.constant 632 : i32
    %mul3A_45 = arith.muli %arg1, %mul3A_44 : i32
    %add3A_46 = arith.constant 0 : i32
    %add3A_47 = arith.addi %mul3A_45, %add3A_46 : i32
    %run_scoped3A = arith.constant 1 : i32
    "tpu.region"() ({
      %run_scoped3A_251 = tpu.sem_alloc : memref<!tpu.dma_semaphore, #tpu.memory_space<semaphore_mem>>
      %dma_start3A_252 = arith.constant 0 : i32
      %dma_start3A_253 = arith.constant 0 : i32
      %dma_start3A_254 = tpu.memref_slice %arg8[%run_scoped3A, %dma_start3A_252, %dma_start3A_253] : memref<2x128x128xf32, #tpu.memory_space<vmem>> -> memref<1x128x128xf32, #tpu.memory_space<vmem>>
      %dma_start3A_255 = tpu.memref_squeeze %dma_start3A_254 : memref<1x128x128xf32, #tpu.memory_space<vmem>> -> memref<128x128xf32, #tpu.memory_space<vmem>>
      %dma_start3A_256 = arith.constant 0 : i32
      %dma_start3A_257 = tpu.memref_slice %arg9[%add3A_47, %dma_start3A_256] : memref<10112x128xf32, #tpu.memory_space<vmem_shared>> -> memref<128x128xf32, #tpu.memory_space<vmem_shared>>
      %dma_start3A_258 = arith.constant 0 : i32
      %dma_start3A_259 = tpu.memref_slice %arg9[%add3A_47, %dma_start3A_258] : memref<10112x128xf32, #tpu.memory_space<vmem_shared>> -> memref<128x128xf32, #tpu.memory_space<vmem_shared>>
      %dma_start3A_260 = arith.constant 0 : i32
      %dma_start3A_261 = arith.constant 0 : i32
      %dma_start3A_262 = tpu.memref_slice %arg8[%run_scoped3A, %dma_start3A_260, %dma_start3A_261] : memref<2x128x128xf32, #tpu.memory_space<vmem>> -> memref<1x128x128xf32, #tpu.memory_space<vmem>>
      %dma_start3A_263 = tpu.memref_squeeze %dma_start3A_262 : memref<1x128x128xf32, #tpu.memory_space<vmem>> -> memref<128x128xf32, #tpu.memory_space<vmem>>
      tpu.enqueue_dma source(%dma_start3A_263 : memref<128x128xf32, #tpu.memory_space<vmem>>) target(%dma_start3A_259 : memref<128x128xf32, #tpu.memory_space<vmem_shared>>) target_semaphore(%run_scoped3A_251 : memref<!tpu.dma_semaphore, #tpu.memory_space<semaphore_mem>>)
      %dma_wait3A_264 = arith.constant 0 : i32
      %dma_wait3A_265 = arith.constant 0 : i32
      %dma_wait3A_266 = tpu.memref_slice %arg8[%run_scoped3A, %dma_wait3A_264, %dma_wait3A_265] : memref<2x128x128xf32, #tpu.memory_space<vmem>> -> memref<1x128x128xf32, #tpu.memory_space<vmem>>
      %dma_wait3A_267 = tpu.memref_squeeze %dma_wait3A_266 : memref<1x128x128xf32, #tpu.memory_space<vmem>> -> memref<128x128xf32, #tpu.memory_space<vmem>>
      %dma_wait3A_268 = arith.constant 0 : i32
      %dma_wait3A_269 = tpu.memref_slice %arg9[%add3A_47, %dma_wait3A_268] : memref<10112x128xf32, #tpu.memory_space<vmem_shared>> -> memref<128x128xf32, #tpu.memory_space<vmem_shared>>
      %dma_wait3A_270 = arith.constant 0 : i32
      %dma_wait3A_271 = tpu.memref_slice %arg9[%add3A_47, %dma_wait3A_270] : memref<10112x128xf32, #tpu.memory_space<vmem_shared>> -> memref<128x128xf32, #tpu.memory_space<vmem_shared>>
      %dma_wait3A_272 = arith.constant 0 : i32
      %dma_wait3A_273 = arith.constant 0 : i32
      %dma_wait3A_274 = tpu.memref_slice %arg8[%run_scoped3A, %dma_wait3A_272, %dma_wait3A_273] : memref<2x128x128xf32, #tpu.memory_space<vmem>> -> memref<1x128x128xf32, #tpu.memory_space<vmem>>
      %dma_wait3A_275 = tpu.memref_squeeze %dma_wait3A_274 : memref<1x128x128xf32, #tpu.memory_space<vmem>> -> memref<128x128xf32, #tpu.memory_space<vmem>>
      tpu.wait_dma2 semaphore(%run_scoped3A_251 : memref<!tpu.dma_semaphore, #tpu.memory_space<semaphore_mem>>) src(%dma_wait3A_275 : memref<128x128xf32, #tpu.memory_space<vmem>>) dst(%dma_wait3A_271 : memref<128x128xf32, #tpu.memory_space<vmem_shared>>)
      tpu.yield
    }) : () -> ()
    %add3A_48 = arith.constant 128 : i32
    %add3A_49 = arith.addi %mul3A_45, %add3A_48 : i32
    %run_scoped3A_50 = arith.constant 1 : i32
    "tpu.region"() ({
      %run_scoped3A_251 = tpu.sem_alloc : memref<!tpu.dma_semaphore, #tpu.memory_space<semaphore_mem>>
      %dma_start3A_252 = arith.constant 0 : i32
      %dma_start3A_253 = arith.constant 0 : i32
      %dma_start3A_254 = tpu.memref_slice %arg8[%run_scoped3A_50, %dma_start3A_252, %dma_start3A_253] : memref<2x128x128xf32, #tpu.memory_space<vmem>> -> memref<1x128x128xf32, #tpu.memory_space<vmem>>
      %dma_start3A_255 = tpu.memref_squeeze %dma_start3A_254 : memref<1x128x128xf32, #tpu.memory_space<vmem>> -> memref<128x128xf32, #tpu.memory_space<vmem>>
      %dma_start3A_256 = arith.constant 0 : i32
      %dma_start3A_257 = tpu.memref_slice %arg9[%add3A_49, %dma_start3A_256] : memref<10112x128xf32, #tpu.memory_space<vmem_shared>> -> memref<128x128xf32, #tpu.memory_space<vmem_shared>>
      %dma_start3A_258 = arith.constant 0 : i32
      %dma_start3A_259 = tpu.memref_slice %arg9[%add3A_49, %dma_start3A_258] : memref<10112x128xf32, #tpu.memory_space<vmem_shared>> -> memref<128x128xf32, #tpu.memory_space<vmem_shared>>
      %dma_start3A_260 = arith.constant 0 : i32
      %dma_start3A_261 = arith.constant 0 : i32
      %dma_start3A_262 = tpu.memref_slice %arg8[%run_scoped3A_50, %dma_start3A_260, %dma_start3A_261] : memref<2x128x128xf32, #tpu.memory_space<vmem>> -> memref<1x128x128xf32, #tpu.memory_space<vmem>>
      %dma_start3A_263 = tpu.memref_squeeze %dma_start3A_262 : memref<1x128x128xf32, #tpu.memory_space<vmem>> -> memref<128x128xf32, #tpu.memory_space<vmem>>
      tpu.enqueue_dma source(%dma_start3A_263 : memref<128x128xf32, #tpu.memory_space<vmem>>) target(%dma_start3A_259 : memref<128x128xf32, #tpu.memory_space<vmem_shared>>) target_semaphore(%run_scoped3A_251 : memref<!tpu.dma_semaphore, #tpu.memory_space<semaphore_mem>>)
      %dma_wait3A_264 = arith.constant 0 : i32
      %dma_wait3A_265 = arith.constant 0 : i32
      %dma_wait3A_266 = tpu.memref_slice %arg8[%run_scoped3A_50, %dma_wait3A_264, %dma_wait3A_265] : memref<2x128x128xf32, #tpu.memory_space<vmem>> -> memref<1x128x128xf32, #tpu.memory_space<vmem>>
      %dma_wait3A_267 = tpu.memref_squeeze %dma_wait3A_266 : memref<1x128x128xf32, #tpu.memory_space<vmem>> -> memref<128x128xf32, #tpu.memory_space<vmem>>
      %dma_wait3A_268 = arith.constant 0 : i32
      %dma_wait3A_269 = tpu.memref_slice %arg9[%add3A_49, %dma_wait3A_268] : memref<10112x128xf32, #tpu.memory_space<vmem_shared>> -> memref<128x128xf32, #tpu.memory_space<vmem_shared>>
      %dma_wait3A_270 = arith.constant 0 : i32
      %dma_wait3A_271 = tpu.memref_slice %arg9[%add3A_49, %dma_wait3A_270] : memref<10112x128xf32, #tpu.memory_space<vmem_shared>> -> memref<128x128xf32, #tpu.memory_space<vmem_shared>>
      %dma_wait3A_272 = arith.constant 0 : i32
      %dma_wait3A_273 = arith.constant 0 : i32
      %dma_wait3A_274 = tpu.memref_slice %arg8[%run_scoped3A_50, %dma_wait3A_272, %dma_wait3A_273] : memref<2x128x128xf32, #tpu.memory_space<vmem>> -> memref<1x128x128xf32, #tpu.memory_space<vmem>>
      %dma_wait3A_275 = tpu.memref_squeeze %dma_wait3A_274 : memref<1x128x128xf32, #tpu.memory_space<vmem>> -> memref<128x128xf32, #tpu.memory_space<vmem>>
      tpu.wait_dma2 semaphore(%run_scoped3A_251 : memref<!tpu.dma_semaphore, #tpu.memory_space<semaphore_mem>>) src(%dma_wait3A_275 : memref<128x128xf32, #tpu.memory_space<vmem>>) dst(%dma_wait3A_271 : memref<128x128xf32, #tpu.memory_space<vmem_shared>>)
      tpu.yield
    }) : () -> ()
    %add3A_51 = arith.constant 256 : i32
    %add3A_52 = arith.addi %mul3A_45, %add3A_51 : i32
    %run_scoped3A_53 = arith.constant 1 : i32
    "tpu.region"() ({
      %run_scoped3A_251 = tpu.sem_alloc : memref<!tpu.dma_semaphore, #tpu.memory_space<semaphore_mem>>
      %dma_start3A_252 = arith.constant 0 : i32
      %dma_start3A_253 = arith.constant 0 : i32
      %dma_start3A_254 = tpu.memref_slice %arg8[%run_scoped3A_53, %dma_start3A_252, %dma_start3A_253] : memref<2x128x128xf32, #tpu.memory_space<vmem>> -> memref<1x128x128xf32, #tpu.memory_space<vmem>>
      %dma_start3A_255 = tpu.memref_squeeze %dma_start3A_254 : memref<1x128x128xf32, #tpu.memory_space<vmem>> -> memref<128x128xf32, #tpu.memory_space<vmem>>
      %dma_start3A_256 = arith.constant 0 : i32
      %dma_start3A_257 = tpu.memref_slice %arg9[%add3A_52, %dma_start3A_256] : memref<10112x128xf32, #tpu.memory_space<vmem_shared>> -> memref<128x128xf32, #tpu.memory_space<vmem_shared>>
      %dma_start3A_258 = arith.constant 0 : i32
      %dma_start3A_259 = tpu.memref_slice %arg9[%add3A_52, %dma_start3A_258] : memref<10112x128xf32, #tpu.memory_space<vmem_shared>> -> memref<128x128xf32, #tpu.memory_space<vmem_shared>>
      %dma_start3A_260 = arith.constant 0 : i32
      %dma_start3A_261 = arith.constant 0 : i32
      %dma_start3A_262 = tpu.memref_slice %arg8[%run_scoped3A_53, %dma_start3A_260, %dma_start3A_261] : memref<2x128x128xf32, #tpu.memory_space<vmem>> -> memref<1x128x128xf32, #tpu.memory_space<vmem>>
      %dma_start3A_263 = tpu.memref_squeeze %dma_start3A_262 : memref<1x128x128xf32, #tpu.memory_space<vmem>> -> memref<128x128xf32, #tpu.memory_space<vmem>>
      tpu.enqueue_dma source(%dma_start3A_263 : memref<128x128xf32, #tpu.memory_space<vmem>>) target(%dma_start3A_259 : memref<128x128xf32, #tpu.memory_space<vmem_shared>>) target_semaphore(%run_scoped3A_251 : memref<!tpu.dma_semaphore, #tpu.memory_space<semaphore_mem>>)
      %dma_wait3A_264 = arith.constant 0 : i32
      %dma_wait3A_265 = arith.constant 0 : i32
      %dma_wait3A_266 = tpu.memref_slice %arg8[%run_scoped3A_53, %dma_wait3A_264, %dma_wait3A_265] : memref<2x128x128xf32, #tpu.memory_space<vmem>> -> memref<1x128x128xf32, #tpu.memory_space<vmem>>
      %dma_wait3A_267 = tpu.memref_squeeze %dma_wait3A_266 : memref<1x128x128xf32, #tpu.memory_space<vmem>> -> memref<128x128xf32, #tpu.memory_space<vmem>>
      %dma_wait3A_268 = arith.constant 0 : i32
      %dma_wait3A_269 = tpu.memref_slice %arg9[%add3A_52, %dma_wait3A_268] : memref<10112x128xf32, #tpu.memory_space<vmem_shared>> -> memref<128x128xf32, #tpu.memory_space<vmem_shared>>
      %dma_wait3A_270 = arith.constant 0 : i32
      %dma_wait3A_271 = tpu.memref_slice %arg9[%add3A_52, %dma_wait3A_270] : memref<10112x128xf32, #tpu.memory_space<vmem_shared>> -> memref<128x128xf32, #tpu.memory_space<vmem_shared>>
      %dma_wait3A_272 = arith.constant 0 : i32
      %dma_wait3A_273 = arith.constant 0 : i32
      %dma_wait3A_274 = tpu.memref_slice %arg8[%run_scoped3A_53, %dma_wait3A_272, %dma_wait3A_273] : memref<2x128x128xf32, #tpu.memory_space<vmem>> -> memref<1x128x128xf32, #tpu.memory_space<vmem>>
      %dma_wait3A_275 = tpu.memref_squeeze %dma_wait3A_274 : memref<1x128x128xf32, #tpu.memory_space<vmem>> -> memref<128x128xf32, #tpu.memory_space<vmem>>
      tpu.wait_dma2 semaphore(%run_scoped3A_251 : memref<!tpu.dma_semaphore, #tpu.memory_space<semaphore_mem>>) src(%dma_wait3A_275 : memref<128x128xf32, #tpu.memory_space<vmem>>) dst(%dma_wait3A_271 : memref<128x128xf32, #tpu.memory_space<vmem_shared>>)
      tpu.yield
    }) : () -> ()
    %add3A_54 = arith.constant 384 : i32
    %add3A_55 = arith.addi %mul3A_45, %add3A_54 : i32
    %run_scoped3A_56 = arith.constant 1 : i32
    "tpu.region"() ({
      %run_scoped3A_251 = tpu.sem_alloc : memref<!tpu.dma_semaphore, #tpu.memory_space<semaphore_mem>>
      %dma_start3A_252 = arith.constant 0 : i32
      %dma_start3A_253 = arith.constant 0 : i32
      %dma_start3A_254 = tpu.memref_slice %arg8[%run_scoped3A_56, %dma_start3A_252, %dma_start3A_253] : memref<2x128x128xf32, #tpu.memory_space<vmem>> -> memref<1x128x128xf32, #tpu.memory_space<vmem>>
      %dma_start3A_255 = tpu.memref_squeeze %dma_start3A_254 : memref<1x128x128xf32, #tpu.memory_space<vmem>> -> memref<128x128xf32, #tpu.memory_space<vmem>>
      %dma_start3A_256 = arith.constant 0 : i32
      %dma_start3A_257 = tpu.memref_slice %arg9[%add3A_55, %dma_start3A_256] : memref<10112x128xf32, #tpu.memory_space<vmem_shared>> -> memref<128x128xf32, #tpu.memory_space<vmem_shared>>
      %dma_start3A_258 = arith.constant 0 : i32
      %dma_start3A_259 = tpu.memref_slice %arg9[%add3A_55, %dma_start3A_258] : memref<10112x128xf32, #tpu.memory_space<vmem_shared>> -> memref<128x128xf32, #tpu.memory_space<vmem_shared>>
      %dma_start3A_260 = arith.constant 0 : i32
      %dma_start3A_261 = arith.constant 0 : i32
      %dma_start3A_262 = tpu.memref_slice %arg8[%run_scoped3A_56, %dma_start3A_260, %dma_start3A_261] : memref<2x128x128xf32, #tpu.memory_space<vmem>> -> memref<1x128x128xf32, #tpu.memory_space<vmem>>
      %dma_start3A_263 = tpu.memref_squeeze %dma_start3A_262 : memref<1x128x128xf32, #tpu.memory_space<vmem>> -> memref<128x128xf32, #tpu.memory_space<vmem>>
      tpu.enqueue_dma source(%dma_start3A_263 : memref<128x128xf32, #tpu.memory_space<vmem>>) target(%dma_start3A_259 : memref<128x128xf32, #tpu.memory_space<vmem_shared>>) target_semaphore(%run_scoped3A_251 : memref<!tpu.dma_semaphore, #tpu.memory_space<semaphore_mem>>)
      %dma_wait3A_264 = arith.constant 0 : i32
      %dma_wait3A_265 = arith.constant 0 : i32
      %dma_wait3A_266 = tpu.memref_slice %arg8[%run_scoped3A_56, %dma_wait3A_264, %dma_wait3A_265] : memref<2x128x128xf32, #tpu.memory_space<vmem>> -> memref<1x128x128xf32, #tpu.memory_space<vmem>>
      %dma_wait3A_267 = tpu.memref_squeeze %dma_wait3A_266 : memref<1x128x128xf32, #tpu.memory_space<vmem>> -> memref<128x128xf32, #tpu.memory_space<vmem>>
      %dma_wait3A_268 = arith.constant 0 : i32
      %dma_wait3A_269 = tpu.memref_slice %arg9[%add3A_55, %dma_wait3A_268] : memref<10112x128xf32, #tpu.memory_space<vmem_shared>> -> memref<128x128xf32, #tpu.memory_space<vmem_shared>>
      %dma_wait3A_270 = arith.constant 0 : i32
      %dma_wait3A_271 = tpu.memref_slice %arg9[%add3A_55, %dma_wait3A_270] : memref<10112x128xf32, #tpu.memory_space<vmem_shared>> -> memref<128x128xf32, #tpu.memory_space<vmem_shared>>
      %dma_wait3A_272 = arith.constant 0 : i32
      %dma_wait3A_273 = arith.constant 0 : i32
      %dma_wait3A_274 = tpu.memref_slice %arg8[%run_scoped3A_56, %dma_wait3A_272, %dma_wait3A_273] : memref<2x128x128xf32, #tpu.memory_space<vmem>> -> memref<1x128x128xf32, #tpu.memory_space<vmem>>
      %dma_wait3A_275 = tpu.memref_squeeze %dma_wait3A_274 : memref<1x128x128xf32, #tpu.memory_space<vmem>> -> memref<128x128xf32, #tpu.memory_space<vmem>>
      tpu.wait_dma2 semaphore(%run_scoped3A_251 : memref<!tpu.dma_semaphore, #tpu.memory_space<semaphore_mem>>) src(%dma_wait3A_275 : memref<128x128xf32, #tpu.memory_space<vmem>>) dst(%dma_wait3A_271 : memref<128x128xf32, #tpu.memory_space<vmem_shared>>)
      tpu.yield
    }) : () -> ()
    %add3A_57 = arith.constant 512 : i32
    %add3A_58 = arith.addi %mul3A_45, %add3A_57 : i32
    %run_scoped3A_59 = arith.constant 1 : i32
    "tpu.region"() ({
      %run_scoped3A_251 = tpu.sem_alloc : memref<!tpu.dma_semaphore, #tpu.memory_space<semaphore_mem>>
      %dma_start3A_252 = arith.constant 0 : i32
      %dma_start3A_253 = arith.constant 0 : i32
      %dma_start3A_254 = tpu.memref_slice %arg8[%run_scoped3A_59, %dma_start3A_252, %dma_start3A_253] : memref<2x128x128xf32, #tpu.memory_space<vmem>> -> memref<1x120x128xf32, #tpu.memory_space<vmem>>
      %dma_start3A_255 = tpu.memref_squeeze %dma_start3A_254 : memref<1x120x128xf32, #tpu.memory_space<vmem>> -> memref<120x128xf32, #tpu.memory_space<vmem>>
      %dma_start3A_256 = arith.constant 0 : i32
      %dma_start3A_257 = tpu.memref_slice %arg9[%add3A_58, %dma_start3A_256] : memref<10112x128xf32, #tpu.memory_space<vmem_shared>> -> memref<120x128xf32, #tpu.memory_space<vmem_shared>>
      %dma_start3A_258 = arith.constant 0 : i32
      %dma_start3A_259 = tpu.memref_slice %arg9[%add3A_58, %dma_start3A_258] : memref<10112x128xf32, #tpu.memory_space<vmem_shared>> -> memref<120x128xf32, #tpu.memory_space<vmem_shared>>
      %dma_start3A_260 = arith.constant 0 : i32
      %dma_start3A_261 = arith.constant 0 : i32
      %dma_start3A_262 = tpu.memref_slice %arg8[%run_scoped3A_59, %dma_start3A_260, %dma_start3A_261] : memref<2x128x128xf32, #tpu.memory_space<vmem>> -> memref<1x120x128xf32, #tpu.memory_space<vmem>>
      %dma_start3A_263 = tpu.memref_squeeze %dma_start3A_262 : memref<1x120x128xf32, #tpu.memory_space<vmem>> -> memref<120x128xf32, #tpu.memory_space<vmem>>
      tpu.enqueue_dma source(%dma_start3A_263 : memref<120x128xf32, #tpu.memory_space<vmem>>) target(%dma_start3A_259 : memref<120x128xf32, #tpu.memory_space<vmem_shared>>) target_semaphore(%run_scoped3A_251 : memref<!tpu.dma_semaphore, #tpu.memory_space<semaphore_mem>>)
      %dma_wait3A_264 = arith.constant 0 : i32
      %dma_wait3A_265 = arith.constant 0 : i32
      %dma_wait3A_266 = tpu.memref_slice %arg8[%run_scoped3A_59, %dma_wait3A_264, %dma_wait3A_265] : memref<2x128x128xf32, #tpu.memory_space<vmem>> -> memref<1x120x128xf32, #tpu.memory_space<vmem>>
      %dma_wait3A_267 = tpu.memref_squeeze %dma_wait3A_266 : memref<1x120x128xf32, #tpu.memory_space<vmem>> -> memref<120x128xf32, #tpu.memory_space<vmem>>
      %dma_wait3A_268 = arith.constant 0 : i32
      %dma_wait3A_269 = tpu.memref_slice %arg9[%add3A_58, %dma_wait3A_268] : memref<10112x128xf32, #tpu.memory_space<vmem_shared>> -> memref<120x128xf32, #tpu.memory_space<vmem_shared>>
      %dma_wait3A_270 = arith.constant 0 : i32
      %dma_wait3A_271 = tpu.memref_slice %arg9[%add3A_58, %dma_wait3A_270] : memref<10112x128xf32, #tpu.memory_space<vmem_shared>> -> memref<120x128xf32, #tpu.memory_space<vmem_shared>>
      %dma_wait3A_272 = arith.constant 0 : i32
      %dma_wait3A_273 = arith.constant 0 : i32
      %dma_wait3A_274 = tpu.memref_slice %arg8[%run_scoped3A_59, %dma_wait3A_272, %dma_wait3A_273] : memref<2x128x128xf32, #tpu.memory_space<vmem>> -> memref<1x120x128xf32, #tpu.memory_space<vmem>>
      %dma_wait3A_275 = tpu.memref_squeeze %dma_wait3A_274 : memref<1x120x128xf32, #tpu.memory_space<vmem>> -> memref<120x128xf32, #tpu.memory_space<vmem>>
      tpu.wait_dma2 semaphore(%run_scoped3A_251 : memref<!tpu.dma_semaphore, #tpu.memory_space<semaphore_mem>>) src(%dma_wait3A_275 : memref<120x128xf32, #tpu.memory_space<vmem>>) dst(%dma_wait3A_271 : memref<120x128xf32, #tpu.memory_space<vmem_shared>>)
      tpu.yield
    }) : () -> ()
    %barrier3A = arith.constant 0 : index
    tpu.barrier barrier_id(%barrier3A)
    %scan3A_60 = arith.constant 0 : i32
    %scan3A_61 = arith.constant 0 : i32
    %scan3A_62 = arith.constant 40 : i32
    %scan3A_63 = arith.addi %scan3A_61, %scan3A_62 : i32
    %scan3A_64 = arith.constant 1 : i32
    scf.for %scan3A_251 = %scan3A_61 to %scan3A_63 step %scan3A_64  : i32 {
      %mul3A_252 = arith.constant 2 : i32
      %mul3A_253 = arith.muli %scan3A_251, %mul3A_252 : i32
      %add3A_254 = arith.constant 0 : i32
      %add3A_255 = arith.addi %mul3A_253, %add3A_254 : i32
      %add3A_256 = arith.constant 1 : i32
      %add3A_257 = arith.addi %add3A_255, %add3A_256 : i32
      %lt3A = arith.constant 80 : i32
      %lt3A_258 = arith.cmpi slt, %add3A_257, %lt3A : i32
      %convert_element_type3A = arith.extui %lt3A_258 : i1 to i32
      %cond3A = arith.constant 0 : i32
      %cond3A_259 = arith.cmpi ne, %convert_element_type3A, %cond3A : i32
      scf.if %cond3A_259 {
        %add3A_337 = arith.constant 1 : i32
        %add3A_338 = arith.addi %add3A_255, %add3A_337 : i32
        %mul3A_339 = arith.constant 128 : i32
        %mul3A_340 = arith.muli %add3A_338, %mul3A_339 : i32
        %dma_start3A_341 = arith.constant 1 : i32
        %dma_start3A_342 = arith.constant 0 : i32
        %dma_start3A_343 = arith.constant 0 : i32
        %dma_start3A_344 = tpu.memref_slice %arg8[%dma_start3A_341, %dma_start3A_342, %dma_start3A_343] : memref<2x128x128xf32, #tpu.memory_space<vmem>> -> memref<1x128x128xf32, #tpu.memory_space<vmem>>
        %dma_start3A_345 = tpu.memref_squeeze %dma_start3A_344 : memref<1x128x128xf32, #tpu.memory_space<vmem>> -> memref<128x128xf32, #tpu.memory_space<vmem>>
        %dma_start3A_346 = tpu.memref_slice %arg6[%mul3A_340] : memref<10240xi32, #tpu.memory_space<vmem>> -> memref<128xi32, #tpu.memory_space<vmem>>
        %dma_start3A_347 = arith.constant 0 : i32
        %dma_start3A_348 = arith.constant 0 : i32
        %dma_start3A_349 = tpu.memref_slice %arg2[%dma_start3A_347, %dma_start3A_348] : memref<10000x128xf32, #tpu.memory_space<hbm>> -> memref<10000x128xf32, #tpu.memory_space<hbm>>
        tpu.enqueue_indirect_dma source(%dma_start3A_349 : memref<10000x128xf32, #tpu.memory_space<hbm>>) target(%dma_start3A_345 : memref<128x128xf32, #tpu.memory_space<vmem>>) offsets(%dma_start3A_346 : memref<128xi32, #tpu.memory_space<vmem>>) semaphore(%arg11 : memref<!tpu.dma_semaphore, #tpu.memory_space<semaphore_mem>>)
      } else {
      }
      %mul3A_260 = arith.constant 128 : i32
      %mul3A_261 = arith.muli %add3A_255, %mul3A_260 : i32
      %dma_wait3A_262 = arith.constant 0 : i32
      %dma_wait3A_263 = arith.constant 0 : i32
      %dma_wait3A_264 = arith.constant 0 : i32
      %dma_wait3A_265 = tpu.memref_slice %arg8[%dma_wait3A_262, %dma_wait3A_263, %dma_wait3A_264] : memref<2x128x128xf32, #tpu.memory_space<vmem>> -> memref<1x128x128xf32, #tpu.memory_space<vmem>>
      %dma_wait3A_266 = tpu.memref_squeeze %dma_wait3A_265 : memref<1x128x128xf32, #tpu.memory_space<vmem>> -> memref<128x128xf32, #tpu.memory_space<vmem>>
      %dma_wait3A_267 = tpu.memref_slice %arg6[%mul3A_261] : memref<10240xi32, #tpu.memory_space<vmem>> -> memref<128xi32, #tpu.memory_space<vmem>>
      %dma_wait3A_268 = arith.constant 0 : i32
      %dma_wait3A_269 = arith.constant 0 : i32
      %dma_wait3A_270 = tpu.memref_slice %arg2[%dma_wait3A_268, %dma_wait3A_269] : memref<10000x128xf32, #tpu.memory_space<hbm>> -> memref<10000x128xf32, #tpu.memory_space<hbm>>
      tpu.wait_indirect_dma semaphore(%arg10 : memref<!tpu.dma_semaphore, #tpu.memory_space<semaphore_mem>>) src(%dma_wait3A_270 : memref<10000x128xf32, #tpu.memory_space<hbm>>) dst(%dma_wait3A_266 : memref<128x128xf32, #tpu.memory_space<vmem>>)
      %dma_wait3A_271 = arith.constant 0 : i32
      %dma_wait3A_272 = arith.constant 0 : i32
      %dma_wait3A_273 = tpu.memref_slice %arg7[%dma_wait3A_271, %dma_wait3A_272] : memref<2x128xi32, #tpu.memory_space<vmem>> -> memref<1x128xi32, #tpu.memory_space<vmem>>
      %dma_wait3A_274 = tpu.memref_squeeze %dma_wait3A_273 : memref<1x128xi32, #tpu.memory_space<vmem>> -> memref<128xi32, #tpu.memory_space<vmem>>
      %dma_wait3A_275 = arith.constant 0 : i32
      %dma_wait3A_276 = tpu.memref_slice %arg4[%add3A, %add3A_255, %dma_wait3A_275] : memref<32x80x128xi32, #tpu.memory_space<hbm>> -> memref<1x1x128xi32, #tpu.memory_space<hbm>>
      %dma_wait3A_277 = tpu.memref_squeeze %dma_wait3A_276 : memref<1x1x128xi32, #tpu.memory_space<hbm>> -> memref<128xi32, #tpu.memory_space<hbm>>
      %dma_wait3A_278 = arith.constant 0 : i32
      %dma_wait3A_279 = tpu.memref_slice %arg7[%dma_wait3A_271, %dma_wait3A_278] : memref<2x128xi32, #tpu.memory_space<vmem>> -> memref<1x128xi32, #tpu.memory_space<vmem>>
      %dma_wait3A_280 = tpu.memref_squeeze %dma_wait3A_279 : memref<1x128xi32, #tpu.memory_space<vmem>> -> memref<128xi32, #tpu.memory_space<vmem>>
      %dma_wait3A_281 = arith.constant 0 : i32
      %dma_wait3A_282 = tpu.memref_slice %arg4[%add3A, %add3A_255, %dma_wait3A_281] : memref<32x80x128xi32, #tpu.memory_space<hbm>> -> memref<1x1x128xi32, #tpu.memory_space<hbm>>
      %dma_wait3A_283 = tpu.memref_squeeze %dma_wait3A_282 : memref<1x1x128xi32, #tpu.memory_space<hbm>> -> memref<128xi32, #tpu.memory_space<hbm>>
      tpu.wait_dma2 semaphore(%arg14 : memref<!tpu.dma_semaphore, #tpu.memory_space<semaphore_mem>>) src(%dma_wait3A_283 : memref<128xi32, #tpu.memory_space<hbm>>) dst(%dma_wait3A_280 : memref<128xi32, #tpu.memory_space<vmem>>)
      %run_scoped3A_284 = arith.constant 0 : i32
      %run_scoped3A_285 = arith.constant 0 : i32
      "tpu.region"() ({
        %run_scoped3A_337 = tpu.sem_alloc : memref<!tpu.dma_semaphore, #tpu.memory_space<semaphore_mem>>
        %dma_start3A_338 = arith.constant 0 : i32
        %dma_start3A_339 = arith.constant 0 : i32
        %dma_start3A_340 = tpu.memref_slice %arg8[%run_scoped3A_284, %dma_start3A_338, %dma_start3A_339] : memref<2x128x128xf32, #tpu.memory_space<vmem>> -> memref<1x128x128xf32, #tpu.memory_space<vmem>>
        %dma_start3A_341 = tpu.memref_squeeze %dma_start3A_340 : memref<1x128x128xf32, #tpu.memory_space<vmem>> -> memref<128x128xf32, #tpu.memory_space<vmem>>
        %dma_start3A_342 = arith.constant 0 : i32
        %dma_start3A_343 = tpu.memref_slice %arg7[%run_scoped3A_285, %dma_start3A_342] : memref<2x128xi32, #tpu.memory_space<vmem>> -> memref<1x128xi32, #tpu.memory_space<vmem>>
        %dma_start3A_344 = tpu.memref_squeeze %dma_start3A_343 : memref<1x128xi32, #tpu.memory_space<vmem>> -> memref<128xi32, #tpu.memory_space<vmem>>
        %dma_start3A_345 = arith.constant 0 : i32
        %dma_start3A_346 = arith.constant 0 : i32
        %dma_start3A_347 = tpu.memref_slice %arg9[%dma_start3A_345, %dma_start3A_346] : memref<10112x128xf32, #tpu.memory_space<vmem_shared>> -> memref<10112x128xf32, #tpu.memory_space<vmem_shared>>
        tpu.enqueue_indirect_dma source(%dma_start3A_341 : memref<128x128xf32, #tpu.memory_space<vmem>>) target(%dma_start3A_347 : memref<10112x128xf32, #tpu.memory_space<vmem_shared>>) offsets(%dma_start3A_344 : memref<128xi32, #tpu.memory_space<vmem>>) semaphore(%run_scoped3A_337 : memref<!tpu.dma_semaphore, #tpu.memory_space<semaphore_mem>>) {add = true}
        %dma_wait3A_348 = arith.constant 0 : i32
        %dma_wait3A_349 = arith.constant 0 : i32
        %dma_wait3A_350 = tpu.memref_slice %arg8[%run_scoped3A_284, %dma_wait3A_348, %dma_wait3A_349] : memref<2x128x128xf32, #tpu.memory_space<vmem>> -> memref<1x128x128xf32, #tpu.memory_space<vmem>>
        %dma_wait3A_351 = tpu.memref_squeeze %dma_wait3A_350 : memref<1x128x128xf32, #tpu.memory_space<vmem>> -> memref<128x128xf32, #tpu.memory_space<vmem>>
        %dma_wait3A_352 = arith.constant 0 : i32
        %dma_wait3A_353 = tpu.memref_slice %arg7[%run_scoped3A_285, %dma_wait3A_352] : memref<2x128xi32, #tpu.memory_space<vmem>> -> memref<1x128xi32, #tpu.memory_space<vmem>>
        %dma_wait3A_354 = tpu.memref_squeeze %dma_wait3A_353 : memref<1x128xi32, #tpu.memory_space<vmem>> -> memref<128xi32, #tpu.memory_space<vmem>>
        %dma_wait3A_355 = arith.constant 0 : i32
        %dma_wait3A_356 = arith.constant 0 : i32
        %dma_wait3A_357 = tpu.memref_slice %arg9[%dma_wait3A_355, %dma_wait3A_356] : memref<10112x128xf32, #tpu.memory_space<vmem_shared>> -> memref<10112x128xf32, #tpu.memory_space<vmem_shared>>
        tpu.wait_indirect_dma semaphore(%run_scoped3A_337 : memref<!tpu.dma_semaphore, #tpu.memory_space<semaphore_mem>>) src(%dma_wait3A_351 : memref<128x128xf32, #tpu.memory_space<vmem>>) dst(%dma_wait3A_357 : memref<10112x128xf32, #tpu.memory_space<vmem_shared>>)
        tpu.yield
      }) : () -> ()
      %add3A_286 = arith.constant 2 : i32
      %add3A_287 = arith.addi %add3A_255, %add3A_286 : i32
      %lt3A_288 = arith.constant 80 : i32
      %lt3A_289 = arith.cmpi slt, %add3A_287, %lt3A_288 : i32
      %convert_element_type3A_290 = arith.extui %lt3A_289 : i1 to i32
      %cond3A_291 = arith.constant 0 : i32
      %cond3A_292 = arith.cmpi ne, %convert_element_type3A_290, %cond3A_291 : i32
      scf.if %cond3A_292 {
        %add3A_337 = arith.constant 2 : i32
        %add3A_338 = arith.addi %add3A_255, %add3A_337 : i32
        %dma_start3A_339 = arith.constant 0 : i32
        %dma_start3A_340 = arith.constant 0 : i32
        %dma_start3A_341 = tpu.memref_slice %arg7[%dma_start3A_339, %dma_start3A_340] : memref<2x128xi32, #tpu.memory_space<vmem>> -> memref<1x128xi32, #tpu.memory_space<vmem>>
        %dma_start3A_342 = tpu.memref_squeeze %dma_start3A_341 : memref<1x128xi32, #tpu.memory_space<vmem>> -> memref<128xi32, #tpu.memory_space<vmem>>
        %dma_start3A_343 = arith.constant 0 : i32
        %dma_start3A_344 = tpu.memref_slice %arg4[%add3A, %add3A_338, %dma_start3A_343] : memref<32x80x128xi32, #tpu.memory_space<hbm>> -> memref<1x1x128xi32, #tpu.memory_space<hbm>>
        %dma_start3A_345 = tpu.memref_squeeze %dma_start3A_344 : memref<1x1x128xi32, #tpu.memory_space<hbm>> -> memref<128xi32, #tpu.memory_space<hbm>>
        %dma_start3A_346 = arith.constant 0 : i32
        %dma_start3A_347 = tpu.memref_slice %arg7[%dma_start3A_339, %dma_start3A_346] : memref<2x128xi32, #tpu.memory_space<vmem>> -> memref<1x128xi32, #tpu.memory_space<vmem>>
        %dma_start3A_348 = tpu.memref_squeeze %dma_start3A_347 : memref<1x128xi32, #tpu.memory_space<vmem>> -> memref<128xi32, #tpu.memory_space<vmem>>
        %dma_start3A_349 = arith.constant 0 : i32
        %dma_start3A_350 = tpu.memref_slice %arg4[%add3A, %add3A_338, %dma_start3A_349] : memref<32x80x128xi32, #tpu.memory_space<hbm>> -> memref<1x1x128xi32, #tpu.memory_space<hbm>>
        %dma_start3A_351 = tpu.memref_squeeze %dma_start3A_350 : memref<1x1x128xi32, #tpu.memory_space<hbm>> -> memref<128xi32, #tpu.memory_space<hbm>>
        tpu.enqueue_dma source(%dma_start3A_351 : memref<128xi32, #tpu.memory_space<hbm>>) target(%dma_start3A_348 : memref<128xi32, #tpu.memory_space<vmem>>) target_semaphore(%arg14 : memref<!tpu.dma_semaphore, #tpu.memory_space<semaphore_mem>>)
      } else {
      }
      %mul3A_293 = arith.constant 2 : i32
      %mul3A_294 = arith.muli %scan3A_251, %mul3A_293 : i32
      %add3A_295 = arith.constant 1 : i32
      %add3A_296 = arith.addi %mul3A_294, %add3A_295 : i32
      %add3A_297 = arith.constant 1 : i32
      %add3A_298 = arith.addi %add3A_296, %add3A_297 : i32
      %lt3A_299 = arith.constant 80 : i32
      %lt3A_300 = arith.cmpi slt, %add3A_298, %lt3A_299 : i32
      %convert_element_type3A_301 = arith.extui %lt3A_300 : i1 to i32
      %cond3A_302 = arith.constant 0 : i32
      %cond3A_303 = arith.cmpi ne, %convert_element_type3A_301, %cond3A_302 : i32
      scf.if %cond3A_303 {
        %add3A_337 = arith.constant 1 : i32
        %add3A_338 = arith.addi %add3A_296, %add3A_337 : i32
        %mul3A_339 = arith.constant 128 : i32
        %mul3A_340 = arith.muli %add3A_338, %mul3A_339 : i32
        %dma_start3A_341 = arith.constant 0 : i32
        %dma_start3A_342 = arith.constant 0 : i32
        %dma_start3A_343 = arith.constant 0 : i32
        %dma_start3A_344 = tpu.memref_slice %arg8[%dma_start3A_341, %dma_start3A_342, %dma_start3A_343] : memref<2x128x128xf32, #tpu.memory_space<vmem>> -> memref<1x128x128xf32, #tpu.memory_space<vmem>>
        %dma_start3A_345 = tpu.memref_squeeze %dma_start3A_344 : memref<1x128x128xf32, #tpu.memory_space<vmem>> -> memref<128x128xf32, #tpu.memory_space<vmem>>
        %dma_start3A_346 = tpu.memref_slice %arg6[%mul3A_340] : memref<10240xi32, #tpu.memory_space<vmem>> -> memref<128xi32, #tpu.memory_space<vmem>>
        %dma_start3A_347 = arith.constant 0 : i32
        %dma_start3A_348 = arith.constant 0 : i32
        %dma_start3A_349 = tpu.memref_slice %arg2[%dma_start3A_347, %dma_start3A_348] : memref<10000x128xf32, #tpu.memory_space<hbm>> -> memref<10000x128xf32, #tpu.memory_space<hbm>>
        tpu.enqueue_indirect_dma source(%dma_start3A_349 : memref<10000x128xf32, #tpu.memory_space<hbm>>) target(%dma_start3A_345 : memref<128x128xf32, #tpu.memory_space<vmem>>) offsets(%dma_start3A_346 : memref<128xi32, #tpu.memory_space<vmem>>) semaphore(%arg10 : memref<!tpu.dma_semaphore, #tpu.memory_space<semaphore_mem>>)
      } else {
      }
      %mul3A_304 = arith.constant 128 : i32
      %mul3A_305 = arith.muli %add3A_296, %mul3A_304 : i32
      %dma_wait3A_306 = arith.constant 1 : i32
      %dma_wait3A_307 = arith.constant 0 : i32
      %dma_wait3A_308 = arith.constant 0 : i32
      %dma_wait3A_309 = tpu.memref_slice %arg8[%dma_wait3A_306, %dma_wait3A_307, %dma_wait3A_308] : memref<2x128x128xf32, #tpu.memory_space<vmem>> -> memref<1x128x128xf32, #tpu.memory_space<vmem>>
      %dma_wait3A_310 = tpu.memref_squeeze %dma_wait3A_309 : memref<1x128x128xf32, #tpu.memory_space<vmem>> -> memref<128x128xf32, #tpu.memory_space<vmem>>
      %dma_wait3A_311 = tpu.memref_slice %arg6[%mul3A_305] : memref<10240xi32, #tpu.memory_space<vmem>> -> memref<128xi32, #tpu.memory_space<vmem>>
      %dma_wait3A_312 = arith.constant 0 : i32
      %dma_wait3A_313 = arith.constant 0 : i32
      %dma_wait3A_314 = tpu.memref_slice %arg2[%dma_wait3A_312, %dma_wait3A_313] : memref<10000x128xf32, #tpu.memory_space<hbm>> -> memref<10000x128xf32, #tpu.memory_space<hbm>>
      tpu.wait_indirect_dma semaphore(%arg11 : memref<!tpu.dma_semaphore, #tpu.memory_space<semaphore_mem>>) src(%dma_wait3A_314 : memref<10000x128xf32, #tpu.memory_space<hbm>>) dst(%dma_wait3A_310 : memref<128x128xf32, #tpu.memory_space<vmem>>)
      %dma_wait3A_315 = arith.constant 1 : i32
      %dma_wait3A_316 = arith.constant 0 : i32
      %dma_wait3A_317 = tpu.memref_slice %arg7[%dma_wait3A_315, %dma_wait3A_316] : memref<2x128xi32, #tpu.memory_space<vmem>> -> memref<1x128xi32, #tpu.memory_space<vmem>>
      %dma_wait3A_318 = tpu.memref_squeeze %dma_wait3A_317 : memref<1x128xi32, #tpu.memory_space<vmem>> -> memref<128xi32, #tpu.memory_space<vmem>>
      %dma_wait3A_319 = arith.constant 0 : i32
      %dma_wait3A_320 = tpu.memref_slice %arg4[%add3A, %add3A_296, %dma_wait3A_319] : memref<32x80x128xi32, #tpu.memory_space<hbm>> -> memref<1x1x128xi32, #tpu.memory_space<hbm>>
      %dma_wait3A_321 = tpu.memref_squeeze %dma_wait3A_320 : memref<1x1x128xi32, #tpu.memory_space<hbm>> -> memref<128xi32, #tpu.memory_space<hbm>>
      %dma_wait3A_322 = arith.constant 0 : i32
      %dma_wait3A_323 = tpu.memref_slice %arg7[%dma_wait3A_315, %dma_wait3A_322] : memref<2x128xi32, #tpu.memory_space<vmem>> -> memref<1x128xi32, #tpu.memory_space<vmem>>
      %dma_wait3A_324 = tpu.memref_squeeze %dma_wait3A_323 : memref<1x128xi32, #tpu.memory_space<vmem>> -> memref<128xi32, #tpu.memory_space<vmem>>
      %dma_wait3A_325 = arith.constant 0 : i32
      %dma_wait3A_326 = tpu.memref_slice %arg4[%add3A, %add3A_296, %dma_wait3A_325] : memref<32x80x128xi32, #tpu.memory_space<hbm>> -> memref<1x1x128xi32, #tpu.memory_space<hbm>>
      %dma_wait3A_327 = tpu.memref_squeeze %dma_wait3A_326 : memref<1x1x128xi32, #tpu.memory_space<hbm>> -> memref<128xi32, #tpu.memory_space<hbm>>
      tpu.wait_dma2 semaphore(%arg15 : memref<!tpu.dma_semaphore, #tpu.memory_space<semaphore_mem>>) src(%dma_wait3A_327 : memref<128xi32, #tpu.memory_space<hbm>>) dst(%dma_wait3A_324 : memref<128xi32, #tpu.memory_space<vmem>>)
      %run_scoped3A_328 = arith.constant 1 : i32
      %run_scoped3A_329 = arith.constant 1 : i32
      "tpu.region"() ({
        %run_scoped3A_337 = tpu.sem_alloc : memref<!tpu.dma_semaphore, #tpu.memory_space<semaphore_mem>>
        %dma_start3A_338 = arith.constant 0 : i32
        %dma_start3A_339 = arith.constant 0 : i32
        %dma_start3A_340 = tpu.memref_slice %arg8[%run_scoped3A_328, %dma_start3A_338, %dma_start3A_339] : memref<2x128x128xf32, #tpu.memory_space<vmem>> -> memref<1x128x128xf32, #tpu.memory_space<vmem>>
        %dma_start3A_341 = tpu.memref_squeeze %dma_start3A_340 : memref<1x128x128xf32, #tpu.memory_space<vmem>> -> memref<128x128xf32, #tpu.memory_space<vmem>>
        %dma_start3A_342 = arith.constant 0 : i32
        %dma_start3A_343 = tpu.memref_slice %arg7[%run_scoped3A_329, %dma_start3A_342] : memref<2x128xi32, #tpu.memory_space<vmem>> -> memref<1x128xi32, #tpu.memory_space<vmem>>
        %dma_start3A_344 = tpu.memref_squeeze %dma_start3A_343 : memref<1x128xi32, #tpu.memory_space<vmem>> -> memref<128xi32, #tpu.memory_space<vmem>>
        %dma_start3A_345 = arith.constant 0 : i32
        %dma_start3A_346 = arith.constant 0 : i32
        %dma_start3A_347 = tpu.memref_slice %arg9[%dma_start3A_345, %dma_start3A_346] : memref<10112x128xf32, #tpu.memory_space<vmem_shared>> -> memref<10112x128xf32, #tpu.memory_space<vmem_shared>>
        tpu.enqueue_indirect_dma source(%dma_start3A_341 : memref<128x128xf32, #tpu.memory_space<vmem>>) target(%dma_start3A_347 : memref<10112x128xf32, #tpu.memory_space<vmem_shared>>) offsets(%dma_start3A_344 : memref<128xi32, #tpu.memory_space<vmem>>) semaphore(%run_scoped3A_337 : memref<!tpu.dma_semaphore, #tpu.memory_space<semaphore_mem>>) {add = true}
        %dma_wait3A_348 = arith.constant 0 : i32
        %dma_wait3A_349 = arith.constant 0 : i32
        %dma_wait3A_350 = tpu.memref_slice %arg8[%run_scoped3A_328, %dma_wait3A_348, %dma_wait3A_349] : memref<2x128x128xf32, #tpu.memory_space<vmem>> -> memref<1x128x128xf32, #tpu.memory_space<vmem>>
        %dma_wait3A_351 = tpu.memref_squeeze %dma_wait3A_350 : memref<1x128x128xf32, #tpu.memory_space<vmem>> -> memref<128x128xf32, #tpu.memory_space<vmem>>
        %dma_wait3A_352 = arith.constant 0 : i32
        %dma_wait3A_353 = tpu.memref_slice %arg7[%run_scoped3A_329, %dma_wait3A_352] : memref<2x128xi32, #tpu.memory_space<vmem>> -> memref<1x128xi32, #tpu.memory_space<vmem>>
        %dma_wait3A_354 = tpu.memref_squeeze %dma_wait3A_353 : memref<1x128xi32, #tpu.memory_space<vmem>> -> memref<128xi32, #tpu.memory_space<vmem>>
        %dma_wait3A_355 = arith.constant 0 : i32
        %dma_wait3A_356 = arith.constant 0 : i32
        %dma_wait3A_357 = tpu.memref_slice %arg9[%dma_wait3A_355, %dma_wait3A_356] : memref<10112x128xf32, #tpu.memory_space<vmem_shared>> -> memref<10112x128xf32, #tpu.memory_space<vmem_shared>>
        tpu.wait_indirect_dma semaphore(%run_scoped3A_337 : memref<!tpu.dma_semaphore, #tpu.memory_space<semaphore_mem>>) src(%dma_wait3A_351 : memref<128x128xf32, #tpu.memory_space<vmem>>) dst(%dma_wait3A_357 : memref<10112x128xf32, #tpu.memory_space<vmem_shared>>)
        tpu.yield
      }) : () -> ()
      %add3A_330 = arith.constant 2 : i32
      %add3A_331 = arith.addi %add3A_296, %add3A_330 : i32
      %lt3A_332 = arith.constant 80 : i32
      %lt3A_333 = arith.cmpi slt, %add3A_331, %lt3A_332 : i32
      %convert_element_type3A_334 = arith.extui %lt3A_333 : i1 to i32
      %cond3A_335 = arith.constant 0 : i32
      %cond3A_336 = arith.cmpi ne, %convert_element_type3A_334, %cond3A_335 : i32
      scf.if %cond3A_336 {
        %add3A_337 = arith.constant 2 : i32
        %add3A_338 = arith.addi %add3A_296, %add3A_337 : i32
        %dma_start3A_339 = arith.constant 1 : i32
        %dma_start3A_340 = arith.constant 0 : i32
        %dma_start3A_341 = tpu.memref_slice %arg7[%dma_start3A_339, %dma_start3A_340] : memref<2x128xi32, #tpu.memory_space<vmem>> -> memref<1x128xi32, #tpu.memory_space<vmem>>
        %dma_start3A_342 = tpu.memref_squeeze %dma_start3A_341 : memref<1x128xi32, #tpu.memory_space<vmem>> -> memref<128xi32, #tpu.memory_space<vmem>>
        %dma_start3A_343 = arith.constant 0 : i32
        %dma_start3A_344 = tpu.memref_slice %arg4[%add3A, %add3A_338, %dma_start3A_343] : memref<32x80x128xi32, #tpu.memory_space<hbm>> -> memref<1x1x128xi32, #tpu.memory_space<hbm>>
        %dma_start3A_345 = tpu.memref_squeeze %dma_start3A_344 : memref<1x1x128xi32, #tpu.memory_space<hbm>> -> memref<128xi32, #tpu.memory_space<hbm>>
        %dma_start3A_346 = arith.constant 0 : i32
        %dma_start3A_347 = tpu.memref_slice %arg7[%dma_start3A_339, %dma_start3A_346] : memref<2x128xi32, #tpu.memory_space<vmem>> -> memref<1x128xi32, #tpu.memory_space<vmem>>
        %dma_start3A_348 = tpu.memref_squeeze %dma_start3A_347 : memref<1x128xi32, #tpu.memory_space<vmem>> -> memref<128xi32, #tpu.memory_space<vmem>>
        %dma_start3A_349 = arith.constant 0 : i32
        %dma_start3A_350 = tpu.memref_slice %arg4[%add3A, %add3A_338, %dma_start3A_349] : memref<32x80x128xi32, #tpu.memory_space<hbm>> -> memref<1x1x128xi32, #tpu.memory_space<hbm>>
        %dma_start3A_351 = tpu.memref_squeeze %dma_start3A_350 : memref<1x1x128xi32, #tpu.memory_space<hbm>> -> memref<128xi32, #tpu.memory_space<hbm>>
        tpu.enqueue_dma source(%dma_start3A_351 : memref<128xi32, #tpu.memory_space<hbm>>) target(%dma_start3A_348 : memref<128xi32, #tpu.memory_space<vmem>>) target_semaphore(%arg15 : memref<!tpu.dma_semaphore, #tpu.memory_space<semaphore_mem>>)
      } else {
      }
    }
    %scan3A_65 = arith.constant 40 : i32
    %barrier3A_66 = arith.constant 0 : index
    tpu.barrier barrier_id(%barrier3A_66)
    %add3A_67 = arith.constant 0 : i32
    %add3A_68 = arith.addi %mul3A_45, %add3A_67 : i32
    %run_scoped3A_69 = arith.constant 0 : i32
    "tpu.region"() ({
      %run_scoped3A_251 = tpu.sem_alloc : memref<!tpu.dma_semaphore, #tpu.memory_space<semaphore_mem>>
      %dma_start3A_252 = arith.constant 0 : i32
      %dma_start3A_253 = arith.constant 0 : i32
      %dma_start3A_254 = tpu.memref_slice %arg8[%run_scoped3A_69, %dma_start3A_252, %dma_start3A_253] : memref<2x128x128xf32, #tpu.memory_space<vmem>> -> memref<1x128x128xf32, #tpu.memory_space<vmem>>
      %dma_start3A_255 = tpu.memref_squeeze %dma_start3A_254 : memref<1x128x128xf32, #tpu.memory_space<vmem>> -> memref<128x128xf32, #tpu.memory_space<vmem>>
      %dma_start3A_256 = arith.constant 0 : i32
      %dma_start3A_257 = tpu.memref_slice %arg9[%add3A_68, %dma_start3A_256] : memref<10112x128xf32, #tpu.memory_space<vmem_shared>> -> memref<128x128xf32, #tpu.memory_space<vmem_shared>>
      %dma_start3A_258 = arith.constant 0 : i32
      %dma_start3A_259 = arith.constant 0 : i32
      %dma_start3A_260 = tpu.memref_slice %arg8[%run_scoped3A_69, %dma_start3A_258, %dma_start3A_259] : memref<2x128x128xf32, #tpu.memory_space<vmem>> -> memref<1x128x128xf32, #tpu.memory_space<vmem>>
      %dma_start3A_261 = tpu.memref_squeeze %dma_start3A_260 : memref<1x128x128xf32, #tpu.memory_space<vmem>> -> memref<128x128xf32, #tpu.memory_space<vmem>>
      %dma_start3A_262 = arith.constant 0 : i32
      %dma_start3A_263 = tpu.memref_slice %arg9[%add3A_68, %dma_start3A_262] : memref<10112x128xf32, #tpu.memory_space<vmem_shared>> -> memref<128x128xf32, #tpu.memory_space<vmem_shared>>
      tpu.enqueue_dma source(%dma_start3A_263 : memref<128x128xf32, #tpu.memory_space<vmem_shared>>) target(%dma_start3A_261 : memref<128x128xf32, #tpu.memory_space<vmem>>) target_semaphore(%run_scoped3A_251 : memref<!tpu.dma_semaphore, #tpu.memory_space<semaphore_mem>>)
      %dma_wait3A_264 = arith.constant 0 : i32
      %dma_wait3A_265 = arith.constant 0 : i32
      %dma_wait3A_266 = tpu.memref_slice %arg8[%run_scoped3A_69, %dma_wait3A_264, %dma_wait3A_265] : memref<2x128x128xf32, #tpu.memory_space<vmem>> -> memref<1x128x128xf32, #tpu.memory_space<vmem>>
      %dma_wait3A_267 = tpu.memref_squeeze %dma_wait3A_266 : memref<1x128x128xf32, #tpu.memory_space<vmem>> -> memref<128x128xf32, #tpu.memory_space<vmem>>
      %dma_wait3A_268 = arith.constant 0 : i32
      %dma_wait3A_269 = tpu.memref_slice %arg9[%add3A_68, %dma_wait3A_268] : memref<10112x128xf32, #tpu.memory_space<vmem_shared>> -> memref<128x128xf32, #tpu.memory_space<vmem_shared>>
      %dma_wait3A_270 = arith.constant 0 : i32
      %dma_wait3A_271 = arith.constant 0 : i32
      %dma_wait3A_272 = tpu.memref_slice %arg8[%run_scoped3A_69, %dma_wait3A_270, %dma_wait3A_271] : memref<2x128x128xf32, #tpu.memory_space<vmem>> -> memref<1x128x128xf32, #tpu.memory_space<vmem>>
      %dma_wait3A_273 = tpu.memref_squeeze %dma_wait3A_272 : memref<1x128x128xf32, #tpu.memory_space<vmem>> -> memref<128x128xf32, #tpu.memory_space<vmem>>
      %dma_wait3A_274 = arith.constant 0 : i32
      %dma_wait3A_275 = tpu.memref_slice %arg9[%add3A_68, %dma_wait3A_274] : memref<10112x128xf32, #tpu.memory_space<vmem_shared>> -> memref<128x128xf32, #tpu.memory_space<vmem_shared>>
      tpu.wait_dma2 semaphore(%run_scoped3A_251 : memref<!tpu.dma_semaphore, #tpu.memory_space<semaphore_mem>>) src(%dma_wait3A_275 : memref<128x128xf32, #tpu.memory_space<vmem_shared>>) dst(%dma_wait3A_273 : memref<128x128xf32, #tpu.memory_space<vmem>>)
      tpu.yield
    }) : () -> ()
    %add3A_70 = arith.constant 0 : i32
    %add3A_71 = arith.addi %mul3A_45, %add3A_70 : i32
    %dma_start3A_72 = arith.constant 0 : i32
    %dma_start3A_73 = arith.constant 0 : i32
    %dma_start3A_74 = arith.constant 0 : i32
    %dma_start3A_75 = tpu.memref_slice %arg8[%dma_start3A_72, %dma_start3A_73, %dma_start3A_74] : memref<2x128x128xf32, #tpu.memory_space<vmem>> -> memref<1x128x128xf32, #tpu.memory_space<vmem>>
    %dma_start3A_76 = tpu.memref_squeeze %dma_start3A_75 : memref<1x128x128xf32, #tpu.memory_space<vmem>> -> memref<128x128xf32, #tpu.memory_space<vmem>>
    %dma_start3A_77 = arith.constant 0 : i32
    %dma_start3A_78 = tpu.memref_slice %arg5[%arg0, %add3A_71, %dma_start3A_77] : memref<2x10112x128xf32, #tpu.memory_space<hbm>> -> memref<1x128x128xf32, #tpu.memory_space<hbm>>
    %dma_start3A_79 = tpu.memref_squeeze %dma_start3A_78 : memref<1x128x128xf32, #tpu.memory_space<hbm>> -> memref<128x128xf32, #tpu.memory_space<hbm>>
    %dma_start3A_80 = arith.constant 0 : i32
    %dma_start3A_81 = tpu.memref_slice %arg5[%arg0, %add3A_71, %dma_start3A_80] : memref<2x10112x128xf32, #tpu.memory_space<hbm>> -> memref<1x128x128xf32, #tpu.memory_space<hbm>>
    %dma_start3A_82 = tpu.memref_squeeze %dma_start3A_81 : memref<1x128x128xf32, #tpu.memory_space<hbm>> -> memref<128x128xf32, #tpu.memory_space<hbm>>
    %dma_start3A_83 = arith.constant 0 : i32
    %dma_start3A_84 = arith.constant 0 : i32
    %dma_start3A_85 = tpu.memref_slice %arg8[%dma_start3A_72, %dma_start3A_83, %dma_start3A_84] : memref<2x128x128xf32, #tpu.memory_space<vmem>> -> memref<1x128x128xf32, #tpu.memory_space<vmem>>
    %dma_start3A_86 = tpu.memref_squeeze %dma_start3A_85 : memref<1x128x128xf32, #tpu.memory_space<vmem>> -> memref<128x128xf32, #tpu.memory_space<vmem>>
    tpu.enqueue_dma source(%dma_start3A_86 : memref<128x128xf32, #tpu.memory_space<vmem>>) target(%dma_start3A_82 : memref<128x128xf32, #tpu.memory_space<hbm>>) target_semaphore(%arg12 : memref<!tpu.dma_semaphore, #tpu.memory_space<semaphore_mem>>)
    %add3A_87 = arith.constant 128 : i32
    %add3A_88 = arith.addi %mul3A_45, %add3A_87 : i32
    %run_scoped3A_89 = arith.constant 1 : i32
    "tpu.region"() ({
      %run_scoped3A_251 = tpu.sem_alloc : memref<!tpu.dma_semaphore, #tpu.memory_space<semaphore_mem>>
      %dma_start3A_252 = arith.constant 0 : i32
      %dma_start3A_253 = arith.constant 0 : i32
      %dma_start3A_254 = tpu.memref_slice %arg8[%run_scoped3A_89, %dma_start3A_252, %dma_start3A_253] : memref<2x128x128xf32, #tpu.memory_space<vmem>> -> memref<1x128x128xf32, #tpu.memory_space<vmem>>
      %dma_start3A_255 = tpu.memref_squeeze %dma_start3A_254 : memref<1x128x128xf32, #tpu.memory_space<vmem>> -> memref<128x128xf32, #tpu.memory_space<vmem>>
      %dma_start3A_256 = arith.constant 0 : i32
      %dma_start3A_257 = tpu.memref_slice %arg9[%add3A_88, %dma_start3A_256] : memref<10112x128xf32, #tpu.memory_space<vmem_shared>> -> memref<128x128xf32, #tpu.memory_space<vmem_shared>>
      %dma_start3A_258 = arith.constant 0 : i32
      %dma_start3A_259 = arith.constant 0 : i32
      %dma_start3A_260 = tpu.memref_slice %arg8[%run_scoped3A_89, %dma_start3A_258, %dma_start3A_259] : memref<2x128x128xf32, #tpu.memory_space<vmem>> -> memref<1x128x128xf32, #tpu.memory_space<vmem>>
      %dma_start3A_261 = tpu.memref_squeeze %dma_start3A_260 : memref<1x128x128xf32, #tpu.memory_space<vmem>> -> memref<128x128xf32, #tpu.memory_space<vmem>>
      %dma_start3A_262 = arith.constant 0 : i32
      %dma_start3A_263 = tpu.memref_slice %arg9[%add3A_88, %dma_start3A_262] : memref<10112x128xf32, #tpu.memory_space<vmem_shared>> -> memref<128x128xf32, #tpu.memory_space<vmem_shared>>
      tpu.enqueue_dma source(%dma_start3A_263 : memref<128x128xf32, #tpu.memory_space<vmem_shared>>) target(%dma_start3A_261 : memref<128x128xf32, #tpu.memory_space<vmem>>) target_semaphore(%run_scoped3A_251 : memref<!tpu.dma_semaphore, #tpu.memory_space<semaphore_mem>>)
      %dma_wait3A_264 = arith.constant 0 : i32
      %dma_wait3A_265 = arith.constant 0 : i32
      %dma_wait3A_266 = tpu.memref_slice %arg8[%run_scoped3A_89, %dma_wait3A_264, %dma_wait3A_265] : memref<2x128x128xf32, #tpu.memory_space<vmem>> -> memref<1x128x128xf32, #tpu.memory_space<vmem>>
      %dma_wait3A_267 = tpu.memref_squeeze %dma_wait3A_266 : memref<1x128x128xf32, #tpu.memory_space<vmem>> -> memref<128x128xf32, #tpu.memory_space<vmem>>
      %dma_wait3A_268 = arith.constant 0 : i32
      %dma_wait3A_269 = tpu.memref_slice %arg9[%add3A_88, %dma_wait3A_268] : memref<10112x128xf32, #tpu.memory_space<vmem_shared>> -> memref<128x128xf32, #tpu.memory_space<vmem_shared>>
      %dma_wait3A_270 = arith.constant 0 : i32
      %dma_wait3A_271 = arith.constant 0 : i32
      %dma_wait3A_272 = tpu.memref_slice %arg8[%run_scoped3A_89, %dma_wait3A_270, %dma_wait3A_271] : memref<2x128x128xf32, #tpu.memory_space<vmem>> -> memref<1x128x128xf32, #tpu.memory_space<vmem>>
      %dma_wait3A_273 = tpu.memref_squeeze %dma_wait3A_272 : memref<1x128x128xf32, #tpu.memory_space<vmem>> -> memref<128x128xf32, #tpu.memory_space<vmem>>
      %dma_wait3A_274 = arith.constant 0 : i32
      %dma_wait3A_275 = tpu.memref_slice %arg9[%add3A_88, %dma_wait3A_274] : memref<10112x128xf32, #tpu.memory_space<vmem_shared>> -> memref<128x128xf32, #tpu.memory_space<vmem_shared>>
      tpu.wait_dma2 semaphore(%run_scoped3A_251 : memref<!tpu.dma_semaphore, #tpu.memory_space<semaphore_mem>>) src(%dma_wait3A_275 : memref<128x128xf32, #tpu.memory_space<vmem_shared>>) dst(%dma_wait3A_273 : memref<128x128xf32, #tpu.memory_space<vmem>>)
      tpu.yield
    }) : () -> ()
    %add3A_90 = arith.constant 128 : i32
    %add3A_91 = arith.addi %mul3A_45, %add3A_90 : i32
    %dma_start3A_92 = arith.constant 1 : i32
    %dma_start3A_93 = arith.constant 0 : i32
    %dma_start3A_94 = arith.constant 0 : i32
    %dma_start3A_95 = tpu.memref_slice %arg8[%dma_start3A_92, %dma_start3A_93, %dma_start3A_94] : memref<2x128x128xf32, #tpu.memory_space<vmem>> -> memref<1x128x128xf32, #tpu.memory_space<vmem>>
    %dma_start3A_96 = tpu.memref_squeeze %dma_start3A_95 : memref<1x128x128xf32, #tpu.memory_space<vmem>> -> memref<128x128xf32, #tpu.memory_space<vmem>>
    %dma_start3A_97 = arith.constant 0 : i32
    %dma_start3A_98 = tpu.memref_slice %arg5[%arg0, %add3A_91, %dma_start3A_97] : memref<2x10112x128xf32, #tpu.memory_space<hbm>> -> memref<1x128x128xf32, #tpu.memory_space<hbm>>
    %dma_start3A_99 = tpu.memref_squeeze %dma_start3A_98 : memref<1x128x128xf32, #tpu.memory_space<hbm>> -> memref<128x128xf32, #tpu.memory_space<hbm>>
    %dma_start3A_100 = arith.constant 0 : i32
    %dma_start3A_101 = tpu.memref_slice %arg5[%arg0, %add3A_91, %dma_start3A_100] : memref<2x10112x128xf32, #tpu.memory_space<hbm>> -> memref<1x128x128xf32, #tpu.memory_space<hbm>>
    %dma_start3A_102 = tpu.memref_squeeze %dma_start3A_101 : memref<1x128x128xf32, #tpu.memory_space<hbm>> -> memref<128x128xf32, #tpu.memory_space<hbm>>
    %dma_start3A_103 = arith.constant 0 : i32
    %dma_start3A_104 = arith.constant 0 : i32
    %dma_start3A_105 = tpu.memref_slice %arg8[%dma_start3A_92, %dma_start3A_103, %dma_start3A_104] : memref<2x128x128xf32, #tpu.memory_space<vmem>> -> memref<1x128x128xf32, #tpu.memory_space<vmem>>
    %dma_start3A_106 = tpu.memref_squeeze %dma_start3A_105 : memref<1x128x128xf32, #tpu.memory_space<vmem>> -> memref<128x128xf32, #tpu.memory_space<vmem>>
    tpu.enqueue_dma source(%dma_start3A_106 : memref<128x128xf32, #tpu.memory_space<vmem>>) target(%dma_start3A_102 : memref<128x128xf32, #tpu.memory_space<hbm>>) target_semaphore(%arg13 : memref<!tpu.dma_semaphore, #tpu.memory_space<semaphore_mem>>)
    %add3A_107 = arith.constant 0 : i32
    %add3A_108 = arith.addi %mul3A_45, %add3A_107 : i32
    %dma_wait3A = arith.constant 0 : i32
    %dma_wait3A_109 = arith.constant 0 : i32
    %dma_wait3A_110 = arith.constant 0 : i32
    %dma_wait3A_111 = tpu.memref_slice %arg8[%dma_wait3A, %dma_wait3A_109, %dma_wait3A_110] : memref<2x128x128xf32, #tpu.memory_space<vmem>> -> memref<1x128x128xf32, #tpu.memory_space<vmem>>
    %dma_wait3A_112 = tpu.memref_squeeze %dma_wait3A_111 : memref<1x128x128xf32, #tpu.memory_space<vmem>> -> memref<128x128xf32, #tpu.memory_space<vmem>>
    %dma_wait3A_113 = arith.constant 0 : i32
    %dma_wait3A_114 = tpu.memref_slice %arg5[%arg0, %add3A_108, %dma_wait3A_113] : memref<2x10112x128xf32, #tpu.memory_space<hbm>> -> memref<1x128x128xf32, #tpu.memory_space<hbm>>
    %dma_wait3A_115 = tpu.memref_squeeze %dma_wait3A_114 : memref<1x128x128xf32, #tpu.memory_space<hbm>> -> memref<128x128xf32, #tpu.memory_space<hbm>>
    %dma_wait3A_116 = arith.constant 0 : i32
    %dma_wait3A_117 = tpu.memref_slice %arg5[%arg0, %add3A_108, %dma_wait3A_116] : memref<2x10112x128xf32, #tpu.memory_space<hbm>> -> memref<1x128x128xf32, #tpu.memory_space<hbm>>
    %dma_wait3A_118 = tpu.memref_squeeze %dma_wait3A_117 : memref<1x128x128xf32, #tpu.memory_space<hbm>> -> memref<128x128xf32, #tpu.memory_space<hbm>>
    %dma_wait3A_119 = arith.constant 0 : i32
    %dma_wait3A_120 = arith.constant 0 : i32
    %dma_wait3A_121 = tpu.memref_slice %arg8[%dma_wait3A, %dma_wait3A_119, %dma_wait3A_120] : memref<2x128x128xf32, #tpu.memory_space<vmem>> -> memref<1x128x128xf32, #tpu.memory_space<vmem>>
    %dma_wait3A_122 = tpu.memref_squeeze %dma_wait3A_121 : memref<1x128x128xf32, #tpu.memory_space<vmem>> -> memref<128x128xf32, #tpu.memory_space<vmem>>
    tpu.wait_dma2 semaphore(%arg12 : memref<!tpu.dma_semaphore, #tpu.memory_space<semaphore_mem>>) src(%dma_wait3A_122 : memref<128x128xf32, #tpu.memory_space<vmem>>) dst(%dma_wait3A_118 : memref<128x128xf32, #tpu.memory_space<hbm>>)
    %add3A_123 = arith.constant 256 : i32
    %add3A_124 = arith.addi %mul3A_45, %add3A_123 : i32
    %run_scoped3A_125 = arith.constant 0 : i32
    "tpu.region"() ({
      %run_scoped3A_251 = tpu.sem_alloc : memref<!tpu.dma_semaphore, #tpu.memory_space<semaphore_mem>>
      %dma_start3A_252 = arith.constant 0 : i32
      %dma_start3A_253 = arith.constant 0 : i32
      %dma_start3A_254 = tpu.memref_slice %arg8[%run_scoped3A_125, %dma_start3A_252, %dma_start3A_253] : memref<2x128x128xf32, #tpu.memory_space<vmem>> -> memref<1x128x128xf32, #tpu.memory_space<vmem>>
      %dma_start3A_255 = tpu.memref_squeeze %dma_start3A_254 : memref<1x128x128xf32, #tpu.memory_space<vmem>> -> memref<128x128xf32, #tpu.memory_space<vmem>>
      %dma_start3A_256 = arith.constant 0 : i32
      %dma_start3A_257 = tpu.memref_slice %arg9[%add3A_124, %dma_start3A_256] : memref<10112x128xf32, #tpu.memory_space<vmem_shared>> -> memref<128x128xf32, #tpu.memory_space<vmem_shared>>
      %dma_start3A_258 = arith.constant 0 : i32
      %dma_start3A_259 = arith.constant 0 : i32
      %dma_start3A_260 = tpu.memref_slice %arg8[%run_scoped3A_125, %dma_start3A_258, %dma_start3A_259] : memref<2x128x128xf32, #tpu.memory_space<vmem>> -> memref<1x128x128xf32, #tpu.memory_space<vmem>>
      %dma_start3A_261 = tpu.memref_squeeze %dma_start3A_260 : memref<1x128x128xf32, #tpu.memory_space<vmem>> -> memref<128x128xf32, #tpu.memory_space<vmem>>
      %dma_start3A_262 = arith.constant 0 : i32
      %dma_start3A_263 = tpu.memref_slice %arg9[%add3A_124, %dma_start3A_262] : memref<10112x128xf32, #tpu.memory_space<vmem_shared>> -> memref<128x128xf32, #tpu.memory_space<vmem_shared>>
      tpu.enqueue_dma source(%dma_start3A_263 : memref<128x128xf32, #tpu.memory_space<vmem_shared>>) target(%dma_start3A_261 : memref<128x128xf32, #tpu.memory_space<vmem>>) target_semaphore(%run_scoped3A_251 : memref<!tpu.dma_semaphore, #tpu.memory_space<semaphore_mem>>)
      %dma_wait3A_264 = arith.constant 0 : i32
      %dma_wait3A_265 = arith.constant 0 : i32
      %dma_wait3A_266 = tpu.memref_slice %arg8[%run_scoped3A_125, %dma_wait3A_264, %dma_wait3A_265] : memref<2x128x128xf32, #tpu.memory_space<vmem>> -> memref<1x128x128xf32, #tpu.memory_space<vmem>>
      %dma_wait3A_267 = tpu.memref_squeeze %dma_wait3A_266 : memref<1x128x128xf32, #tpu.memory_space<vmem>> -> memref<128x128xf32, #tpu.memory_space<vmem>>
      %dma_wait3A_268 = arith.constant 0 : i32
      %dma_wait3A_269 = tpu.memref_slice %arg9[%add3A_124, %dma_wait3A_268] : memref<10112x128xf32, #tpu.memory_space<vmem_shared>> -> memref<128x128xf32, #tpu.memory_space<vmem_shared>>
      %dma_wait3A_270 = arith.constant 0 : i32
      %dma_wait3A_271 = arith.constant 0 : i32
      %dma_wait3A_272 = tpu.memref_slice %arg8[%run_scoped3A_125, %dma_wait3A_270, %dma_wait3A_271] : memref<2x128x128xf32, #tpu.memory_space<vmem>> -> memref<1x128x128xf32, #tpu.memory_space<vmem>>
      %dma_wait3A_273 = tpu.memref_squeeze %dma_wait3A_272 : memref<1x128x128xf32, #tpu.memory_space<vmem>> -> memref<128x128xf32, #tpu.memory_space<vmem>>
      %dma_wait3A_274 = arith.constant 0 : i32
      %dma_wait3A_275 = tpu.memref_slice %arg9[%add3A_124, %dma_wait3A_274] : memref<10112x128xf32, #tpu.memory_space<vmem_shared>> -> memref<128x128xf32, #tpu.memory_space<vmem_shared>>
      tpu.wait_dma2 semaphore(%run_scoped3A_251 : memref<!tpu.dma_semaphore, #tpu.memory_space<semaphore_mem>>) src(%dma_wait3A_275 : memref<128x128xf32, #tpu.memory_space<vmem_shared>>) dst(%dma_wait3A_273 : memref<128x128xf32, #tpu.memory_space<vmem>>)
      tpu.yield
    }) : () -> ()
    %add3A_126 = arith.constant 256 : i32
    %add3A_127 = arith.addi %mul3A_45, %add3A_126 : i32
    %dma_start3A_128 = arith.constant 0 : i32
    %dma_start3A_129 = arith.constant 0 : i32
    %dma_start3A_130 = arith.constant 0 : i32
    %dma_start3A_131 = tpu.memref_slice %arg8[%dma_start3A_128, %dma_start3A_129, %dma_start3A_130] : memref<2x128x128xf32, #tpu.memory_space<vmem>> -> memref<1x128x128xf32, #tpu.memory_space<vmem>>
    %dma_start3A_132 = tpu.memref_squeeze %dma_start3A_131 : memref<1x128x128xf32, #tpu.memory_space<vmem>> -> memref<128x128xf32, #tpu.memory_space<vmem>>
    %dma_start3A_133 = arith.constant 0 : i32
    %dma_start3A_134 = tpu.memref_slice %arg5[%arg0, %add3A_127, %dma_start3A_133] : memref<2x10112x128xf32, #tpu.memory_space<hbm>> -> memref<1x128x128xf32, #tpu.memory_space<hbm>>
    %dma_start3A_135 = tpu.memref_squeeze %dma_start3A_134 : memref<1x128x128xf32, #tpu.memory_space<hbm>> -> memref<128x128xf32, #tpu.memory_space<hbm>>
    %dma_start3A_136 = arith.constant 0 : i32
    %dma_start3A_137 = tpu.memref_slice %arg5[%arg0, %add3A_127, %dma_start3A_136] : memref<2x10112x128xf32, #tpu.memory_space<hbm>> -> memref<1x128x128xf32, #tpu.memory_space<hbm>>
    %dma_start3A_138 = tpu.memref_squeeze %dma_start3A_137 : memref<1x128x128xf32, #tpu.memory_space<hbm>> -> memref<128x128xf32, #tpu.memory_space<hbm>>
    %dma_start3A_139 = arith.constant 0 : i32
    %dma_start3A_140 = arith.constant 0 : i32
    %dma_start3A_141 = tpu.memref_slice %arg8[%dma_start3A_128, %dma_start3A_139, %dma_start3A_140] : memref<2x128x128xf32, #tpu.memory_space<vmem>> -> memref<1x128x128xf32, #tpu.memory_space<vmem>>
    %dma_start3A_142 = tpu.memref_squeeze %dma_start3A_141 : memref<1x128x128xf32, #tpu.memory_space<vmem>> -> memref<128x128xf32, #tpu.memory_space<vmem>>
    tpu.enqueue_dma source(%dma_start3A_142 : memref<128x128xf32, #tpu.memory_space<vmem>>) target(%dma_start3A_138 : memref<128x128xf32, #tpu.memory_space<hbm>>) target_semaphore(%arg12 : memref<!tpu.dma_semaphore, #tpu.memory_space<semaphore_mem>>)
    %add3A_143 = arith.constant 128 : i32
    %add3A_144 = arith.addi %mul3A_45, %add3A_143 : i32
    %dma_wait3A_145 = arith.constant 1 : i32
    %dma_wait3A_146 = arith.constant 0 : i32
    %dma_wait3A_147 = arith.constant 0 : i32
    %dma_wait3A_148 = tpu.memref_slice %arg8[%dma_wait3A_145, %dma_wait3A_146, %dma_wait3A_147] : memref<2x128x128xf32, #tpu.memory_space<vmem>> -> memref<1x128x128xf32, #tpu.memory_space<vmem>>
    %dma_wait3A_149 = tpu.memref_squeeze %dma_wait3A_148 : memref<1x128x128xf32, #tpu.memory_space<vmem>> -> memref<128x128xf32, #tpu.memory_space<vmem>>
    %dma_wait3A_150 = arith.constant 0 : i32
    %dma_wait3A_151 = tpu.memref_slice %arg5[%arg0, %add3A_144, %dma_wait3A_150] : memref<2x10112x128xf32, #tpu.memory_space<hbm>> -> memref<1x128x128xf32, #tpu.memory_space<hbm>>
    %dma_wait3A_152 = tpu.memref_squeeze %dma_wait3A_151 : memref<1x128x128xf32, #tpu.memory_space<hbm>> -> memref<128x128xf32, #tpu.memory_space<hbm>>
    %dma_wait3A_153 = arith.constant 0 : i32
    %dma_wait3A_154 = tpu.memref_slice %arg5[%arg0, %add3A_144, %dma_wait3A_153] : memref<2x10112x128xf32, #tpu.memory_space<hbm>> -> memref<1x128x128xf32, #tpu.memory_space<hbm>>
    %dma_wait3A_155 = tpu.memref_squeeze %dma_wait3A_154 : memref<1x128x128xf32, #tpu.memory_space<hbm>> -> memref<128x128xf32, #tpu.memory_space<hbm>>
    %dma_wait3A_156 = arith.constant 0 : i32
    %dma_wait3A_157 = arith.constant 0 : i32
    %dma_wait3A_158 = tpu.memref_slice %arg8[%dma_wait3A_145, %dma_wait3A_156, %dma_wait3A_157] : memref<2x128x128xf32, #tpu.memory_space<vmem>> -> memref<1x128x128xf32, #tpu.memory_space<vmem>>
    %dma_wait3A_159 = tpu.memref_squeeze %dma_wait3A_158 : memref<1x128x128xf32, #tpu.memory_space<vmem>> -> memref<128x128xf32, #tpu.memory_space<vmem>>
    tpu.wait_dma2 semaphore(%arg13 : memref<!tpu.dma_semaphore, #tpu.memory_space<semaphore_mem>>) src(%dma_wait3A_159 : memref<128x128xf32, #tpu.memory_space<vmem>>) dst(%dma_wait3A_155 : memref<128x128xf32, #tpu.memory_space<hbm>>)
    %add3A_160 = arith.constant 384 : i32
    %add3A_161 = arith.addi %mul3A_45, %add3A_160 : i32
    %run_scoped3A_162 = arith.constant 1 : i32
    "tpu.region"() ({
      %run_scoped3A_251 = tpu.sem_alloc : memref<!tpu.dma_semaphore, #tpu.memory_space<semaphore_mem>>
      %dma_start3A_252 = arith.constant 0 : i32
      %dma_start3A_253 = arith.constant 0 : i32
      %dma_start3A_254 = tpu.memref_slice %arg8[%run_scoped3A_162, %dma_start3A_252, %dma_start3A_253] : memref<2x128x128xf32, #tpu.memory_space<vmem>> -> memref<1x128x128xf32, #tpu.memory_space<vmem>>
      %dma_start3A_255 = tpu.memref_squeeze %dma_start3A_254 : memref<1x128x128xf32, #tpu.memory_space<vmem>> -> memref<128x128xf32, #tpu.memory_space<vmem>>
      %dma_start3A_256 = arith.constant 0 : i32
      %dma_start3A_257 = tpu.memref_slice %arg9[%add3A_161, %dma_start3A_256] : memref<10112x128xf32, #tpu.memory_space<vmem_shared>> -> memref<128x128xf32, #tpu.memory_space<vmem_shared>>
      %dma_start3A_258 = arith.constant 0 : i32
      %dma_start3A_259 = arith.constant 0 : i32
      %dma_start3A_260 = tpu.memref_slice %arg8[%run_scoped3A_162, %dma_start3A_258, %dma_start3A_259] : memref<2x128x128xf32, #tpu.memory_space<vmem>> -> memref<1x128x128xf32, #tpu.memory_space<vmem>>
      %dma_start3A_261 = tpu.memref_squeeze %dma_start3A_260 : memref<1x128x128xf32, #tpu.memory_space<vmem>> -> memref<128x128xf32, #tpu.memory_space<vmem>>
      %dma_start3A_262 = arith.constant 0 : i32
      %dma_start3A_263 = tpu.memref_slice %arg9[%add3A_161, %dma_start3A_262] : memref<10112x128xf32, #tpu.memory_space<vmem_shared>> -> memref<128x128xf32, #tpu.memory_space<vmem_shared>>
      tpu.enqueue_dma source(%dma_start3A_263 : memref<128x128xf32, #tpu.memory_space<vmem_shared>>) target(%dma_start3A_261 : memref<128x128xf32, #tpu.memory_space<vmem>>) target_semaphore(%run_scoped3A_251 : memref<!tpu.dma_semaphore, #tpu.memory_space<semaphore_mem>>)
      %dma_wait3A_264 = arith.constant 0 : i32
      %dma_wait3A_265 = arith.constant 0 : i32
      %dma_wait3A_266 = tpu.memref_slice %arg8[%run_scoped3A_162, %dma_wait3A_264, %dma_wait3A_265] : memref<2x128x128xf32, #tpu.memory_space<vmem>> -> memref<1x128x128xf32, #tpu.memory_space<vmem>>
      %dma_wait3A_267 = tpu.memref_squeeze %dma_wait3A_266 : memref<1x128x128xf32, #tpu.memory_space<vmem>> -> memref<128x128xf32, #tpu.memory_space<vmem>>
      %dma_wait3A_268 = arith.constant 0 : i32
      %dma_wait3A_269 = tpu.memref_slice %arg9[%add3A_161, %dma_wait3A_268] : memref<10112x128xf32, #tpu.memory_space<vmem_shared>> -> memref<128x128xf32, #tpu.memory_space<vmem_shared>>
      %dma_wait3A_270 = arith.constant 0 : i32
      %dma_wait3A_271 = arith.constant 0 : i32
      %dma_wait3A_272 = tpu.memref_slice %arg8[%run_scoped3A_162, %dma_wait3A_270, %dma_wait3A_271] : memref<2x128x128xf32, #tpu.memory_space<vmem>> -> memref<1x128x128xf32, #tpu.memory_space<vmem>>
      %dma_wait3A_273 = tpu.memref_squeeze %dma_wait3A_272 : memref<1x128x128xf32, #tpu.memory_space<vmem>> -> memref<128x128xf32, #tpu.memory_space<vmem>>
      %dma_wait3A_274 = arith.constant 0 : i32
      %dma_wait3A_275 = tpu.memref_slice %arg9[%add3A_161, %dma_wait3A_274] : memref<10112x128xf32, #tpu.memory_space<vmem_shared>> -> memref<128x128xf32, #tpu.memory_space<vmem_shared>>
      tpu.wait_dma2 semaphore(%run_scoped3A_251 : memref<!tpu.dma_semaphore, #tpu.memory_space<semaphore_mem>>) src(%dma_wait3A_275 : memref<128x128xf32, #tpu.memory_space<vmem_shared>>) dst(%dma_wait3A_273 : memref<128x128xf32, #tpu.memory_space<vmem>>)
      tpu.yield
    }) : () -> ()
    %add3A_163 = arith.constant 384 : i32
    %add3A_164 = arith.addi %mul3A_45, %add3A_163 : i32
    %dma_start3A_165 = arith.constant 1 : i32
    %dma_start3A_166 = arith.constant 0 : i32
    %dma_start3A_167 = arith.constant 0 : i32
    %dma_start3A_168 = tpu.memref_slice %arg8[%dma_start3A_165, %dma_start3A_166, %dma_start3A_167] : memref<2x128x128xf32, #tpu.memory_space<vmem>> -> memref<1x128x128xf32, #tpu.memory_space<vmem>>
    %dma_start3A_169 = tpu.memref_squeeze %dma_start3A_168 : memref<1x128x128xf32, #tpu.memory_space<vmem>> -> memref<128x128xf32, #tpu.memory_space<vmem>>
    %dma_start3A_170 = arith.constant 0 : i32
    %dma_start3A_171 = tpu.memref_slice %arg5[%arg0, %add3A_164, %dma_start3A_170] : memref<2x10112x128xf32, #tpu.memory_space<hbm>> -> memref<1x128x128xf32, #tpu.memory_space<hbm>>
    %dma_start3A_172 = tpu.memref_squeeze %dma_start3A_171 : memref<1x128x128xf32, #tpu.memory_space<hbm>> -> memref<128x128xf32, #tpu.memory_space<hbm>>
    %dma_start3A_173 = arith.constant 0 : i32
    %dma_start3A_174 = tpu.memref_slice %arg5[%arg0, %add3A_164, %dma_start3A_173] : memref<2x10112x128xf32, #tpu.memory_space<hbm>> -> memref<1x128x128xf32, #tpu.memory_space<hbm>>
    %dma_start3A_175 = tpu.memref_squeeze %dma_start3A_174 : memref<1x128x128xf32, #tpu.memory_space<hbm>> -> memref<128x128xf32, #tpu.memory_space<hbm>>
    %dma_start3A_176 = arith.constant 0 : i32
    %dma_start3A_177 = arith.constant 0 : i32
    %dma_start3A_178 = tpu.memref_slice %arg8[%dma_start3A_165, %dma_start3A_176, %dma_start3A_177] : memref<2x128x128xf32, #tpu.memory_space<vmem>> -> memref<1x128x128xf32, #tpu.memory_space<vmem>>
    %dma_start3A_179 = tpu.memref_squeeze %dma_start3A_178 : memref<1x128x128xf32, #tpu.memory_space<vmem>> -> memref<128x128xf32, #tpu.memory_space<vmem>>
    tpu.enqueue_dma source(%dma_start3A_179 : memref<128x128xf32, #tpu.memory_space<vmem>>) target(%dma_start3A_175 : memref<128x128xf32, #tpu.memory_space<hbm>>) target_semaphore(%arg13 : memref<!tpu.dma_semaphore, #tpu.memory_space<semaphore_mem>>)
    %add3A_180 = arith.constant 256 : i32
    %add3A_181 = arith.addi %mul3A_45, %add3A_180 : i32
    %dma_wait3A_182 = arith.constant 0 : i32
    %dma_wait3A_183 = arith.constant 0 : i32
    %dma_wait3A_184 = arith.constant 0 : i32
    %dma_wait3A_185 = tpu.memref_slice %arg8[%dma_wait3A_182, %dma_wait3A_183, %dma_wait3A_184] : memref<2x128x128xf32, #tpu.memory_space<vmem>> -> memref<1x128x128xf32, #tpu.memory_space<vmem>>
    %dma_wait3A_186 = tpu.memref_squeeze %dma_wait3A_185 : memref<1x128x128xf32, #tpu.memory_space<vmem>> -> memref<128x128xf32, #tpu.memory_space<vmem>>
    %dma_wait3A_187 = arith.constant 0 : i32
    %dma_wait3A_188 = tpu.memref_slice %arg5[%arg0, %add3A_181, %dma_wait3A_187] : memref<2x10112x128xf32, #tpu.memory_space<hbm>> -> memref<1x128x128xf32, #tpu.memory_space<hbm>>
    %dma_wait3A_189 = tpu.memref_squeeze %dma_wait3A_188 : memref<1x128x128xf32, #tpu.memory_space<hbm>> -> memref<128x128xf32, #tpu.memory_space<hbm>>
    %dma_wait3A_190 = arith.constant 0 : i32
    %dma_wait3A_191 = tpu.memref_slice %arg5[%arg0, %add3A_181, %dma_wait3A_190] : memref<2x10112x128xf32, #tpu.memory_space<hbm>> -> memref<1x128x128xf32, #tpu.memory_space<hbm>>
    %dma_wait3A_192 = tpu.memref_squeeze %dma_wait3A_191 : memref<1x128x128xf32, #tpu.memory_space<hbm>> -> memref<128x128xf32, #tpu.memory_space<hbm>>
    %dma_wait3A_193 = arith.constant 0 : i32
    %dma_wait3A_194 = arith.constant 0 : i32
    %dma_wait3A_195 = tpu.memref_slice %arg8[%dma_wait3A_182, %dma_wait3A_193, %dma_wait3A_194] : memref<2x128x128xf32, #tpu.memory_space<vmem>> -> memref<1x128x128xf32, #tpu.memory_space<vmem>>
    %dma_wait3A_196 = tpu.memref_squeeze %dma_wait3A_195 : memref<1x128x128xf32, #tpu.memory_space<vmem>> -> memref<128x128xf32, #tpu.memory_space<vmem>>
    tpu.wait_dma2 semaphore(%arg12 : memref<!tpu.dma_semaphore, #tpu.memory_space<semaphore_mem>>) src(%dma_wait3A_196 : memref<128x128xf32, #tpu.memory_space<vmem>>) dst(%dma_wait3A_192 : memref<128x128xf32, #tpu.memory_space<hbm>>)
    %add3A_197 = arith.constant 512 : i32
    %add3A_198 = arith.addi %mul3A_45, %add3A_197 : i32
    %run_scoped3A_199 = arith.constant 0 : i32
    "tpu.region"() ({
      %run_scoped3A_251 = tpu.sem_alloc : memref<!tpu.dma_semaphore, #tpu.memory_space<semaphore_mem>>
      %dma_start3A_252 = arith.constant 0 : i32
      %dma_start3A_253 = arith.constant 0 : i32
      %dma_start3A_254 = tpu.memref_slice %arg8[%run_scoped3A_199, %dma_start3A_252, %dma_start3A_253] : memref<2x128x128xf32, #tpu.memory_space<vmem>> -> memref<1x120x128xf32, #tpu.memory_space<vmem>>
      %dma_start3A_255 = tpu.memref_squeeze %dma_start3A_254 : memref<1x120x128xf32, #tpu.memory_space<vmem>> -> memref<120x128xf32, #tpu.memory_space<vmem>>
      %dma_start3A_256 = arith.constant 0 : i32
      %dma_start3A_257 = tpu.memref_slice %arg9[%add3A_198, %dma_start3A_256] : memref<10112x128xf32, #tpu.memory_space<vmem_shared>> -> memref<120x128xf32, #tpu.memory_space<vmem_shared>>
      %dma_start3A_258 = arith.constant 0 : i32
      %dma_start3A_259 = arith.constant 0 : i32
      %dma_start3A_260 = tpu.memref_slice %arg8[%run_scoped3A_199, %dma_start3A_258, %dma_start3A_259] : memref<2x128x128xf32, #tpu.memory_space<vmem>> -> memref<1x120x128xf32, #tpu.memory_space<vmem>>
      %dma_start3A_261 = tpu.memref_squeeze %dma_start3A_260 : memref<1x120x128xf32, #tpu.memory_space<vmem>> -> memref<120x128xf32, #tpu.memory_space<vmem>>
      %dma_start3A_262 = arith.constant 0 : i32
      %dma_start3A_263 = tpu.memref_slice %arg9[%add3A_198, %dma_start3A_262] : memref<10112x128xf32, #tpu.memory_space<vmem_shared>> -> memref<120x128xf32, #tpu.memory_space<vmem_shared>>
      tpu.enqueue_dma source(%dma_start3A_263 : memref<120x128xf32, #tpu.memory_space<vmem_shared>>) target(%dma_start3A_261 : memref<120x128xf32, #tpu.memory_space<vmem>>) target_semaphore(%run_scoped3A_251 : memref<!tpu.dma_semaphore, #tpu.memory_space<semaphore_mem>>)
      %dma_wait3A_264 = arith.constant 0 : i32
      %dma_wait3A_265 = arith.constant 0 : i32
      %dma_wait3A_266 = tpu.memref_slice %arg8[%run_scoped3A_199, %dma_wait3A_264, %dma_wait3A_265] : memref<2x128x128xf32, #tpu.memory_space<vmem>> -> memref<1x120x128xf32, #tpu.memory_space<vmem>>
      %dma_wait3A_267 = tpu.memref_squeeze %dma_wait3A_266 : memref<1x120x128xf32, #tpu.memory_space<vmem>> -> memref<120x128xf32, #tpu.memory_space<vmem>>
      %dma_wait3A_268 = arith.constant 0 : i32
      %dma_wait3A_269 = tpu.memref_slice %arg9[%add3A_198, %dma_wait3A_268] : memref<10112x128xf32, #tpu.memory_space<vmem_shared>> -> memref<120x128xf32, #tpu.memory_space<vmem_shared>>
      %dma_wait3A_270 = arith.constant 0 : i32
      %dma_wait3A_271 = arith.constant 0 : i32
      %dma_wait3A_272 = tpu.memref_slice %arg8[%run_scoped3A_199, %dma_wait3A_270, %dma_wait3A_271] : memref<2x128x128xf32, #tpu.memory_space<vmem>> -> memref<1x120x128xf32, #tpu.memory_space<vmem>>
      %dma_wait3A_273 = tpu.memref_squeeze %dma_wait3A_272 : memref<1x120x128xf32, #tpu.memory_space<vmem>> -> memref<120x128xf32, #tpu.memory_space<vmem>>
      %dma_wait3A_274 = arith.constant 0 : i32
      %dma_wait3A_275 = tpu.memref_slice %arg9[%add3A_198, %dma_wait3A_274] : memref<10112x128xf32, #tpu.memory_space<vmem_shared>> -> memref<120x128xf32, #tpu.memory_space<vmem_shared>>
      tpu.wait_dma2 semaphore(%run_scoped3A_251 : memref<!tpu.dma_semaphore, #tpu.memory_space<semaphore_mem>>) src(%dma_wait3A_275 : memref<120x128xf32, #tpu.memory_space<vmem_shared>>) dst(%dma_wait3A_273 : memref<120x128xf32, #tpu.memory_space<vmem>>)
      tpu.yield
    }) : () -> ()
    %add3A_200 = arith.constant 512 : i32
    %add3A_201 = arith.addi %mul3A_45, %add3A_200 : i32
    %dma_start3A_202 = arith.constant 0 : i32
    %dma_start3A_203 = arith.constant 0 : i32
    %dma_start3A_204 = arith.constant 0 : i32
    %dma_start3A_205 = tpu.memref_slice %arg8[%dma_start3A_202, %dma_start3A_203, %dma_start3A_204] : memref<2x128x128xf32, #tpu.memory_space<vmem>> -> memref<1x120x128xf32, #tpu.memory_space<vmem>>
    %dma_start3A_206 = tpu.memref_squeeze %dma_start3A_205 : memref<1x120x128xf32, #tpu.memory_space<vmem>> -> memref<120x128xf32, #tpu.memory_space<vmem>>
    %dma_start3A_207 = arith.constant 0 : i32
    %dma_start3A_208 = tpu.memref_slice %arg5[%arg0, %add3A_201, %dma_start3A_207] : memref<2x10112x128xf32, #tpu.memory_space<hbm>> -> memref<1x120x128xf32, #tpu.memory_space<hbm>>
    %dma_start3A_209 = tpu.memref_squeeze %dma_start3A_208 : memref<1x120x128xf32, #tpu.memory_space<hbm>> -> memref<120x128xf32, #tpu.memory_space<hbm>>
    %dma_start3A_210 = arith.constant 0 : i32
    %dma_start3A_211 = tpu.memref_slice %arg5[%arg0, %add3A_201, %dma_start3A_210] : memref<2x10112x128xf32, #tpu.memory_space<hbm>> -> memref<1x120x128xf32, #tpu.memory_space<hbm>>
    %dma_start3A_212 = tpu.memref_squeeze %dma_start3A_211 : memref<1x120x128xf32, #tpu.memory_space<hbm>> -> memref<120x128xf32, #tpu.memory_space<hbm>>
    %dma_start3A_213 = arith.constant 0 : i32
    %dma_start3A_214 = arith.constant 0 : i32
    %dma_start3A_215 = tpu.memref_slice %arg8[%dma_start3A_202, %dma_start3A_213, %dma_start3A_214] : memref<2x128x128xf32, #tpu.memory_space<vmem>> -> memref<1x120x128xf32, #tpu.memory_space<vmem>>
    %dma_start3A_216 = tpu.memref_squeeze %dma_start3A_215 : memref<1x120x128xf32, #tpu.memory_space<vmem>> -> memref<120x128xf32, #tpu.memory_space<vmem>>
    tpu.enqueue_dma source(%dma_start3A_216 : memref<120x128xf32, #tpu.memory_space<vmem>>) target(%dma_start3A_212 : memref<120x128xf32, #tpu.memory_space<hbm>>) target_semaphore(%arg12 : memref<!tpu.dma_semaphore, #tpu.memory_space<semaphore_mem>>)
    %add3A_217 = arith.constant 384 : i32
    %add3A_218 = arith.addi %mul3A_45, %add3A_217 : i32
    %dma_wait3A_219 = arith.constant 1 : i32
    %dma_wait3A_220 = arith.constant 0 : i32
    %dma_wait3A_221 = arith.constant 0 : i32
    %dma_wait3A_222 = tpu.memref_slice %arg8[%dma_wait3A_219, %dma_wait3A_220, %dma_wait3A_221] : memref<2x128x128xf32, #tpu.memory_space<vmem>> -> memref<1x128x128xf32, #tpu.memory_space<vmem>>
    %dma_wait3A_223 = tpu.memref_squeeze %dma_wait3A_222 : memref<1x128x128xf32, #tpu.memory_space<vmem>> -> memref<128x128xf32, #tpu.memory_space<vmem>>
    %dma_wait3A_224 = arith.constant 0 : i32
    %dma_wait3A_225 = tpu.memref_slice %arg5[%arg0, %add3A_218, %dma_wait3A_224] : memref<2x10112x128xf32, #tpu.memory_space<hbm>> -> memref<1x128x128xf32, #tpu.memory_space<hbm>>
    %dma_wait3A_226 = tpu.memref_squeeze %dma_wait3A_225 : memref<1x128x128xf32, #tpu.memory_space<hbm>> -> memref<128x128xf32, #tpu.memory_space<hbm>>
    %dma_wait3A_227 = arith.constant 0 : i32
    %dma_wait3A_228 = tpu.memref_slice %arg5[%arg0, %add3A_218, %dma_wait3A_227] : memref<2x10112x128xf32, #tpu.memory_space<hbm>> -> memref<1x128x128xf32, #tpu.memory_space<hbm>>
    %dma_wait3A_229 = tpu.memref_squeeze %dma_wait3A_228 : memref<1x128x128xf32, #tpu.memory_space<hbm>> -> memref<128x128xf32, #tpu.memory_space<hbm>>
    %dma_wait3A_230 = arith.constant 0 : i32
    %dma_wait3A_231 = arith.constant 0 : i32
    %dma_wait3A_232 = tpu.memref_slice %arg8[%dma_wait3A_219, %dma_wait3A_230, %dma_wait3A_231] : memref<2x128x128xf32, #tpu.memory_space<vmem>> -> memref<1x128x128xf32, #tpu.memory_space<vmem>>
    %dma_wait3A_233 = tpu.memref_squeeze %dma_wait3A_232 : memref<1x128x128xf32, #tpu.memory_space<vmem>> -> memref<128x128xf32, #tpu.memory_space<vmem>>
    tpu.wait_dma2 semaphore(%arg13 : memref<!tpu.dma_semaphore, #tpu.memory_space<semaphore_mem>>) src(%dma_wait3A_233 : memref<128x128xf32, #tpu.memory_space<vmem>>) dst(%dma_wait3A_229 : memref<128x128xf32, #tpu.memory_space<hbm>>)
    %add3A_234 = arith.constant 512 : i32
    %add3A_235 = arith.addi %mul3A_45, %add3A_234 : i32
    %dma_wait3A_236 = arith.constant 0 : i32
    %dma_wait3A_237 = arith.constant 0 : i32
    %dma_wait3A_238 = arith.constant 0 : i32
    %dma_wait3A_239 = tpu.memref_slice %arg8[%dma_wait3A_236, %dma_wait3A_237, %dma_wait3A_238] : memref<2x128x128xf32, #tpu.memory_space<vmem>> -> memref<1x120x128xf32, #tpu.memory_space<vmem>>
    %dma_wait3A_240 = tpu.memref_squeeze %dma_wait3A_239 : memref<1x120x128xf32, #tpu.memory_space<vmem>> -> memref<120x128xf32, #tpu.memory_space<vmem>>
    %dma_wait3A_241 = arith.constant 0 : i32
    %dma_wait3A_242 = tpu.memref_slice %arg5[%arg0, %add3A_235, %dma_wait3A_241] : memref<2x10112x128xf32, #tpu.memory_space<hbm>> -> memref<1x120x128xf32, #tpu.memory_space<hbm>>
    %dma_wait3A_243 = tpu.memref_squeeze %dma_wait3A_242 : memref<1x120x128xf32, #tpu.memory_space<hbm>> -> memref<120x128xf32, #tpu.memory_space<hbm>>
    %dma_wait3A_244 = arith.constant 0 : i32
    %dma_wait3A_245 = tpu.memref_slice %arg5[%arg0, %add3A_235, %dma_wait3A_244] : memref<2x10112x128xf32, #tpu.memory_space<hbm>> -> memref<1x120x128xf32, #tpu.memory_space<hbm>>
    %dma_wait3A_246 = tpu.memref_squeeze %dma_wait3A_245 : memref<1x120x128xf32, #tpu.memory_space<hbm>> -> memref<120x128xf32, #tpu.memory_space<hbm>>
    %dma_wait3A_247 = arith.constant 0 : i32
    %dma_wait3A_248 = arith.constant 0 : i32
    %dma_wait3A_249 = tpu.memref_slice %arg8[%dma_wait3A_236, %dma_wait3A_247, %dma_wait3A_248] : memref<2x128x128xf32, #tpu.memory_space<vmem>> -> memref<1x120x128xf32, #tpu.memory_space<vmem>>
    %dma_wait3A_250 = tpu.memref_squeeze %dma_wait3A_249 : memref<1x120x128xf32, #tpu.memory_space<vmem>> -> memref<120x128xf32, #tpu.memory_space<vmem>>
    tpu.wait_dma2 semaphore(%arg12 : memref<!tpu.dma_semaphore, #tpu.memory_space<semaphore_mem>>) src(%dma_wait3A_250 : memref<120x128xf32, #tpu.memory_space<vmem>>) dst(%dma_wait3A_246 : memref<120x128xf32, #tpu.memory_space<hbm>>)
    return
  }
}

#map = affine_map<(d0, d1) -> (0, 0)>
#map1 = affine_map<(d0, d1) -> (0, 0, 0)>
module attributes {stable_mosaic.version = 14 : i64} {
  func.func @edge_kernel(%arg0: i32, %arg1: i32, %arg2: memref<10000x128xf32, #tpu.memory_space<hbm>>, %arg3: memref<32x10240xi32, #tpu.memory_space<hbm>>, %arg4: memref<32x80x128xi32, #tpu.memory_space<hbm>>, %arg5: memref<2x10112x128xf32, #tpu.memory_space<hbm>>, %arg6: memref<10240xi32, #tpu.memory_space<vmem>>, %arg7: memref<2x128xi32, #tpu.memory_space<vmem>>, %arg8: memref<2x128x128xf32, #tpu.memory_space<vmem>>, %arg9: memref<10112x128xf32, #tpu.memory_space<vmem_shared>>, %arg10: memref<!tpu.dma_semaphore, #tpu.memory_space<semaphore_mem>>, %arg11: memref<!tpu.dma_semaphore, #tpu.memory_space<semaphore_mem>>, %arg12: memref<!tpu.dma_semaphore, #tpu.memory_space<semaphore_mem>>, %arg13: memref<!tpu.dma_semaphore, #tpu.memory_space<semaphore_mem>>, %arg14: memref<!tpu.dma_semaphore, #tpu.memory_space<semaphore_mem>>, %arg15: memref<!tpu.dma_semaphore, #tpu.memory_space<semaphore_mem>>) attributes {dimension_semantics = [#tpu.dimension_semantics<core_parallel>, #tpu.dimension_semantics<subcore_parallel>], iteration_bounds = array<i64: 2, 16>, scalar_prefetch = 0 : i64, scratch_operands = 10 : i64, tpu.core_type = #tpu.core_type<sc_vector_subcore>, window_params = [{transform_indices = #map}, {transform_indices = #map}, {transform_indices = #map1}, {transform_indices = #map1}]} {
    %mul3A = arith.constant 16 : i32
    %mul3A_0 = arith.muli %arg0, %mul3A : i32
    %add3A = arith.addi %mul3A_0, %arg1 : i32
    "tpu.region"() ({
      %run_scoped3A_251 = tpu.sem_alloc : memref<!tpu.dma_semaphore, #tpu.memory_space<semaphore_mem>>
      %dma_start3A_252 = arith.constant 0 : i32
      %dma_start3A_253 = tpu.memref_slice %arg3[%add3A, %dma_start3A_252] : memref<32x10240xi32, #tpu.memory_space<hbm>> -> memref<1x10240xi32, #tpu.memory_space<hbm>>
      %dma_start3A_254 = tpu.memref_squeeze %dma_start3A_253 : memref<1x10240xi32, #tpu.memory_space<hbm>> -> memref<10240xi32, #tpu.memory_space<hbm>>
      %dma_start3A_255 = arith.constant 0 : i32
      %dma_start3A_256 = tpu.memref_slice %arg3[%add3A, %dma_start3A_255] : memref<32x10240xi32, #tpu.memory_space<hbm>> -> memref<1x10240xi32, #tpu.memory_space<hbm>>
      %dma_start3A_257 = tpu.memref_squeeze %dma_start3A_256 : memref<1x10240xi32, #tpu.memory_space<hbm>> -> memref<10240xi32, #tpu.memory_space<hbm>>
      tpu.enqueue_dma source(%dma_start3A_257 : memref<10240xi32, #tpu.memory_space<hbm>>) target(%arg6 : memref<10240xi32, #tpu.memory_space<vmem>>) target_semaphore(%run_scoped3A_251 : memref<!tpu.dma_semaphore, #tpu.memory_space<semaphore_mem>>)
      %dma_wait3A_258 = arith.constant 0 : i32
      %dma_wait3A_259 = tpu.memref_slice %arg3[%add3A, %dma_wait3A_258] : memref<32x10240xi32, #tpu.memory_space<hbm>> -> memref<1x10240xi32, #tpu.memory_space<hbm>>
      %dma_wait3A_260 = tpu.memref_squeeze %dma_wait3A_259 : memref<1x10240xi32, #tpu.memory_space<hbm>> -> memref<10240xi32, #tpu.memory_space<hbm>>
      %dma_wait3A_261 = arith.constant 0 : i32
      %dma_wait3A_262 = tpu.memref_slice %arg3[%add3A, %dma_wait3A_261] : memref<32x10240xi32, #tpu.memory_space<hbm>> -> memref<1x10240xi32, #tpu.memory_space<hbm>>
      %dma_wait3A_263 = tpu.memref_squeeze %dma_wait3A_262 : memref<1x10240xi32, #tpu.memory_space<hbm>> -> memref<10240xi32, #tpu.memory_space<hbm>>
      tpu.wait_dma2 semaphore(%run_scoped3A_251 : memref<!tpu.dma_semaphore, #tpu.memory_space<semaphore_mem>>) src(%dma_wait3A_263 : memref<10240xi32, #tpu.memory_space<hbm>>) dst(%arg6 : memref<10240xi32, #tpu.memory_space<vmem>>)
      tpu.yield
    }) : () -> ()
    %dma_start3A = arith.constant 0 : i32
    %dma_start3A_1 = arith.constant 0 : i32
    %dma_start3A_2 = arith.constant 0 : i32
    %dma_start3A_3 = tpu.memref_slice %arg8[%dma_start3A, %dma_start3A_1, %dma_start3A_2] : memref<2x128x128xf32, #tpu.memory_space<vmem>> -> memref<1x128x128xf32, #tpu.memory_space<vmem>>
    %dma_start3A_4 = tpu.memref_squeeze %dma_start3A_3 : memref<1x128x128xf32, #tpu.memory_space<vmem>> -> memref<128x128xf32, #tpu.memory_space<vmem>>
    %dma_start3A_5 = arith.constant 0 : i32
    %dma_start3A_6 = tpu.memref_slice %arg6[%dma_start3A_5] : memref<10240xi32, #tpu.memory_space<vmem>> -> memref<128xi32, #tpu.memory_space<vmem>>
    %dma_start3A_7 = arith.constant 0 : i32
    %dma_start3A_8 = arith.constant 0 : i32
    %dma_start3A_9 = tpu.memref_slice %arg2[%dma_start3A_7, %dma_start3A_8] : memref<10000x128xf32, #tpu.memory_space<hbm>> -> memref<10000x128xf32, #tpu.memory_space<hbm>>
    tpu.enqueue_indirect_dma source(%dma_start3A_9 : memref<10000x128xf32, #tpu.memory_space<hbm>>) target(%dma_start3A_4 : memref<128x128xf32, #tpu.memory_space<vmem>>) offsets(%dma_start3A_6 : memref<128xi32, #tpu.memory_space<vmem>>) semaphore(%arg10 : memref<!tpu.dma_semaphore, #tpu.memory_space<semaphore_mem>>)
    %dma_start3A_10 = arith.constant 0 : i32
    %dma_start3A_11 = arith.constant 0 : i32
    %dma_start3A_12 = arith.constant 0 : i32
    %dma_start3A_13 = tpu.memref_slice %arg7[%dma_start3A_11, %dma_start3A_12] : memref<2x128xi32, #tpu.memory_space<vmem>> -> memref<1x128xi32, #tpu.memory_space<vmem>>
    %dma_start3A_14 = tpu.memref_squeeze %dma_start3A_13 : memref<1x128xi32, #tpu.memory_space<vmem>> -> memref<128xi32, #tpu.memory_space<vmem>>
    %dma_start3A_15 = arith.constant 0 : i32
    %dma_start3A_16 = tpu.memref_slice %arg4[%add3A, %dma_start3A_10, %dma_start3A_15] : memref<32x80x128xi32, #tpu.memory_space<hbm>> -> memref<1x1x128xi32, #tpu.memory_space<hbm>>
    %dma_start3A_17 = tpu.memref_squeeze %dma_start3A_16 : memref<1x1x128xi32, #tpu.memory_space<hbm>> -> memref<128xi32, #tpu.memory_space<hbm>>
    %dma_start3A_18 = arith.constant 0 : i32
    %dma_start3A_19 = tpu.memref_slice %arg7[%dma_start3A_11, %dma_start3A_18] : memref<2x128xi32, #tpu.memory_space<vmem>> -> memref<1x128xi32, #tpu.memory_space<vmem>>
    %dma_start3A_20 = tpu.memref_squeeze %dma_start3A_19 : memref<1x128xi32, #tpu.memory_space<vmem>> -> memref<128xi32, #tpu.memory_space<vmem>>
    %dma_start3A_21 = arith.constant 0 : i32
    %dma_start3A_22 = tpu.memref_slice %arg4[%add3A, %dma_start3A_10, %dma_start3A_21] : memref<32x80x128xi32, #tpu.memory_space<hbm>> -> memref<1x1x128xi32, #tpu.memory_space<hbm>>
    %dma_start3A_23 = tpu.memref_squeeze %dma_start3A_22 : memref<1x1x128xi32, #tpu.memory_space<hbm>> -> memref<128xi32, #tpu.memory_space<hbm>>
    tpu.enqueue_dma source(%dma_start3A_23 : memref<128xi32, #tpu.memory_space<hbm>>) target(%dma_start3A_20 : memref<128xi32, #tpu.memory_space<vmem>>) target_semaphore(%arg14 : memref<!tpu.dma_semaphore, #tpu.memory_space<semaphore_mem>>)
    %dma_start3A_24 = arith.constant 1 : i32
    %dma_start3A_25 = arith.constant 1 : i32
    %dma_start3A_26 = arith.constant 0 : i32
    %dma_start3A_27 = tpu.memref_slice %arg7[%dma_start3A_25, %dma_start3A_26] : memref<2x128xi32, #tpu.memory_space<vmem>> -> memref<1x128xi32, #tpu.memory_space<vmem>>
    %dma_start3A_28 = tpu.memref_squeeze %dma_start3A_27 : memref<1x128xi32, #tpu.memory_space<vmem>> -> memref<128xi32, #tpu.memory_space<vmem>>
    %dma_start3A_29 = arith.constant 0 : i32
    %dma_start3A_30 = tpu.memref_slice %arg4[%add3A, %dma_start3A_24, %dma_start3A_29] : memref<32x80x128xi32, #tpu.memory_space<hbm>> -> memref<1x1x128xi32, #tpu.memory_space<hbm>>
    %dma_start3A_31 = tpu.memref_squeeze %dma_start3A_30 : memref<1x1x128xi32, #tpu.memory_space<hbm>> -> memref<128xi32, #tpu.memory_space<hbm>>
    %dma_start3A_32 = arith.constant 0 : i32
    %dma_start3A_33 = tpu.memref_slice %arg7[%dma_start3A_25, %dma_start3A_32] : memref<2x128xi32, #tpu.memory_space<vmem>> -> memref<1x128xi32, #tpu.memory_space<vmem>>
    %dma_start3A_34 = tpu.memref_squeeze %dma_start3A_33 : memref<1x128xi32, #tpu.memory_space<vmem>> -> memref<128xi32, #tpu.memory_space<vmem>>
    %dma_start3A_35 = arith.constant 0 : i32
    %dma_start3A_36 = tpu.memref_slice %arg4[%add3A, %dma_start3A_24, %dma_start3A_35] : memref<32x80x128xi32, #tpu.memory_space<hbm>> -> memref<1x1x128xi32, #tpu.memory_space<hbm>>
    %dma_start3A_37 = tpu.memref_squeeze %dma_start3A_36 : memref<1x1x128xi32, #tpu.memory_space<hbm>> -> memref<128xi32, #tpu.memory_space<hbm>>
    tpu.enqueue_dma source(%dma_start3A_37 : memref<128xi32, #tpu.memory_space<hbm>>) target(%dma_start3A_34 : memref<128xi32, #tpu.memory_space<vmem>>) target_semaphore(%arg15 : memref<!tpu.dma_semaphore, #tpu.memory_space<semaphore_mem>>)
    %broadcast_in_dim3A = arith.constant 0.000000e+00 : f32
    %broadcast_in_dim3A_38 = vector.broadcast %broadcast_in_dim3A : f32 to vector<16xf32>
    %scan3A = arith.constant 0 : i32
    %scan3A_39 = arith.constant 0 : i32
    %scan3A_40 = arith.constant 1024 : i32
    %scan3A_41 = arith.addi %scan3A_39, %scan3A_40 : i32
    %scan3A_42 = arith.constant 1 : i32
    scf.for %scan3A_251 = %scan3A_39 to %scan3A_41 step %scan3A_42  : i32 {
      %jit3A = arith.constant 8 : i32
      %div3A = arith.divsi %scan3A_251, %jit3A : i32
      %sign3A = arith.constant 0 : i32
      %sign3A_252 = arith.cmpi sgt, %scan3A_251, %sign3A : i32
      %sign3A_253 = arith.extui %sign3A_252 : i1 to i32
      %sign3A_254 = arith.constant 0 : i32
      %sign3A_255 = arith.cmpi slt, %scan3A_251, %sign3A_254 : i32
      %sign3A_256 = arith.extui %sign3A_255 : i1 to i32
      %sign3A_257 = arith.subi %sign3A_253, %sign3A_256 : i32
      %sign3A_258 = arith.constant 0 : i32
      %sign3A_259 = arith.cmpi sgt, %jit3A, %sign3A_258 : i32
      %sign3A_260 = arith.extui %sign3A_259 : i1 to i32
      %sign3A_261 = arith.constant 0 : i32
      %sign3A_262 = arith.cmpi slt, %jit3A, %sign3A_261 : i32
      %sign3A_263 = arith.extui %sign3A_262 : i1 to i32
      %sign3A_264 = arith.subi %sign3A_260, %sign3A_263 : i32
      %ne3A = arith.cmpi ne, %sign3A_257, %sign3A_264 : i32
      %rem3A = arith.remsi %scan3A_251, %jit3A : i32
      %ne3A_265 = arith.constant 0 : i32
      %ne3A_266 = arith.cmpi ne, %rem3A, %ne3A_265 : i32
      %and3A = arith.andi %ne3A, %ne3A_266 : i1
      %sub3A = arith.constant 1 : i32
      %sub3A_267 = arith.subi %div3A, %sub3A : i32
      %select_n3A = arith.select %and3A, %sub3A_267, %div3A : i32
      %rem3A_268 = arith.constant 8 : i32
      %rem3A_269 = arith.remsi %scan3A_251, %rem3A_268 : i32
      %mul3A_270 = arith.constant 16 : i32
      %mul3A_271 = arith.muli %rem3A_269, %mul3A_270 : i32
      %swap3A = arith.constant 1 : i32
      %swap3A_272 = arith.index_cast %swap3A : i32 to index
      %swap3A_273 = arith.index_cast %select_n3A : i32 to index
      %swap3A_274 = arith.index_cast %mul3A_271 : i32 to index
      %swap3A_275 = tpu.vector_load %arg8[%swap3A_272, %swap3A_273, %swap3A_274] {strides = array<i32>} : memref<2x128x128xf32, #tpu.memory_space<vmem>>, vector<16xf32>,
      tpu.vector_store %arg8[%swap3A_272, %swap3A_273, %swap3A_274], %broadcast_in_dim3A_38 {strides = array<i32>} : memref<2x128x128xf32, #tpu.memory_space<vmem>>, vector<16xf32>,
    }
    %scan3A_43 = arith.constant 1024 : i32
    %mul3A_44 = arith.constant 632 : i32
    %mul3A_45 = arith.muli %arg1, %mul3A_44 : i32
    %add3A_46 = arith.constant 0 : i32
    %add3A_47 = arith.addi %mul3A_45, %add3A_46 : i32
    %run_scoped3A = arith.constant 1 : i32
    "tpu.region"() ({
      %run_scoped3A_251 = tpu.sem_alloc : memref<!tpu.dma_semaphore, #tpu.memory_space<semaphore_mem>>
      %dma_start3A_252 = arith.constant 0 : i32
      %dma_start3A_253 = arith.constant 0 : i32
      %dma_start3A_254 = tpu.memref_slice %arg8[%run_scoped3A, %dma_start3A_252, %dma_start3A_253] : memref<2x128x128xf32, #tpu.memory_space<vmem>> -> memref<1x128x128xf32, #tpu.memory_space<vmem>>
      %dma_start3A_255 = tpu.memref_squeeze %dma_start3A_254 : memref<1x128x128xf32, #tpu.memory_space<vmem>> -> memref<128x128xf32, #tpu.memory_space<vmem>>
      %dma_start3A_256 = arith.constant 0 : i32
      %dma_start3A_257 = tpu.memref_slice %arg9[%add3A_47, %dma_start3A_256] : memref<10112x128xf32, #tpu.memory_space<vmem_shared>> -> memref<128x128xf32, #tpu.memory_space<vmem_shared>>
      %dma_start3A_258 = arith.constant 0 : i32
      %dma_start3A_259 = tpu.memref_slice %arg9[%add3A_47, %dma_start3A_258] : memref<10112x128xf32, #tpu.memory_space<vmem_shared>> -> memref<128x128xf32, #tpu.memory_space<vmem_shared>>
      %dma_start3A_260 = arith.constant 0 : i32
      %dma_start3A_261 = arith.constant 0 : i32
      %dma_start3A_262 = tpu.memref_slice %arg8[%run_scoped3A, %dma_start3A_260, %dma_start3A_261] : memref<2x128x128xf32, #tpu.memory_space<vmem>> -> memref<1x128x128xf32, #tpu.memory_space<vmem>>
      %dma_start3A_263 = tpu.memref_squeeze %dma_start3A_262 : memref<1x128x128xf32, #tpu.memory_space<vmem>> -> memref<128x128xf32, #tpu.memory_space<vmem>>
      tpu.enqueue_dma source(%dma_start3A_263 : memref<128x128xf32, #tpu.memory_space<vmem>>) target(%dma_start3A_259 : memref<128x128xf32, #tpu.memory_space<vmem_shared>>) target_semaphore(%run_scoped3A_251 : memref<!tpu.dma_semaphore, #tpu.memory_space<semaphore_mem>>)
      %dma_wait3A_264 = arith.constant 0 : i32
      %dma_wait3A_265 = arith.constant 0 : i32
      %dma_wait3A_266 = tpu.memref_slice %arg8[%run_scoped3A, %dma_wait3A_264, %dma_wait3A_265] : memref<2x128x128xf32, #tpu.memory_space<vmem>> -> memref<1x128x128xf32, #tpu.memory_space<vmem>>
      %dma_wait3A_267 = tpu.memref_squeeze %dma_wait3A_266 : memref<1x128x128xf32, #tpu.memory_space<vmem>> -> memref<128x128xf32, #tpu.memory_space<vmem>>
      %dma_wait3A_268 = arith.constant 0 : i32
      %dma_wait3A_269 = tpu.memref_slice %arg9[%add3A_47, %dma_wait3A_268] : memref<10112x128xf32, #tpu.memory_space<vmem_shared>> -> memref<128x128xf32, #tpu.memory_space<vmem_shared>>
      %dma_wait3A_270 = arith.constant 0 : i32
      %dma_wait3A_271 = tpu.memref_slice %arg9[%add3A_47, %dma_wait3A_270] : memref<10112x128xf32, #tpu.memory_space<vmem_shared>> -> memref<128x128xf32, #tpu.memory_space<vmem_shared>>
      %dma_wait3A_272 = arith.constant 0 : i32
      %dma_wait3A_273 = arith.constant 0 : i32
      %dma_wait3A_274 = tpu.memref_slice %arg8[%run_scoped3A, %dma_wait3A_272, %dma_wait3A_273] : memref<2x128x128xf32, #tpu.memory_space<vmem>> -> memref<1x128x128xf32, #tpu.memory_space<vmem>>
      %dma_wait3A_275 = tpu.memref_squeeze %dma_wait3A_274 : memref<1x128x128xf32, #tpu.memory_space<vmem>> -> memref<128x128xf32, #tpu.memory_space<vmem>>
      tpu.wait_dma2 semaphore(%run_scoped3A_251 : memref<!tpu.dma_semaphore, #tpu.memory_space<semaphore_mem>>) src(%dma_wait3A_275 : memref<128x128xf32, #tpu.memory_space<vmem>>) dst(%dma_wait3A_271 : memref<128x128xf32, #tpu.memory_space<vmem_shared>>)
      tpu.yield
    }) : () -> ()
    %add3A_48 = arith.constant 128 : i32
    %add3A_49 = arith.addi %mul3A_45, %add3A_48 : i32
    %run_scoped3A_50 = arith.constant 1 : i32
    "tpu.region"() ({
      %run_scoped3A_251 = tpu.sem_alloc : memref<!tpu.dma_semaphore, #tpu.memory_space<semaphore_mem>>
      %dma_start3A_252 = arith.constant 0 : i32
      %dma_start3A_253 = arith.constant 0 : i32
      %dma_start3A_254 = tpu.memref_slice %arg8[%run_scoped3A_50, %dma_start3A_252, %dma_start3A_253] : memref<2x128x128xf32, #tpu.memory_space<vmem>> -> memref<1x128x128xf32, #tpu.memory_space<vmem>>
      %dma_start3A_255 = tpu.memref_squeeze %dma_start3A_254 : memref<1x128x128xf32, #tpu.memory_space<vmem>> -> memref<128x128xf32, #tpu.memory_space<vmem>>
      %dma_start3A_256 = arith.constant 0 : i32
      %dma_start3A_257 = tpu.memref_slice %arg9[%add3A_49, %dma_start3A_256] : memref<10112x128xf32, #tpu.memory_space<vmem_shared>> -> memref<128x128xf32, #tpu.memory_space<vmem_shared>>
      %dma_start3A_258 = arith.constant 0 : i32
      %dma_start3A_259 = tpu.memref_slice %arg9[%add3A_49, %dma_start3A_258] : memref<10112x128xf32, #tpu.memory_space<vmem_shared>> -> memref<128x128xf32, #tpu.memory_space<vmem_shared>>
      %dma_start3A_260 = arith.constant 0 : i32
      %dma_start3A_261 = arith.constant 0 : i32
      %dma_start3A_262 = tpu.memref_slice %arg8[%run_scoped3A_50, %dma_start3A_260, %dma_start3A_261] : memref<2x128x128xf32, #tpu.memory_space<vmem>> -> memref<1x128x128xf32, #tpu.memory_space<vmem>>
      %dma_start3A_263 = tpu.memref_squeeze %dma_start3A_262 : memref<1x128x128xf32, #tpu.memory_space<vmem>> -> memref<128x128xf32, #tpu.memory_space<vmem>>
      tpu.enqueue_dma source(%dma_start3A_263 : memref<128x128xf32, #tpu.memory_space<vmem>>) target(%dma_start3A_259 : memref<128x128xf32, #tpu.memory_space<vmem_shared>>) target_semaphore(%run_scoped3A_251 : memref<!tpu.dma_semaphore, #tpu.memory_space<semaphore_mem>>)
      %dma_wait3A_264 = arith.constant 0 : i32
      %dma_wait3A_265 = arith.constant 0 : i32
      %dma_wait3A_266 = tpu.memref_slice %arg8[%run_scoped3A_50, %dma_wait3A_264, %dma_wait3A_265] : memref<2x128x128xf32, #tpu.memory_space<vmem>> -> memref<1x128x128xf32, #tpu.memory_space<vmem>>
      %dma_wait3A_267 = tpu.memref_squeeze %dma_wait3A_266 : memref<1x128x128xf32, #tpu.memory_space<vmem>> -> memref<128x128xf32, #tpu.memory_space<vmem>>
      %dma_wait3A_268 = arith.constant 0 : i32
      %dma_wait3A_269 = tpu.memref_slice %arg9[%add3A_49, %dma_wait3A_268] : memref<10112x128xf32, #tpu.memory_space<vmem_shared>> -> memref<128x128xf32, #tpu.memory_space<vmem_shared>>
      %dma_wait3A_270 = arith.constant 0 : i32
      %dma_wait3A_271 = tpu.memref_slice %arg9[%add3A_49, %dma_wait3A_270] : memref<10112x128xf32, #tpu.memory_space<vmem_shared>> -> memref<128x128xf32, #tpu.memory_space<vmem_shared>>
      %dma_wait3A_272 = arith.constant 0 : i32
      %dma_wait3A_273 = arith.constant 0 : i32
      %dma_wait3A_274 = tpu.memref_slice %arg8[%run_scoped3A_50, %dma_wait3A_272, %dma_wait3A_273] : memref<2x128x128xf32, #tpu.memory_space<vmem>> -> memref<1x128x128xf32, #tpu.memory_space<vmem>>
      %dma_wait3A_275 = tpu.memref_squeeze %dma_wait3A_274 : memref<1x128x128xf32, #tpu.memory_space<vmem>> -> memref<128x128xf32, #tpu.memory_space<vmem>>
      tpu.wait_dma2 semaphore(%run_scoped3A_251 : memref<!tpu.dma_semaphore, #tpu.memory_space<semaphore_mem>>) src(%dma_wait3A_275 : memref<128x128xf32, #tpu.memory_space<vmem>>) dst(%dma_wait3A_271 : memref<128x128xf32, #tpu.memory_space<vmem_shared>>)
      tpu.yield
    }) : () -> ()
    %add3A_51 = arith.constant 256 : i32
    %add3A_52 = arith.addi %mul3A_45, %add3A_51 : i32
    %run_scoped3A_53 = arith.constant 1 : i32
    "tpu.region"() ({
      %run_scoped3A_251 = tpu.sem_alloc : memref<!tpu.dma_semaphore, #tpu.memory_space<semaphore_mem>>
      %dma_start3A_252 = arith.constant 0 : i32
      %dma_start3A_253 = arith.constant 0 : i32
      %dma_start3A_254 = tpu.memref_slice %arg8[%run_scoped3A_53, %dma_start3A_252, %dma_start3A_253] : memref<2x128x128xf32, #tpu.memory_space<vmem>> -> memref<1x128x128xf32, #tpu.memory_space<vmem>>
      %dma_start3A_255 = tpu.memref_squeeze %dma_start3A_254 : memref<1x128x128xf32, #tpu.memory_space<vmem>> -> memref<128x128xf32, #tpu.memory_space<vmem>>
      %dma_start3A_256 = arith.constant 0 : i32
      %dma_start3A_257 = tpu.memref_slice %arg9[%add3A_52, %dma_start3A_256] : memref<10112x128xf32, #tpu.memory_space<vmem_shared>> -> memref<128x128xf32, #tpu.memory_space<vmem_shared>>
      %dma_start3A_258 = arith.constant 0 : i32
      %dma_start3A_259 = tpu.memref_slice %arg9[%add3A_52, %dma_start3A_258] : memref<10112x128xf32, #tpu.memory_space<vmem_shared>> -> memref<128x128xf32, #tpu.memory_space<vmem_shared>>
      %dma_start3A_260 = arith.constant 0 : i32
      %dma_start3A_261 = arith.constant 0 : i32
      %dma_start3A_262 = tpu.memref_slice %arg8[%run_scoped3A_53, %dma_start3A_260, %dma_start3A_261] : memref<2x128x128xf32, #tpu.memory_space<vmem>> -> memref<1x128x128xf32, #tpu.memory_space<vmem>>
      %dma_start3A_263 = tpu.memref_squeeze %dma_start3A_262 : memref<1x128x128xf32, #tpu.memory_space<vmem>> -> memref<128x128xf32, #tpu.memory_space<vmem>>
      tpu.enqueue_dma source(%dma_start3A_263 : memref<128x128xf32, #tpu.memory_space<vmem>>) target(%dma_start3A_259 : memref<128x128xf32, #tpu.memory_space<vmem_shared>>) target_semaphore(%run_scoped3A_251 : memref<!tpu.dma_semaphore, #tpu.memory_space<semaphore_mem>>)
      %dma_wait3A_264 = arith.constant 0 : i32
      %dma_wait3A_265 = arith.constant 0 : i32
      %dma_wait3A_266 = tpu.memref_slice %arg8[%run_scoped3A_53, %dma_wait3A_264, %dma_wait3A_265] : memref<2x128x128xf32, #tpu.memory_space<vmem>> -> memref<1x128x128xf32, #tpu.memory_space<vmem>>
      %dma_wait3A_267 = tpu.memref_squeeze %dma_wait3A_266 : memref<1x128x128xf32, #tpu.memory_space<vmem>> -> memref<128x128xf32, #tpu.memory_space<vmem>>
      %dma_wait3A_268 = arith.constant 0 : i32
      %dma_wait3A_269 = tpu.memref_slice %arg9[%add3A_52, %dma_wait3A_268] : memref<10112x128xf32, #tpu.memory_space<vmem_shared>> -> memref<128x128xf32, #tpu.memory_space<vmem_shared>>
      %dma_wait3A_270 = arith.constant 0 : i32
      %dma_wait3A_271 = tpu.memref_slice %arg9[%add3A_52, %dma_wait3A_270] : memref<10112x128xf32, #tpu.memory_space<vmem_shared>> -> memref<128x128xf32, #tpu.memory_space<vmem_shared>>
      %dma_wait3A_272 = arith.constant 0 : i32
      %dma_wait3A_273 = arith.constant 0 : i32
      %dma_wait3A_274 = tpu.memref_slice %arg8[%run_scoped3A_53, %dma_wait3A_272, %dma_wait3A_273] : memref<2x128x128xf32, #tpu.memory_space<vmem>> -> memref<1x128x128xf32, #tpu.memory_space<vmem>>
      %dma_wait3A_275 = tpu.memref_squeeze %dma_wait3A_274 : memref<1x128x128xf32, #tpu.memory_space<vmem>> -> memref<128x128xf32, #tpu.memory_space<vmem>>
      tpu.wait_dma2 semaphore(%run_scoped3A_251 : memref<!tpu.dma_semaphore, #tpu.memory_space<semaphore_mem>>) src(%dma_wait3A_275 : memref<128x128xf32, #tpu.memory_space<vmem>>) dst(%dma_wait3A_271 : memref<128x128xf32, #tpu.memory_space<vmem_shared>>)
      tpu.yield
    }) : () -> ()
    %add3A_54 = arith.constant 384 : i32
    %add3A_55 = arith.addi %mul3A_45, %add3A_54 : i32
    %run_scoped3A_56 = arith.constant 1 : i32
    "tpu.region"() ({
      %run_scoped3A_251 = tpu.sem_alloc : memref<!tpu.dma_semaphore, #tpu.memory_space<semaphore_mem>>
      %dma_start3A_252 = arith.constant 0 : i32
      %dma_start3A_253 = arith.constant 0 : i32
      %dma_start3A_254 = tpu.memref_slice %arg8[%run_scoped3A_56, %dma_start3A_252, %dma_start3A_253] : memref<2x128x128xf32, #tpu.memory_space<vmem>> -> memref<1x128x128xf32, #tpu.memory_space<vmem>>
      %dma_start3A_255 = tpu.memref_squeeze %dma_start3A_254 : memref<1x128x128xf32, #tpu.memory_space<vmem>> -> memref<128x128xf32, #tpu.memory_space<vmem>>
      %dma_start3A_256 = arith.constant 0 : i32
      %dma_start3A_257 = tpu.memref_slice %arg9[%add3A_55, %dma_start3A_256] : memref<10112x128xf32, #tpu.memory_space<vmem_shared>> -> memref<128x128xf32, #tpu.memory_space<vmem_shared>>
      %dma_start3A_258 = arith.constant 0 : i32
      %dma_start3A_259 = tpu.memref_slice %arg9[%add3A_55, %dma_start3A_258] : memref<10112x128xf32, #tpu.memory_space<vmem_shared>> -> memref<128x128xf32, #tpu.memory_space<vmem_shared>>
      %dma_start3A_260 = arith.constant 0 : i32
      %dma_start3A_261 = arith.constant 0 : i32
      %dma_start3A_262 = tpu.memref_slice %arg8[%run_scoped3A_56, %dma_start3A_260, %dma_start3A_261] : memref<2x128x128xf32, #tpu.memory_space<vmem>> -> memref<1x128x128xf32, #tpu.memory_space<vmem>>
      %dma_start3A_263 = tpu.memref_squeeze %dma_start3A_262 : memref<1x128x128xf32, #tpu.memory_space<vmem>> -> memref<128x128xf32, #tpu.memory_space<vmem>>
      tpu.enqueue_dma source(%dma_start3A_263 : memref<128x128xf32, #tpu.memory_space<vmem>>) target(%dma_start3A_259 : memref<128x128xf32, #tpu.memory_space<vmem_shared>>) target_semaphore(%run_scoped3A_251 : memref<!tpu.dma_semaphore, #tpu.memory_space<semaphore_mem>>)
      %dma_wait3A_264 = arith.constant 0 : i32
      %dma_wait3A_265 = arith.constant 0 : i32
      %dma_wait3A_266 = tpu.memref_slice %arg8[%run_scoped3A_56, %dma_wait3A_264, %dma_wait3A_265] : memref<2x128x128xf32, #tpu.memory_space<vmem>> -> memref<1x128x128xf32, #tpu.memory_space<vmem>>
      %dma_wait3A_267 = tpu.memref_squeeze %dma_wait3A_266 : memref<1x128x128xf32, #tpu.memory_space<vmem>> -> memref<128x128xf32, #tpu.memory_space<vmem>>
      %dma_wait3A_268 = arith.constant 0 : i32
      %dma_wait3A_269 = tpu.memref_slice %arg9[%add3A_55, %dma_wait3A_268] : memref<10112x128xf32, #tpu.memory_space<vmem_shared>> -> memref<128x128xf32, #tpu.memory_space<vmem_shared>>
      %dma_wait3A_270 = arith.constant 0 : i32
      %dma_wait3A_271 = tpu.memref_slice %arg9[%add3A_55, %dma_wait3A_270] : memref<10112x128xf32, #tpu.memory_space<vmem_shared>> -> memref<128x128xf32, #tpu.memory_space<vmem_shared>>
      %dma_wait3A_272 = arith.constant 0 : i32
      %dma_wait3A_273 = arith.constant 0 : i32
      %dma_wait3A_274 = tpu.memref_slice %arg8[%run_scoped3A_56, %dma_wait3A_272, %dma_wait3A_273] : memref<2x128x128xf32, #tpu.memory_space<vmem>> -> memref<1x128x128xf32, #tpu.memory_space<vmem>>
      %dma_wait3A_275 = tpu.memref_squeeze %dma_wait3A_274 : memref<1x128x128xf32, #tpu.memory_space<vmem>> -> memref<128x128xf32, #tpu.memory_space<vmem>>
      tpu.wait_dma2 semaphore(%run_scoped3A_251 : memref<!tpu.dma_semaphore, #tpu.memory_space<semaphore_mem>>) src(%dma_wait3A_275 : memref<128x128xf32, #tpu.memory_space<vmem>>) dst(%dma_wait3A_271 : memref<128x128xf32, #tpu.memory_space<vmem_shared>>)
      tpu.yield
    }) : () -> ()
    %add3A_57 = arith.constant 512 : i32
    %add3A_58 = arith.addi %mul3A_45, %add3A_57 : i32
    %run_scoped3A_59 = arith.constant 1 : i32
    "tpu.region"() ({
      %run_scoped3A_251 = tpu.sem_alloc : memref<!tpu.dma_semaphore, #tpu.memory_space<semaphore_mem>>
      %dma_start3A_252 = arith.constant 0 : i32
      %dma_start3A_253 = arith.constant 0 : i32
      %dma_start3A_254 = tpu.memref_slice %arg8[%run_scoped3A_59, %dma_start3A_252, %dma_start3A_253] : memref<2x128x128xf32, #tpu.memory_space<vmem>> -> memref<1x120x128xf32, #tpu.memory_space<vmem>>
      %dma_start3A_255 = tpu.memref_squeeze %dma_start3A_254 : memref<1x120x128xf32, #tpu.memory_space<vmem>> -> memref<120x128xf32, #tpu.memory_space<vmem>>
      %dma_start3A_256 = arith.constant 0 : i32
      %dma_start3A_257 = tpu.memref_slice %arg9[%add3A_58, %dma_start3A_256] : memref<10112x128xf32, #tpu.memory_space<vmem_shared>> -> memref<120x128xf32, #tpu.memory_space<vmem_shared>>
      %dma_start3A_258 = arith.constant 0 : i32
      %dma_start3A_259 = tpu.memref_slice %arg9[%add3A_58, %dma_start3A_258] : memref<10112x128xf32, #tpu.memory_space<vmem_shared>> -> memref<120x128xf32, #tpu.memory_space<vmem_shared>>
      %dma_start3A_260 = arith.constant 0 : i32
      %dma_start3A_261 = arith.constant 0 : i32
      %dma_start3A_262 = tpu.memref_slice %arg8[%run_scoped3A_59, %dma_start3A_260, %dma_start3A_261] : memref<2x128x128xf32, #tpu.memory_space<vmem>> -> memref<1x120x128xf32, #tpu.memory_space<vmem>>
      %dma_start3A_263 = tpu.memref_squeeze %dma_start3A_262 : memref<1x120x128xf32, #tpu.memory_space<vmem>> -> memref<120x128xf32, #tpu.memory_space<vmem>>
      tpu.enqueue_dma source(%dma_start3A_263 : memref<120x128xf32, #tpu.memory_space<vmem>>) target(%dma_start3A_259 : memref<120x128xf32, #tpu.memory_space<vmem_shared>>) target_semaphore(%run_scoped3A_251 : memref<!tpu.dma_semaphore, #tpu.memory_space<semaphore_mem>>)
      %dma_wait3A_264 = arith.constant 0 : i32
      %dma_wait3A_265 = arith.constant 0 : i32
      %dma_wait3A_266 = tpu.memref_slice %arg8[%run_scoped3A_59, %dma_wait3A_264, %dma_wait3A_265] : memref<2x128x128xf32, #tpu.memory_space<vmem>> -> memref<1x120x128xf32, #tpu.memory_space<vmem>>
      %dma_wait3A_267 = tpu.memref_squeeze %dma_wait3A_266 : memref<1x120x128xf32, #tpu.memory_space<vmem>> -> memref<120x128xf32, #tpu.memory_space<vmem>>
      %dma_wait3A_268 = arith.constant 0 : i32
      %dma_wait3A_269 = tpu.memref_slice %arg9[%add3A_58, %dma_wait3A_268] : memref<10112x128xf32, #tpu.memory_space<vmem_shared>> -> memref<120x128xf32, #tpu.memory_space<vmem_shared>>
      %dma_wait3A_270 = arith.constant 0 : i32
      %dma_wait3A_271 = tpu.memref_slice %arg9[%add3A_58, %dma_wait3A_270] : memref<10112x128xf32, #tpu.memory_space<vmem_shared>> -> memref<120x128xf32, #tpu.memory_space<vmem_shared>>
      %dma_wait3A_272 = arith.constant 0 : i32
      %dma_wait3A_273 = arith.constant 0 : i32
      %dma_wait3A_274 = tpu.memref_slice %arg8[%run_scoped3A_59, %dma_wait3A_272, %dma_wait3A_273] : memref<2x128x128xf32, #tpu.memory_space<vmem>> -> memref<1x120x128xf32, #tpu.memory_space<vmem>>
      %dma_wait3A_275 = tpu.memref_squeeze %dma_wait3A_274 : memref<1x120x128xf32, #tpu.memory_space<vmem>> -> memref<120x128xf32, #tpu.memory_space<vmem>>
      tpu.wait_dma2 semaphore(%run_scoped3A_251 : memref<!tpu.dma_semaphore, #tpu.memory_space<semaphore_mem>>) src(%dma_wait3A_275 : memref<120x128xf32, #tpu.memory_space<vmem>>) dst(%dma_wait3A_271 : memref<120x128xf32, #tpu.memory_space<vmem_shared>>)
      tpu.yield
    }) : () -> ()
    %barrier3A = arith.constant 0 : index
    tpu.barrier barrier_id(%barrier3A)
    %scan3A_60 = arith.constant 0 : i32
    %scan3A_61 = arith.constant 0 : i32
    %scan3A_62 = arith.constant 40 : i32
    %scan3A_63 = arith.addi %scan3A_61, %scan3A_62 : i32
    %scan3A_64 = arith.constant 1 : i32
    scf.for %scan3A_251 = %scan3A_61 to %scan3A_63 step %scan3A_64  : i32 {
      %mul3A_252 = arith.constant 2 : i32
      %mul3A_253 = arith.muli %scan3A_251, %mul3A_252 : i32
      %add3A_254 = arith.constant 0 : i32
      %add3A_255 = arith.addi %mul3A_253, %add3A_254 : i32
      %add3A_256 = arith.constant 1 : i32
      %add3A_257 = arith.addi %add3A_255, %add3A_256 : i32
      %lt3A = arith.constant 80 : i32
      %lt3A_258 = arith.cmpi slt, %add3A_257, %lt3A : i32
      %convert_element_type3A = arith.extui %lt3A_258 : i1 to i32
      %cond3A = arith.constant 0 : i32
      %cond3A_259 = arith.cmpi ne, %convert_element_type3A, %cond3A : i32
      scf.if %cond3A_259 {
        %add3A_337 = arith.constant 1 : i32
        %add3A_338 = arith.addi %add3A_255, %add3A_337 : i32
        %mul3A_339 = arith.constant 128 : i32
        %mul3A_340 = arith.muli %add3A_338, %mul3A_339 : i32
        %dma_start3A_341 = arith.constant 1 : i32
        %dma_start3A_342 = arith.constant 0 : i32
        %dma_start3A_343 = arith.constant 0 : i32
        %dma_start3A_344 = tpu.memref_slice %arg8[%dma_start3A_341, %dma_start3A_342, %dma_start3A_343] : memref<2x128x128xf32, #tpu.memory_space<vmem>> -> memref<1x128x128xf32, #tpu.memory_space<vmem>>
        %dma_start3A_345 = tpu.memref_squeeze %dma_start3A_344 : memref<1x128x128xf32, #tpu.memory_space<vmem>> -> memref<128x128xf32, #tpu.memory_space<vmem>>
        %dma_start3A_346 = tpu.memref_slice %arg6[%mul3A_340] : memref<10240xi32, #tpu.memory_space<vmem>> -> memref<128xi32, #tpu.memory_space<vmem>>
        %dma_start3A_347 = arith.constant 0 : i32
        %dma_start3A_348 = arith.constant 0 : i32
        %dma_start3A_349 = tpu.memref_slice %arg2[%dma_start3A_347, %dma_start3A_348] : memref<10000x128xf32, #tpu.memory_space<hbm>> -> memref<10000x128xf32, #tpu.memory_space<hbm>>
        tpu.enqueue_indirect_dma source(%dma_start3A_349 : memref<10000x128xf32, #tpu.memory_space<hbm>>) target(%dma_start3A_345 : memref<128x128xf32, #tpu.memory_space<vmem>>) offsets(%dma_start3A_346 : memref<128xi32, #tpu.memory_space<vmem>>) semaphore(%arg11 : memref<!tpu.dma_semaphore, #tpu.memory_space<semaphore_mem>>)
      } else {
      }
      %mul3A_260 = arith.constant 128 : i32
      %mul3A_261 = arith.muli %add3A_255, %mul3A_260 : i32
      %dma_wait3A_262 = arith.constant 0 : i32
      %dma_wait3A_263 = arith.constant 0 : i32
      %dma_wait3A_264 = arith.constant 0 : i32
      %dma_wait3A_265 = tpu.memref_slice %arg8[%dma_wait3A_262, %dma_wait3A_263, %dma_wait3A_264] : memref<2x128x128xf32, #tpu.memory_space<vmem>> -> memref<1x128x128xf32, #tpu.memory_space<vmem>>
      %dma_wait3A_266 = tpu.memref_squeeze %dma_wait3A_265 : memref<1x128x128xf32, #tpu.memory_space<vmem>> -> memref<128x128xf32, #tpu.memory_space<vmem>>
      %dma_wait3A_267 = tpu.memref_slice %arg6[%mul3A_261] : memref<10240xi32, #tpu.memory_space<vmem>> -> memref<128xi32, #tpu.memory_space<vmem>>
      %dma_wait3A_268 = arith.constant 0 : i32
      %dma_wait3A_269 = arith.constant 0 : i32
      %dma_wait3A_270 = tpu.memref_slice %arg2[%dma_wait3A_268, %dma_wait3A_269] : memref<10000x128xf32, #tpu.memory_space<hbm>> -> memref<10000x128xf32, #tpu.memory_space<hbm>>
      tpu.wait_indirect_dma semaphore(%arg10 : memref<!tpu.dma_semaphore, #tpu.memory_space<semaphore_mem>>) src(%dma_wait3A_270 : memref<10000x128xf32, #tpu.memory_space<hbm>>) dst(%dma_wait3A_266 : memref<128x128xf32, #tpu.memory_space<vmem>>)
      %dma_wait3A_271 = arith.constant 0 : i32
      %dma_wait3A_272 = arith.constant 0 : i32
      %dma_wait3A_273 = tpu.memref_slice %arg7[%dma_wait3A_271, %dma_wait3A_272] : memref<2x128xi32, #tpu.memory_space<vmem>> -> memref<1x128xi32, #tpu.memory_space<vmem>>
      %dma_wait3A_274 = tpu.memref_squeeze %dma_wait3A_273 : memref<1x128xi32, #tpu.memory_space<vmem>> -> memref<128xi32, #tpu.memory_space<vmem>>
      %dma_wait3A_275 = arith.constant 0 : i32
      %dma_wait3A_276 = tpu.memref_slice %arg4[%add3A, %add3A_255, %dma_wait3A_275] : memref<32x80x128xi32, #tpu.memory_space<hbm>> -> memref<1x1x128xi32, #tpu.memory_space<hbm>>
      %dma_wait3A_277 = tpu.memref_squeeze %dma_wait3A_276 : memref<1x1x128xi32, #tpu.memory_space<hbm>> -> memref<128xi32, #tpu.memory_space<hbm>>
      %dma_wait3A_278 = arith.constant 0 : i32
      %dma_wait3A_279 = tpu.memref_slice %arg7[%dma_wait3A_271, %dma_wait3A_278] : memref<2x128xi32, #tpu.memory_space<vmem>> -> memref<1x128xi32, #tpu.memory_space<vmem>>
      %dma_wait3A_280 = tpu.memref_squeeze %dma_wait3A_279 : memref<1x128xi32, #tpu.memory_space<vmem>> -> memref<128xi32, #tpu.memory_space<vmem>>
      %dma_wait3A_281 = arith.constant 0 : i32
      %dma_wait3A_282 = tpu.memref_slice %arg4[%add3A, %add3A_255, %dma_wait3A_281] : memref<32x80x128xi32, #tpu.memory_space<hbm>> -> memref<1x1x128xi32, #tpu.memory_space<hbm>>
      %dma_wait3A_283 = tpu.memref_squeeze %dma_wait3A_282 : memref<1x1x128xi32, #tpu.memory_space<hbm>> -> memref<128xi32, #tpu.memory_space<hbm>>
      tpu.wait_dma2 semaphore(%arg14 : memref<!tpu.dma_semaphore, #tpu.memory_space<semaphore_mem>>) src(%dma_wait3A_283 : memref<128xi32, #tpu.memory_space<hbm>>) dst(%dma_wait3A_280 : memref<128xi32, #tpu.memory_space<vmem>>)
      %run_scoped3A_284 = arith.constant 0 : i32
      %run_scoped3A_285 = arith.constant 0 : i32
      "tpu.region"() ({
        %run_scoped3A_337 = tpu.sem_alloc : memref<!tpu.dma_semaphore, #tpu.memory_space<semaphore_mem>>
        %dma_start3A_338 = arith.constant 0 : i32
        %dma_start3A_339 = arith.constant 0 : i32
        %dma_start3A_340 = tpu.memref_slice %arg8[%run_scoped3A_284, %dma_start3A_338, %dma_start3A_339] : memref<2x128x128xf32, #tpu.memory_space<vmem>> -> memref<1x128x128xf32, #tpu.memory_space<vmem>>
        %dma_start3A_341 = tpu.memref_squeeze %dma_start3A_340 : memref<1x128x128xf32, #tpu.memory_space<vmem>> -> memref<128x128xf32, #tpu.memory_space<vmem>>
        %dma_start3A_342 = arith.constant 0 : i32
        %dma_start3A_343 = tpu.memref_slice %arg7[%run_scoped3A_285, %dma_start3A_342] : memref<2x128xi32, #tpu.memory_space<vmem>> -> memref<1x128xi32, #tpu.memory_space<vmem>>
        %dma_start3A_344 = tpu.memref_squeeze %dma_start3A_343 : memref<1x128xi32, #tpu.memory_space<vmem>> -> memref<128xi32, #tpu.memory_space<vmem>>
        %dma_start3A_345 = arith.constant 0 : i32
        %dma_start3A_346 = arith.constant 0 : i32
        %dma_start3A_347 = tpu.memref_slice %arg9[%dma_start3A_345, %dma_start3A_346] : memref<10112x128xf32, #tpu.memory_space<vmem_shared>> -> memref<10112x128xf32, #tpu.memory_space<vmem_shared>>
        tpu.enqueue_indirect_dma source(%dma_start3A_341 : memref<128x128xf32, #tpu.memory_space<vmem>>) target(%dma_start3A_347 : memref<10112x128xf32, #tpu.memory_space<vmem_shared>>) offsets(%dma_start3A_344 : memref<128xi32, #tpu.memory_space<vmem>>) semaphore(%run_scoped3A_337 : memref<!tpu.dma_semaphore, #tpu.memory_space<semaphore_mem>>) {add = true}
        %dma_wait3A_348 = arith.constant 0 : i32
        %dma_wait3A_349 = arith.constant 0 : i32
        %dma_wait3A_350 = tpu.memref_slice %arg8[%run_scoped3A_284, %dma_wait3A_348, %dma_wait3A_349] : memref<2x128x128xf32, #tpu.memory_space<vmem>> -> memref<1x128x128xf32, #tpu.memory_space<vmem>>
        %dma_wait3A_351 = tpu.memref_squeeze %dma_wait3A_350 : memref<1x128x128xf32, #tpu.memory_space<vmem>> -> memref<128x128xf32, #tpu.memory_space<vmem>>
        %dma_wait3A_352 = arith.constant 0 : i32
        %dma_wait3A_353 = tpu.memref_slice %arg7[%run_scoped3A_285, %dma_wait3A_352] : memref<2x128xi32, #tpu.memory_space<vmem>> -> memref<1x128xi32, #tpu.memory_space<vmem>>
        %dma_wait3A_354 = tpu.memref_squeeze %dma_wait3A_353 : memref<1x128xi32, #tpu.memory_space<vmem>> -> memref<128xi32, #tpu.memory_space<vmem>>
        %dma_wait3A_355 = arith.constant 0 : i32
        %dma_wait3A_356 = arith.constant 0 : i32
        %dma_wait3A_357 = tpu.memref_slice %arg9[%dma_wait3A_355, %dma_wait3A_356] : memref<10112x128xf32, #tpu.memory_space<vmem_shared>> -> memref<10112x128xf32, #tpu.memory_space<vmem_shared>>
        tpu.wait_indirect_dma semaphore(%run_scoped3A_337 : memref<!tpu.dma_semaphore, #tpu.memory_space<semaphore_mem>>) src(%dma_wait3A_351 : memref<128x128xf32, #tpu.memory_space<vmem>>) dst(%dma_wait3A_357 : memref<10112x128xf32, #tpu.memory_space<vmem_shared>>)
        tpu.yield
      }) : () -> ()
      %add3A_286 = arith.constant 2 : i32
      %add3A_287 = arith.addi %add3A_255, %add3A_286 : i32
      %lt3A_288 = arith.constant 80 : i32
      %lt3A_289 = arith.cmpi slt, %add3A_287, %lt3A_288 : i32
      %convert_element_type3A_290 = arith.extui %lt3A_289 : i1 to i32
      %cond3A_291 = arith.constant 0 : i32
      %cond3A_292 = arith.cmpi ne, %convert_element_type3A_290, %cond3A_291 : i32
      scf.if %cond3A_292 {
        %add3A_337 = arith.constant 2 : i32
        %add3A_338 = arith.addi %add3A_255, %add3A_337 : i32
        %dma_start3A_339 = arith.constant 0 : i32
        %dma_start3A_340 = arith.constant 0 : i32
        %dma_start3A_341 = tpu.memref_slice %arg7[%dma_start3A_339, %dma_start3A_340] : memref<2x128xi32, #tpu.memory_space<vmem>> -> memref<1x128xi32, #tpu.memory_space<vmem>>
        %dma_start3A_342 = tpu.memref_squeeze %dma_start3A_341 : memref<1x128xi32, #tpu.memory_space<vmem>> -> memref<128xi32, #tpu.memory_space<vmem>>
        %dma_start3A_343 = arith.constant 0 : i32
        %dma_start3A_344 = tpu.memref_slice %arg4[%add3A, %add3A_338, %dma_start3A_343] : memref<32x80x128xi32, #tpu.memory_space<hbm>> -> memref<1x1x128xi32, #tpu.memory_space<hbm>>
        %dma_start3A_345 = tpu.memref_squeeze %dma_start3A_344 : memref<1x1x128xi32, #tpu.memory_space<hbm>> -> memref<128xi32, #tpu.memory_space<hbm>>
        %dma_start3A_346 = arith.constant 0 : i32
        %dma_start3A_347 = tpu.memref_slice %arg7[%dma_start3A_339, %dma_start3A_346] : memref<2x128xi32, #tpu.memory_space<vmem>> -> memref<1x128xi32, #tpu.memory_space<vmem>>
        %dma_start3A_348 = tpu.memref_squeeze %dma_start3A_347 : memref<1x128xi32, #tpu.memory_space<vmem>> -> memref<128xi32, #tpu.memory_space<vmem>>
        %dma_start3A_349 = arith.constant 0 : i32
        %dma_start3A_350 = tpu.memref_slice %arg4[%add3A, %add3A_338, %dma_start3A_349] : memref<32x80x128xi32, #tpu.memory_space<hbm>> -> memref<1x1x128xi32, #tpu.memory_space<hbm>>
        %dma_start3A_351 = tpu.memref_squeeze %dma_start3A_350 : memref<1x1x128xi32, #tpu.memory_space<hbm>> -> memref<128xi32, #tpu.memory_space<hbm>>
        tpu.enqueue_dma source(%dma_start3A_351 : memref<128xi32, #tpu.memory_space<hbm>>) target(%dma_start3A_348 : memref<128xi32, #tpu.memory_space<vmem>>) target_semaphore(%arg14 : memref<!tpu.dma_semaphore, #tpu.memory_space<semaphore_mem>>)
      } else {
      }
      %mul3A_293 = arith.constant 2 : i32
      %mul3A_294 = arith.muli %scan3A_251, %mul3A_293 : i32
      %add3A_295 = arith.constant 1 : i32
      %add3A_296 = arith.addi %mul3A_294, %add3A_295 : i32
      %add3A_297 = arith.constant 1 : i32
      %add3A_298 = arith.addi %add3A_296, %add3A_297 : i32
      %lt3A_299 = arith.constant 80 : i32
      %lt3A_300 = arith.cmpi slt, %add3A_298, %lt3A_299 : i32
      %convert_element_type3A_301 = arith.extui %lt3A_300 : i1 to i32
      %cond3A_302 = arith.constant 0 : i32
      %cond3A_303 = arith.cmpi ne, %convert_element_type3A_301, %cond3A_302 : i32
      scf.if %cond3A_303 {
        %add3A_337 = arith.constant 1 : i32
        %add3A_338 = arith.addi %add3A_296, %add3A_337 : i32
        %mul3A_339 = arith.constant 128 : i32
        %mul3A_340 = arith.muli %add3A_338, %mul3A_339 : i32
        %dma_start3A_341 = arith.constant 0 : i32
        %dma_start3A_342 = arith.constant 0 : i32
        %dma_start3A_343 = arith.constant 0 : i32
        %dma_start3A_344 = tpu.memref_slice %arg8[%dma_start3A_341, %dma_start3A_342, %dma_start3A_343] : memref<2x128x128xf32, #tpu.memory_space<vmem>> -> memref<1x128x128xf32, #tpu.memory_space<vmem>>
        %dma_start3A_345 = tpu.memref_squeeze %dma_start3A_344 : memref<1x128x128xf32, #tpu.memory_space<vmem>> -> memref<128x128xf32, #tpu.memory_space<vmem>>
        %dma_start3A_346 = tpu.memref_slice %arg6[%mul3A_340] : memref<10240xi32, #tpu.memory_space<vmem>> -> memref<128xi32, #tpu.memory_space<vmem>>
        %dma_start3A_347 = arith.constant 0 : i32
        %dma_start3A_348 = arith.constant 0 : i32
        %dma_start3A_349 = tpu.memref_slice %arg2[%dma_start3A_347, %dma_start3A_348] : memref<10000x128xf32, #tpu.memory_space<hbm>> -> memref<10000x128xf32, #tpu.memory_space<hbm>>
        tpu.enqueue_indirect_dma source(%dma_start3A_349 : memref<10000x128xf32, #tpu.memory_space<hbm>>) target(%dma_start3A_345 : memref<128x128xf32, #tpu.memory_space<vmem>>) offsets(%dma_start3A_346 : memref<128xi32, #tpu.memory_space<vmem>>) semaphore(%arg10 : memref<!tpu.dma_semaphore, #tpu.memory_space<semaphore_mem>>)
      } else {
      }
      %mul3A_304 = arith.constant 128 : i32
      %mul3A_305 = arith.muli %add3A_296, %mul3A_304 : i32
      %dma_wait3A_306 = arith.constant 1 : i32
      %dma_wait3A_307 = arith.constant 0 : i32
      %dma_wait3A_308 = arith.constant 0 : i32
      %dma_wait3A_309 = tpu.memref_slice %arg8[%dma_wait3A_306, %dma_wait3A_307, %dma_wait3A_308] : memref<2x128x128xf32, #tpu.memory_space<vmem>> -> memref<1x128x128xf32, #tpu.memory_space<vmem>>
      %dma_wait3A_310 = tpu.memref_squeeze %dma_wait3A_309 : memref<1x128x128xf32, #tpu.memory_space<vmem>> -> memref<128x128xf32, #tpu.memory_space<vmem>>
      %dma_wait3A_311 = tpu.memref_slice %arg6[%mul3A_305] : memref<10240xi32, #tpu.memory_space<vmem>> -> memref<128xi32, #tpu.memory_space<vmem>>
      %dma_wait3A_312 = arith.constant 0 : i32
      %dma_wait3A_313 = arith.constant 0 : i32
      %dma_wait3A_314 = tpu.memref_slice %arg2[%dma_wait3A_312, %dma_wait3A_313] : memref<10000x128xf32, #tpu.memory_space<hbm>> -> memref<10000x128xf32, #tpu.memory_space<hbm>>
      tpu.wait_indirect_dma semaphore(%arg11 : memref<!tpu.dma_semaphore, #tpu.memory_space<semaphore_mem>>) src(%dma_wait3A_314 : memref<10000x128xf32, #tpu.memory_space<hbm>>) dst(%dma_wait3A_310 : memref<128x128xf32, #tpu.memory_space<vmem>>)
      %dma_wait3A_315 = arith.constant 1 : i32
      %dma_wait3A_316 = arith.constant 0 : i32
      %dma_wait3A_317 = tpu.memref_slice %arg7[%dma_wait3A_315, %dma_wait3A_316] : memref<2x128xi32, #tpu.memory_space<vmem>> -> memref<1x128xi32, #tpu.memory_space<vmem>>
      %dma_wait3A_318 = tpu.memref_squeeze %dma_wait3A_317 : memref<1x128xi32, #tpu.memory_space<vmem>> -> memref<128xi32, #tpu.memory_space<vmem>>
      %dma_wait3A_319 = arith.constant 0 : i32
      %dma_wait3A_320 = tpu.memref_slice %arg4[%add3A, %add3A_296, %dma_wait3A_319] : memref<32x80x128xi32, #tpu.memory_space<hbm>> -> memref<1x1x128xi32, #tpu.memory_space<hbm>>
      %dma_wait3A_321 = tpu.memref_squeeze %dma_wait3A_320 : memref<1x1x128xi32, #tpu.memory_space<hbm>> -> memref<128xi32, #tpu.memory_space<hbm>>
      %dma_wait3A_322 = arith.constant 0 : i32
      %dma_wait3A_323 = tpu.memref_slice %arg7[%dma_wait3A_315, %dma_wait3A_322] : memref<2x128xi32, #tpu.memory_space<vmem>> -> memref<1x128xi32, #tpu.memory_space<vmem>>
      %dma_wait3A_324 = tpu.memref_squeeze %dma_wait3A_323 : memref<1x128xi32, #tpu.memory_space<vmem>> -> memref<128xi32, #tpu.memory_space<vmem>>
      %dma_wait3A_325 = arith.constant 0 : i32
      %dma_wait3A_326 = tpu.memref_slice %arg4[%add3A, %add3A_296, %dma_wait3A_325] : memref<32x80x128xi32, #tpu.memory_space<hbm>> -> memref<1x1x128xi32, #tpu.memory_space<hbm>>
      %dma_wait3A_327 = tpu.memref_squeeze %dma_wait3A_326 : memref<1x1x128xi32, #tpu.memory_space<hbm>> -> memref<128xi32, #tpu.memory_space<hbm>>
      tpu.wait_dma2 semaphore(%arg15 : memref<!tpu.dma_semaphore, #tpu.memory_space<semaphore_mem>>) src(%dma_wait3A_327 : memref<128xi32, #tpu.memory_space<hbm>>) dst(%dma_wait3A_324 : memref<128xi32, #tpu.memory_space<vmem>>)
      %run_scoped3A_328 = arith.constant 1 : i32
      %run_scoped3A_329 = arith.constant 1 : i32
      "tpu.region"() ({
        %run_scoped3A_337 = tpu.sem_alloc : memref<!tpu.dma_semaphore, #tpu.memory_space<semaphore_mem>>
        %dma_start3A_338 = arith.constant 0 : i32
        %dma_start3A_339 = arith.constant 0 : i32
        %dma_start3A_340 = tpu.memref_slice %arg8[%run_scoped3A_328, %dma_start3A_338, %dma_start3A_339] : memref<2x128x128xf32, #tpu.memory_space<vmem>> -> memref<1x128x128xf32, #tpu.memory_space<vmem>>
        %dma_start3A_341 = tpu.memref_squeeze %dma_start3A_340 : memref<1x128x128xf32, #tpu.memory_space<vmem>> -> memref<128x128xf32, #tpu.memory_space<vmem>>
        %dma_start3A_342 = arith.constant 0 : i32
        %dma_start3A_343 = tpu.memref_slice %arg7[%run_scoped3A_329, %dma_start3A_342] : memref<2x128xi32, #tpu.memory_space<vmem>> -> memref<1x128xi32, #tpu.memory_space<vmem>>
        %dma_start3A_344 = tpu.memref_squeeze %dma_start3A_343 : memref<1x128xi32, #tpu.memory_space<vmem>> -> memref<128xi32, #tpu.memory_space<vmem>>
        %dma_start3A_345 = arith.constant 0 : i32
        %dma_start3A_346 = arith.constant 0 : i32
        %dma_start3A_347 = tpu.memref_slice %arg9[%dma_start3A_345, %dma_start3A_346] : memref<10112x128xf32, #tpu.memory_space<vmem_shared>> -> memref<10112x128xf32, #tpu.memory_space<vmem_shared>>
        tpu.enqueue_indirect_dma source(%dma_start3A_341 : memref<128x128xf32, #tpu.memory_space<vmem>>) target(%dma_start3A_347 : memref<10112x128xf32, #tpu.memory_space<vmem_shared>>) offsets(%dma_start3A_344 : memref<128xi32, #tpu.memory_space<vmem>>) semaphore(%run_scoped3A_337 : memref<!tpu.dma_semaphore, #tpu.memory_space<semaphore_mem>>) {add = true}
        %dma_wait3A_348 = arith.constant 0 : i32
        %dma_wait3A_349 = arith.constant 0 : i32
        %dma_wait3A_350 = tpu.memref_slice %arg8[%run_scoped3A_328, %dma_wait3A_348, %dma_wait3A_349] : memref<2x128x128xf32, #tpu.memory_space<vmem>> -> memref<1x128x128xf32, #tpu.memory_space<vmem>>
        %dma_wait3A_351 = tpu.memref_squeeze %dma_wait3A_350 : memref<1x128x128xf32, #tpu.memory_space<vmem>> -> memref<128x128xf32, #tpu.memory_space<vmem>>
        %dma_wait3A_352 = arith.constant 0 : i32
        %dma_wait3A_353 = tpu.memref_slice %arg7[%run_scoped3A_329, %dma_wait3A_352] : memref<2x128xi32, #tpu.memory_space<vmem>> -> memref<1x128xi32, #tpu.memory_space<vmem>>
        %dma_wait3A_354 = tpu.memref_squeeze %dma_wait3A_353 : memref<1x128xi32, #tpu.memory_space<vmem>> -> memref<128xi32, #tpu.memory_space<vmem>>
        %dma_wait3A_355 = arith.constant 0 : i32
        %dma_wait3A_356 = arith.constant 0 : i32
        %dma_wait3A_357 = tpu.memref_slice %arg9[%dma_wait3A_355, %dma_wait3A_356] : memref<10112x128xf32, #tpu.memory_space<vmem_shared>> -> memref<10112x128xf32, #tpu.memory_space<vmem_shared>>
        tpu.wait_indirect_dma semaphore(%run_scoped3A_337 : memref<!tpu.dma_semaphore, #tpu.memory_space<semaphore_mem>>) src(%dma_wait3A_351 : memref<128x128xf32, #tpu.memory_space<vmem>>) dst(%dma_wait3A_357 : memref<10112x128xf32, #tpu.memory_space<vmem_shared>>)
        tpu.yield
      }) : () -> ()
      %add3A_330 = arith.constant 2 : i32
      %add3A_331 = arith.addi %add3A_296, %add3A_330 : i32
      %lt3A_332 = arith.constant 80 : i32
      %lt3A_333 = arith.cmpi slt, %add3A_331, %lt3A_332 : i32
      %convert_element_type3A_334 = arith.extui %lt3A_333 : i1 to i32
      %cond3A_335 = arith.constant 0 : i32
      %cond3A_336 = arith.cmpi ne, %convert_element_type3A_334, %cond3A_335 : i32
      scf.if %cond3A_336 {
        %add3A_337 = arith.constant 2 : i32
        %add3A_338 = arith.addi %add3A_296, %add3A_337 : i32
        %dma_start3A_339 = arith.constant 1 : i32
        %dma_start3A_340 = arith.constant 0 : i32
        %dma_start3A_341 = tpu.memref_slice %arg7[%dma_start3A_339, %dma_start3A_340] : memref<2x128xi32, #tpu.memory_space<vmem>> -> memref<1x128xi32, #tpu.memory_space<vmem>>
        %dma_start3A_342 = tpu.memref_squeeze %dma_start3A_341 : memref<1x128xi32, #tpu.memory_space<vmem>> -> memref<128xi32, #tpu.memory_space<vmem>>
        %dma_start3A_343 = arith.constant 0 : i32
        %dma_start3A_344 = tpu.memref_slice %arg4[%add3A, %add3A_338, %dma_start3A_343] : memref<32x80x128xi32, #tpu.memory_space<hbm>> -> memref<1x1x128xi32, #tpu.memory_space<hbm>>
        %dma_start3A_345 = tpu.memref_squeeze %dma_start3A_344 : memref<1x1x128xi32, #tpu.memory_space<hbm>> -> memref<128xi32, #tpu.memory_space<hbm>>
        %dma_start3A_346 = arith.constant 0 : i32
        %dma_start3A_347 = tpu.memref_slice %arg7[%dma_start3A_339, %dma_start3A_346] : memref<2x128xi32, #tpu.memory_space<vmem>> -> memref<1x128xi32, #tpu.memory_space<vmem>>
        %dma_start3A_348 = tpu.memref_squeeze %dma_start3A_347 : memref<1x128xi32, #tpu.memory_space<vmem>> -> memref<128xi32, #tpu.memory_space<vmem>>
        %dma_start3A_349 = arith.constant 0 : i32
        %dma_start3A_350 = tpu.memref_slice %arg4[%add3A, %add3A_338, %dma_start3A_349] : memref<32x80x128xi32, #tpu.memory_space<hbm>> -> memref<1x1x128xi32, #tpu.memory_space<hbm>>
        %dma_start3A_351 = tpu.memref_squeeze %dma_start3A_350 : memref<1x1x128xi32, #tpu.memory_space<hbm>> -> memref<128xi32, #tpu.memory_space<hbm>>
        tpu.enqueue_dma source(%dma_start3A_351 : memref<128xi32, #tpu.memory_space<hbm>>) target(%dma_start3A_348 : memref<128xi32, #tpu.memory_space<vmem>>) target_semaphore(%arg15 : memref<!tpu.dma_semaphore, #tpu.memory_space<semaphore_mem>>)
      } else {
      }
    }
    %scan3A_65 = arith.constant 40 : i32
    %barrier3A_66 = arith.constant 0 : index
    tpu.barrier barrier_id(%barrier3A_66)
    %add3A_67 = arith.constant 0 : i32
    %add3A_68 = arith.addi %mul3A_45, %add3A_67 : i32
    %run_scoped3A_69 = arith.constant 0 : i32
    "tpu.region"() ({
      %run_scoped3A_251 = tpu.sem_alloc : memref<!tpu.dma_semaphore, #tpu.memory_space<semaphore_mem>>
      %dma_start3A_252 = arith.constant 0 : i32
      %dma_start3A_253 = arith.constant 0 : i32
      %dma_start3A_254 = tpu.memref_slice %arg8[%run_scoped3A_69, %dma_start3A_252, %dma_start3A_253] : memref<2x128x128xf32, #tpu.memory_space<vmem>> -> memref<1x128x128xf32, #tpu.memory_space<vmem>>
      %dma_start3A_255 = tpu.memref_squeeze %dma_start3A_254 : memref<1x128x128xf32, #tpu.memory_space<vmem>> -> memref<128x128xf32, #tpu.memory_space<vmem>>
      %dma_start3A_256 = arith.constant 0 : i32
      %dma_start3A_257 = tpu.memref_slice %arg9[%add3A_68, %dma_start3A_256] : memref<10112x128xf32, #tpu.memory_space<vmem_shared>> -> memref<128x128xf32, #tpu.memory_space<vmem_shared>>
      %dma_start3A_258 = arith.constant 0 : i32
      %dma_start3A_259 = arith.constant 0 : i32
      %dma_start3A_260 = tpu.memref_slice %arg8[%run_scoped3A_69, %dma_start3A_258, %dma_start3A_259] : memref<2x128x128xf32, #tpu.memory_space<vmem>> -> memref<1x128x128xf32, #tpu.memory_space<vmem>>
      %dma_start3A_261 = tpu.memref_squeeze %dma_start3A_260 : memref<1x128x128xf32, #tpu.memory_space<vmem>> -> memref<128x128xf32, #tpu.memory_space<vmem>>
      %dma_start3A_262 = arith.constant 0 : i32
      %dma_start3A_263 = tpu.memref_slice %arg9[%add3A_68, %dma_start3A_262] : memref<10112x128xf32, #tpu.memory_space<vmem_shared>> -> memref<128x128xf32, #tpu.memory_space<vmem_shared>>
      tpu.enqueue_dma source(%dma_start3A_263 : memref<128x128xf32, #tpu.memory_space<vmem_shared>>) target(%dma_start3A_261 : memref<128x128xf32, #tpu.memory_space<vmem>>) target_semaphore(%run_scoped3A_251 : memref<!tpu.dma_semaphore, #tpu.memory_space<semaphore_mem>>)
      %dma_wait3A_264 = arith.constant 0 : i32
      %dma_wait3A_265 = arith.constant 0 : i32
      %dma_wait3A_266 = tpu.memref_slice %arg8[%run_scoped3A_69, %dma_wait3A_264, %dma_wait3A_265] : memref<2x128x128xf32, #tpu.memory_space<vmem>> -> memref<1x128x128xf32, #tpu.memory_space<vmem>>
      %dma_wait3A_267 = tpu.memref_squeeze %dma_wait3A_266 : memref<1x128x128xf32, #tpu.memory_space<vmem>> -> memref<128x128xf32, #tpu.memory_space<vmem>>
      %dma_wait3A_268 = arith.constant 0 : i32
      %dma_wait3A_269 = tpu.memref_slice %arg9[%add3A_68, %dma_wait3A_268] : memref<10112x128xf32, #tpu.memory_space<vmem_shared>> -> memref<128x128xf32, #tpu.memory_space<vmem_shared>>
      %dma_wait3A_270 = arith.constant 0 : i32
      %dma_wait3A_271 = arith.constant 0 : i32
      %dma_wait3A_272 = tpu.memref_slice %arg8[%run_scoped3A_69, %dma_wait3A_270, %dma_wait3A_271] : memref<2x128x128xf32, #tpu.memory_space<vmem>> -> memref<1x128x128xf32, #tpu.memory_space<vmem>>
      %dma_wait3A_273 = tpu.memref_squeeze %dma_wait3A_272 : memref<1x128x128xf32, #tpu.memory_space<vmem>> -> memref<128x128xf32, #tpu.memory_space<vmem>>
      %dma_wait3A_274 = arith.constant 0 : i32
      %dma_wait3A_275 = tpu.memref_slice %arg9[%add3A_68, %dma_wait3A_274] : memref<10112x128xf32, #tpu.memory_space<vmem_shared>> -> memref<128x128xf32, #tpu.memory_space<vmem_shared>>
      tpu.wait_dma2 semaphore(%run_scoped3A_251 : memref<!tpu.dma_semaphore, #tpu.memory_space<semaphore_mem>>) src(%dma_wait3A_275 : memref<128x128xf32, #tpu.memory_space<vmem_shared>>) dst(%dma_wait3A_273 : memref<128x128xf32, #tpu.memory_space<vmem>>)
      tpu.yield
    }) : () -> ()
    %add3A_70 = arith.constant 0 : i32
    %add3A_71 = arith.addi %mul3A_45, %add3A_70 : i32
    %dma_start3A_72 = arith.constant 0 : i32
    %dma_start3A_73 = arith.constant 0 : i32
    %dma_start3A_74 = arith.constant 0 : i32
    %dma_start3A_75 = tpu.memref_slice %arg8[%dma_start3A_72, %dma_start3A_73, %dma_start3A_74] : memref<2x128x128xf32, #tpu.memory_space<vmem>> -> memref<1x128x128xf32, #tpu.memory_space<vmem>>
    %dma_start3A_76 = tpu.memref_squeeze %dma_start3A_75 : memref<1x128x128xf32, #tpu.memory_space<vmem>> -> memref<128x128xf32, #tpu.memory_space<vmem>>
    %dma_start3A_77 = arith.constant 0 : i32
    %dma_start3A_78 = tpu.memref_slice %arg5[%arg0, %add3A_71, %dma_start3A_77] : memref<2x10112x128xf32, #tpu.memory_space<hbm>> -> memref<1x128x128xf32, #tpu.memory_space<hbm>>
    %dma_start3A_79 = tpu.memref_squeeze %dma_start3A_78 : memref<1x128x128xf32, #tpu.memory_space<hbm>> -> memref<128x128xf32, #tpu.memory_space<hbm>>
    %dma_start3A_80 = arith.constant 0 : i32
    %dma_start3A_81 = tpu.memref_slice %arg5[%arg0, %add3A_71, %dma_start3A_80] : memref<2x10112x128xf32, #tpu.memory_space<hbm>> -> memref<1x128x128xf32, #tpu.memory_space<hbm>>
    %dma_start3A_82 = tpu.memref_squeeze %dma_start3A_81 : memref<1x128x128xf32, #tpu.memory_space<hbm>> -> memref<128x128xf32, #tpu.memory_space<hbm>>
    %dma_start3A_83 = arith.constant 0 : i32
    %dma_start3A_84 = arith.constant 0 : i32
    %dma_start3A_85 = tpu.memref_slice %arg8[%dma_start3A_72, %dma_start3A_83, %dma_start3A_84] : memref<2x128x128xf32, #tpu.memory_space<vmem>> -> memref<1x128x128xf32, #tpu.memory_space<vmem>>
    %dma_start3A_86 = tpu.memref_squeeze %dma_start3A_85 : memref<1x128x128xf32, #tpu.memory_space<vmem>> -> memref<128x128xf32, #tpu.memory_space<vmem>>
    tpu.enqueue_dma source(%dma_start3A_86 : memref<128x128xf32, #tpu.memory_space<vmem>>) target(%dma_start3A_82 : memref<128x128xf32, #tpu.memory_space<hbm>>) target_semaphore(%arg12 : memref<!tpu.dma_semaphore, #tpu.memory_space<semaphore_mem>>)
    %add3A_87 = arith.constant 128 : i32
    %add3A_88 = arith.addi %mul3A_45, %add3A_87 : i32
    %run_scoped3A_89 = arith.constant 1 : i32
    "tpu.region"() ({
      %run_scoped3A_251 = tpu.sem_alloc : memref<!tpu.dma_semaphore, #tpu.memory_space<semaphore_mem>>
      %dma_start3A_252 = arith.constant 0 : i32
      %dma_start3A_253 = arith.constant 0 : i32
      %dma_start3A_254 = tpu.memref_slice %arg8[%run_scoped3A_89, %dma_start3A_252, %dma_start3A_253] : memref<2x128x128xf32, #tpu.memory_space<vmem>> -> memref<1x128x128xf32, #tpu.memory_space<vmem>>
      %dma_start3A_255 = tpu.memref_squeeze %dma_start3A_254 : memref<1x128x128xf32, #tpu.memory_space<vmem>> -> memref<128x128xf32, #tpu.memory_space<vmem>>
      %dma_start3A_256 = arith.constant 0 : i32
      %dma_start3A_257 = tpu.memref_slice %arg9[%add3A_88, %dma_start3A_256] : memref<10112x128xf32, #tpu.memory_space<vmem_shared>> -> memref<128x128xf32, #tpu.memory_space<vmem_shared>>
      %dma_start3A_258 = arith.constant 0 : i32
      %dma_start3A_259 = arith.constant 0 : i32
      %dma_start3A_260 = tpu.memref_slice %arg8[%run_scoped3A_89, %dma_start3A_258, %dma_start3A_259] : memref<2x128x128xf32, #tpu.memory_space<vmem>> -> memref<1x128x128xf32, #tpu.memory_space<vmem>>
      %dma_start3A_261 = tpu.memref_squeeze %dma_start3A_260 : memref<1x128x128xf32, #tpu.memory_space<vmem>> -> memref<128x128xf32, #tpu.memory_space<vmem>>
      %dma_start3A_262 = arith.constant 0 : i32
      %dma_start3A_263 = tpu.memref_slice %arg9[%add3A_88, %dma_start3A_262] : memref<10112x128xf32, #tpu.memory_space<vmem_shared>> -> memref<128x128xf32, #tpu.memory_space<vmem_shared>>
      tpu.enqueue_dma source(%dma_start3A_263 : memref<128x128xf32, #tpu.memory_space<vmem_shared>>) target(%dma_start3A_261 : memref<128x128xf32, #tpu.memory_space<vmem>>) target_semaphore(%run_scoped3A_251 : memref<!tpu.dma_semaphore, #tpu.memory_space<semaphore_mem>>)
      %dma_wait3A_264 = arith.constant 0 : i32
      %dma_wait3A_265 = arith.constant 0 : i32
      %dma_wait3A_266 = tpu.memref_slice %arg8[%run_scoped3A_89, %dma_wait3A_264, %dma_wait3A_265] : memref<2x128x128xf32, #tpu.memory_space<vmem>> -> memref<1x128x128xf32, #tpu.memory_space<vmem>>
      %dma_wait3A_267 = tpu.memref_squeeze %dma_wait3A_266 : memref<1x128x128xf32, #tpu.memory_space<vmem>> -> memref<128x128xf32, #tpu.memory_space<vmem>>
      %dma_wait3A_268 = arith.constant 0 : i32
      %dma_wait3A_269 = tpu.memref_slice %arg9[%add3A_88, %dma_wait3A_268] : memref<10112x128xf32, #tpu.memory_space<vmem_shared>> -> memref<128x128xf32, #tpu.memory_space<vmem_shared>>
      %dma_wait3A_270 = arith.constant 0 : i32
      %dma_wait3A_271 = arith.constant 0 : i32
      %dma_wait3A_272 = tpu.memref_slice %arg8[%run_scoped3A_89, %dma_wait3A_270, %dma_wait3A_271] : memref<2x128x128xf32, #tpu.memory_space<vmem>> -> memref<1x128x128xf32, #tpu.memory_space<vmem>>
      %dma_wait3A_273 = tpu.memref_squeeze %dma_wait3A_272 : memref<1x128x128xf32, #tpu.memory_space<vmem>> -> memref<128x128xf32, #tpu.memory_space<vmem>>
      %dma_wait3A_274 = arith.constant 0 : i32
      %dma_wait3A_275 = tpu.memref_slice %arg9[%add3A_88, %dma_wait3A_274] : memref<10112x128xf32, #tpu.memory_space<vmem_shared>> -> memref<128x128xf32, #tpu.memory_space<vmem_shared>>
      tpu.wait_dma2 semaphore(%run_scoped3A_251 : memref<!tpu.dma_semaphore, #tpu.memory_space<semaphore_mem>>) src(%dma_wait3A_275 : memref<128x128xf32, #tpu.memory_space<vmem_shared>>) dst(%dma_wait3A_273 : memref<128x128xf32, #tpu.memory_space<vmem>>)
      tpu.yield
    }) : () -> ()
    %add3A_90 = arith.constant 128 : i32
    %add3A_91 = arith.addi %mul3A_45, %add3A_90 : i32
    %dma_start3A_92 = arith.constant 1 : i32
    %dma_start3A_93 = arith.constant 0 : i32
    %dma_start3A_94 = arith.constant 0 : i32
    %dma_start3A_95 = tpu.memref_slice %arg8[%dma_start3A_92, %dma_start3A_93, %dma_start3A_94] : memref<2x128x128xf32, #tpu.memory_space<vmem>> -> memref<1x128x128xf32, #tpu.memory_space<vmem>>
    %dma_start3A_96 = tpu.memref_squeeze %dma_start3A_95 : memref<1x128x128xf32, #tpu.memory_space<vmem>> -> memref<128x128xf32, #tpu.memory_space<vmem>>
    %dma_start3A_97 = arith.constant 0 : i32
    %dma_start3A_98 = tpu.memref_slice %arg5[%arg0, %add3A_91, %dma_start3A_97] : memref<2x10112x128xf32, #tpu.memory_space<hbm>> -> memref<1x128x128xf32, #tpu.memory_space<hbm>>
    %dma_start3A_99 = tpu.memref_squeeze %dma_start3A_98 : memref<1x128x128xf32, #tpu.memory_space<hbm>> -> memref<128x128xf32, #tpu.memory_space<hbm>>
    %dma_start3A_100 = arith.constant 0 : i32
    %dma_start3A_101 = tpu.memref_slice %arg5[%arg0, %add3A_91, %dma_start3A_100] : memref<2x10112x128xf32, #tpu.memory_space<hbm>> -> memref<1x128x128xf32, #tpu.memory_space<hbm>>
    %dma_start3A_102 = tpu.memref_squeeze %dma_start3A_101 : memref<1x128x128xf32, #tpu.memory_space<hbm>> -> memref<128x128xf32, #tpu.memory_space<hbm>>
    %dma_start3A_103 = arith.constant 0 : i32
    %dma_start3A_104 = arith.constant 0 : i32
    %dma_start3A_105 = tpu.memref_slice %arg8[%dma_start3A_92, %dma_start3A_103, %dma_start3A_104] : memref<2x128x128xf32, #tpu.memory_space<vmem>> -> memref<1x128x128xf32, #tpu.memory_space<vmem>>
    %dma_start3A_106 = tpu.memref_squeeze %dma_start3A_105 : memref<1x128x128xf32, #tpu.memory_space<vmem>> -> memref<128x128xf32, #tpu.memory_space<vmem>>
    tpu.enqueue_dma source(%dma_start3A_106 : memref<128x128xf32, #tpu.memory_space<vmem>>) target(%dma_start3A_102 : memref<128x128xf32, #tpu.memory_space<hbm>>) target_semaphore(%arg13 : memref<!tpu.dma_semaphore, #tpu.memory_space<semaphore_mem>>)
    %add3A_107 = arith.constant 0 : i32
    %add3A_108 = arith.addi %mul3A_45, %add3A_107 : i32
    %dma_wait3A = arith.constant 0 : i32
    %dma_wait3A_109 = arith.constant 0 : i32
    %dma_wait3A_110 = arith.constant 0 : i32
    %dma_wait3A_111 = tpu.memref_slice %arg8[%dma_wait3A, %dma_wait3A_109, %dma_wait3A_110] : memref<2x128x128xf32, #tpu.memory_space<vmem>> -> memref<1x128x128xf32, #tpu.memory_space<vmem>>
    %dma_wait3A_112 = tpu.memref_squeeze %dma_wait3A_111 : memref<1x128x128xf32, #tpu.memory_space<vmem>> -> memref<128x128xf32, #tpu.memory_space<vmem>>
    %dma_wait3A_113 = arith.constant 0 : i32
    %dma_wait3A_114 = tpu.memref_slice %arg5[%arg0, %add3A_108, %dma_wait3A_113] : memref<2x10112x128xf32, #tpu.memory_space<hbm>> -> memref<1x128x128xf32, #tpu.memory_space<hbm>>
    %dma_wait3A_115 = tpu.memref_squeeze %dma_wait3A_114 : memref<1x128x128xf32, #tpu.memory_space<hbm>> -> memref<128x128xf32, #tpu.memory_space<hbm>>
    %dma_wait3A_116 = arith.constant 0 : i32
    %dma_wait3A_117 = tpu.memref_slice %arg5[%arg0, %add3A_108, %dma_wait3A_116] : memref<2x10112x128xf32, #tpu.memory_space<hbm>> -> memref<1x128x128xf32, #tpu.memory_space<hbm>>
    %dma_wait3A_118 = tpu.memref_squeeze %dma_wait3A_117 : memref<1x128x128xf32, #tpu.memory_space<hbm>> -> memref<128x128xf32, #tpu.memory_space<hbm>>
    %dma_wait3A_119 = arith.constant 0 : i32
    %dma_wait3A_120 = arith.constant 0 : i32
    %dma_wait3A_121 = tpu.memref_slice %arg8[%dma_wait3A, %dma_wait3A_119, %dma_wait3A_120] : memref<2x128x128xf32, #tpu.memory_space<vmem>> -> memref<1x128x128xf32, #tpu.memory_space<vmem>>
    %dma_wait3A_122 = tpu.memref_squeeze %dma_wait3A_121 : memref<1x128x128xf32, #tpu.memory_space<vmem>> -> memref<128x128xf32, #tpu.memory_space<vmem>>
    tpu.wait_dma2 semaphore(%arg12 : memref<!tpu.dma_semaphore, #tpu.memory_space<semaphore_mem>>) src(%dma_wait3A_122 : memref<128x128xf32, #tpu.memory_space<vmem>>) dst(%dma_wait3A_118 : memref<128x128xf32, #tpu.memory_space<hbm>>)
    %add3A_123 = arith.constant 256 : i32
    %add3A_124 = arith.addi %mul3A_45, %add3A_123 : i32
    %run_scoped3A_125 = arith.constant 0 : i32
    "tpu.region"() ({
      %run_scoped3A_251 = tpu.sem_alloc : memref<!tpu.dma_semaphore, #tpu.memory_space<semaphore_mem>>
      %dma_start3A_252 = arith.constant 0 : i32
      %dma_start3A_253 = arith.constant 0 : i32
      %dma_start3A_254 = tpu.memref_slice %arg8[%run_scoped3A_125, %dma_start3A_252, %dma_start3A_253] : memref<2x128x128xf32, #tpu.memory_space<vmem>> -> memref<1x128x128xf32, #tpu.memory_space<vmem>>
      %dma_start3A_255 = tpu.memref_squeeze %dma_start3A_254 : memref<1x128x128xf32, #tpu.memory_space<vmem>> -> memref<128x128xf32, #tpu.memory_space<vmem>>
      %dma_start3A_256 = arith.constant 0 : i32
      %dma_start3A_257 = tpu.memref_slice %arg9[%add3A_124, %dma_start3A_256] : memref<10112x128xf32, #tpu.memory_space<vmem_shared>> -> memref<128x128xf32, #tpu.memory_space<vmem_shared>>
      %dma_start3A_258 = arith.constant 0 : i32
      %dma_start3A_259 = arith.constant 0 : i32
      %dma_start3A_260 = tpu.memref_slice %arg8[%run_scoped3A_125, %dma_start3A_258, %dma_start3A_259] : memref<2x128x128xf32, #tpu.memory_space<vmem>> -> memref<1x128x128xf32, #tpu.memory_space<vmem>>
      %dma_start3A_261 = tpu.memref_squeeze %dma_start3A_260 : memref<1x128x128xf32, #tpu.memory_space<vmem>> -> memref<128x128xf32, #tpu.memory_space<vmem>>
      %dma_start3A_262 = arith.constant 0 : i32
      %dma_start3A_263 = tpu.memref_slice %arg9[%add3A_124, %dma_start3A_262] : memref<10112x128xf32, #tpu.memory_space<vmem_shared>> -> memref<128x128xf32, #tpu.memory_space<vmem_shared>>
      tpu.enqueue_dma source(%dma_start3A_263 : memref<128x128xf32, #tpu.memory_space<vmem_shared>>) target(%dma_start3A_261 : memref<128x128xf32, #tpu.memory_space<vmem>>) target_semaphore(%run_scoped3A_251 : memref<!tpu.dma_semaphore, #tpu.memory_space<semaphore_mem>>)
      %dma_wait3A_264 = arith.constant 0 : i32
      %dma_wait3A_265 = arith.constant 0 : i32
      %dma_wait3A_266 = tpu.memref_slice %arg8[%run_scoped3A_125, %dma_wait3A_264, %dma_wait3A_265] : memref<2x128x128xf32, #tpu.memory_space<vmem>> -> memref<1x128x128xf32, #tpu.memory_space<vmem>>
      %dma_wait3A_267 = tpu.memref_squeeze %dma_wait3A_266 : memref<1x128x128xf32, #tpu.memory_space<vmem>> -> memref<128x128xf32, #tpu.memory_space<vmem>>
      %dma_wait3A_268 = arith.constant 0 : i32
      %dma_wait3A_269 = tpu.memref_slice %arg9[%add3A_124, %dma_wait3A_268] : memref<10112x128xf32, #tpu.memory_space<vmem_shared>> -> memref<128x128xf32, #tpu.memory_space<vmem_shared>>
      %dma_wait3A_270 = arith.constant 0 : i32
      %dma_wait3A_271 = arith.constant 0 : i32
      %dma_wait3A_272 = tpu.memref_slice %arg8[%run_scoped3A_125, %dma_wait3A_270, %dma_wait3A_271] : memref<2x128x128xf32, #tpu.memory_space<vmem>> -> memref<1x128x128xf32, #tpu.memory_space<vmem>>
      %dma_wait3A_273 = tpu.memref_squeeze %dma_wait3A_272 : memref<1x128x128xf32, #tpu.memory_space<vmem>> -> memref<128x128xf32, #tpu.memory_space<vmem>>
      %dma_wait3A_274 = arith.constant 0 : i32
      %dma_wait3A_275 = tpu.memref_slice %arg9[%add3A_124, %dma_wait3A_274] : memref<10112x128xf32, #tpu.memory_space<vmem_shared>> -> memref<128x128xf32, #tpu.memory_space<vmem_shared>>
      tpu.wait_dma2 semaphore(%run_scoped3A_251 : memref<!tpu.dma_semaphore, #tpu.memory_space<semaphore_mem>>) src(%dma_wait3A_275 : memref<128x128xf32, #tpu.memory_space<vmem_shared>>) dst(%dma_wait3A_273 : memref<128x128xf32, #tpu.memory_space<vmem>>)
      tpu.yield
    }) : () -> ()
    %add3A_126 = arith.constant 256 : i32
    %add3A_127 = arith.addi %mul3A_45, %add3A_126 : i32
    %dma_start3A_128 = arith.constant 0 : i32
    %dma_start3A_129 = arith.constant 0 : i32
    %dma_start3A_130 = arith.constant 0 : i32
    %dma_start3A_131 = tpu.memref_slice %arg8[%dma_start3A_128, %dma_start3A_129, %dma_start3A_130] : memref<2x128x128xf32, #tpu.memory_space<vmem>> -> memref<1x128x128xf32, #tpu.memory_space<vmem>>
    %dma_start3A_132 = tpu.memref_squeeze %dma_start3A_131 : memref<1x128x128xf32, #tpu.memory_space<vmem>> -> memref<128x128xf32, #tpu.memory_space<vmem>>
    %dma_start3A_133 = arith.constant 0 : i32
    %dma_start3A_134 = tpu.memref_slice %arg5[%arg0, %add3A_127, %dma_start3A_133] : memref<2x10112x128xf32, #tpu.memory_space<hbm>> -> memref<1x128x128xf32, #tpu.memory_space<hbm>>
    %dma_start3A_135 = tpu.memref_squeeze %dma_start3A_134 : memref<1x128x128xf32, #tpu.memory_space<hbm>> -> memref<128x128xf32, #tpu.memory_space<hbm>>
    %dma_start3A_136 = arith.constant 0 : i32
    %dma_start3A_137 = tpu.memref_slice %arg5[%arg0, %add3A_127, %dma_start3A_136] : memref<2x10112x128xf32, #tpu.memory_space<hbm>> -> memref<1x128x128xf32, #tpu.memory_space<hbm>>
    %dma_start3A_138 = tpu.memref_squeeze %dma_start3A_137 : memref<1x128x128xf32, #tpu.memory_space<hbm>> -> memref<128x128xf32, #tpu.memory_space<hbm>>
    %dma_start3A_139 = arith.constant 0 : i32
    %dma_start3A_140 = arith.constant 0 : i32
    %dma_start3A_141 = tpu.memref_slice %arg8[%dma_start3A_128, %dma_start3A_139, %dma_start3A_140] : memref<2x128x128xf32, #tpu.memory_space<vmem>> -> memref<1x128x128xf32, #tpu.memory_space<vmem>>
    %dma_start3A_142 = tpu.memref_squeeze %dma_start3A_141 : memref<1x128x128xf32, #tpu.memory_space<vmem>> -> memref<128x128xf32, #tpu.memory_space<vmem>>
    tpu.enqueue_dma source(%dma_start3A_142 : memref<128x128xf32, #tpu.memory_space<vmem>>) target(%dma_start3A_138 : memref<128x128xf32, #tpu.memory_space<hbm>>) target_semaphore(%arg12 : memref<!tpu.dma_semaphore, #tpu.memory_space<semaphore_mem>>)
    %add3A_143 = arith.constant 128 : i32
    %add3A_144 = arith.addi %mul3A_45, %add3A_143 : i32
    %dma_wait3A_145 = arith.constant 1 : i32
    %dma_wait3A_146 = arith.constant 0 : i32
    %dma_wait3A_147 = arith.constant 0 : i32
    %dma_wait3A_148 = tpu.memref_slice %arg8[%dma_wait3A_145, %dma_wait3A_146, %dma_wait3A_147] : memref<2x128x128xf32, #tpu.memory_space<vmem>> -> memref<1x128x128xf32, #tpu.memory_space<vmem>>
    %dma_wait3A_149 = tpu.memref_squeeze %dma_wait3A_148 : memref<1x128x128xf32, #tpu.memory_space<vmem>> -> memref<128x128xf32, #tpu.memory_space<vmem>>
    %dma_wait3A_150 = arith.constant 0 : i32
    %dma_wait3A_151 = tpu.memref_slice %arg5[%arg0, %add3A_144, %dma_wait3A_150] : memref<2x10112x128xf32, #tpu.memory_space<hbm>> -> memref<1x128x128xf32, #tpu.memory_space<hbm>>
    %dma_wait3A_152 = tpu.memref_squeeze %dma_wait3A_151 : memref<1x128x128xf32, #tpu.memory_space<hbm>> -> memref<128x128xf32, #tpu.memory_space<hbm>>
    %dma_wait3A_153 = arith.constant 0 : i32
    %dma_wait3A_154 = tpu.memref_slice %arg5[%arg0, %add3A_144, %dma_wait3A_153] : memref<2x10112x128xf32, #tpu.memory_space<hbm>> -> memref<1x128x128xf32, #tpu.memory_space<hbm>>
    %dma_wait3A_155 = tpu.memref_squeeze %dma_wait3A_154 : memref<1x128x128xf32, #tpu.memory_space<hbm>> -> memref<128x128xf32, #tpu.memory_space<hbm>>
    %dma_wait3A_156 = arith.constant 0 : i32
    %dma_wait3A_157 = arith.constant 0 : i32
    %dma_wait3A_158 = tpu.memref_slice %arg8[%dma_wait3A_145, %dma_wait3A_156, %dma_wait3A_157] : memref<2x128x128xf32, #tpu.memory_space<vmem>> -> memref<1x128x128xf32, #tpu.memory_space<vmem>>
    %dma_wait3A_159 = tpu.memref_squeeze %dma_wait3A_158 : memref<1x128x128xf32, #tpu.memory_space<vmem>> -> memref<128x128xf32, #tpu.memory_space<vmem>>
    tpu.wait_dma2 semaphore(%arg13 : memref<!tpu.dma_semaphore, #tpu.memory_space<semaphore_mem>>) src(%dma_wait3A_159 : memref<128x128xf32, #tpu.memory_space<vmem>>) dst(%dma_wait3A_155 : memref<128x128xf32, #tpu.memory_space<hbm>>)
    %add3A_160 = arith.constant 384 : i32
    %add3A_161 = arith.addi %mul3A_45, %add3A_160 : i32
    %run_scoped3A_162 = arith.constant 1 : i32
    "tpu.region"() ({
      %run_scoped3A_251 = tpu.sem_alloc : memref<!tpu.dma_semaphore, #tpu.memory_space<semaphore_mem>>
      %dma_start3A_252 = arith.constant 0 : i32
      %dma_start3A_253 = arith.constant 0 : i32
      %dma_start3A_254 = tpu.memref_slice %arg8[%run_scoped3A_162, %dma_start3A_252, %dma_start3A_253] : memref<2x128x128xf32, #tpu.memory_space<vmem>> -> memref<1x128x128xf32, #tpu.memory_space<vmem>>
      %dma_start3A_255 = tpu.memref_squeeze %dma_start3A_254 : memref<1x128x128xf32, #tpu.memory_space<vmem>> -> memref<128x128xf32, #tpu.memory_space<vmem>>
      %dma_start3A_256 = arith.constant 0 : i32
      %dma_start3A_257 = tpu.memref_slice %arg9[%add3A_161, %dma_start3A_256] : memref<10112x128xf32, #tpu.memory_space<vmem_shared>> -> memref<128x128xf32, #tpu.memory_space<vmem_shared>>
      %dma_start3A_258 = arith.constant 0 : i32
      %dma_start3A_259 = arith.constant 0 : i32
      %dma_start3A_260 = tpu.memref_slice %arg8[%run_scoped3A_162, %dma_start3A_258, %dma_start3A_259] : memref<2x128x128xf32, #tpu.memory_space<vmem>> -> memref<1x128x128xf32, #tpu.memory_space<vmem>>
      %dma_start3A_261 = tpu.memref_squeeze %dma_start3A_260 : memref<1x128x128xf32, #tpu.memory_space<vmem>> -> memref<128x128xf32, #tpu.memory_space<vmem>>
      %dma_start3A_262 = arith.constant 0 : i32
      %dma_start3A_263 = tpu.memref_slice %arg9[%add3A_161, %dma_start3A_262] : memref<10112x128xf32, #tpu.memory_space<vmem_shared>> -> memref<128x128xf32, #tpu.memory_space<vmem_shared>>
      tpu.enqueue_dma source(%dma_start3A_263 : memref<128x128xf32, #tpu.memory_space<vmem_shared>>) target(%dma_start3A_261 : memref<128x128xf32, #tpu.memory_space<vmem>>) target_semaphore(%run_scoped3A_251 : memref<!tpu.dma_semaphore, #tpu.memory_space<semaphore_mem>>)
      %dma_wait3A_264 = arith.constant 0 : i32
      %dma_wait3A_265 = arith.constant 0 : i32
      %dma_wait3A_266 = tpu.memref_slice %arg8[%run_scoped3A_162, %dma_wait3A_264, %dma_wait3A_265] : memref<2x128x128xf32, #tpu.memory_space<vmem>> -> memref<1x128x128xf32, #tpu.memory_space<vmem>>
      %dma_wait3A_267 = tpu.memref_squeeze %dma_wait3A_266 : memref<1x128x128xf32, #tpu.memory_space<vmem>> -> memref<128x128xf32, #tpu.memory_space<vmem>>
      %dma_wait3A_268 = arith.constant 0 : i32
      %dma_wait3A_269 = tpu.memref_slice %arg9[%add3A_161, %dma_wait3A_268] : memref<10112x128xf32, #tpu.memory_space<vmem_shared>> -> memref<128x128xf32, #tpu.memory_space<vmem_shared>>
      %dma_wait3A_270 = arith.constant 0 : i32
      %dma_wait3A_271 = arith.constant 0 : i32
      %dma_wait3A_272 = tpu.memref_slice %arg8[%run_scoped3A_162, %dma_wait3A_270, %dma_wait3A_271] : memref<2x128x128xf32, #tpu.memory_space<vmem>> -> memref<1x128x128xf32, #tpu.memory_space<vmem>>
      %dma_wait3A_273 = tpu.memref_squeeze %dma_wait3A_272 : memref<1x128x128xf32, #tpu.memory_space<vmem>> -> memref<128x128xf32, #tpu.memory_space<vmem>>
      %dma_wait3A_274 = arith.constant 0 : i32
      %dma_wait3A_275 = tpu.memref_slice %arg9[%add3A_161, %dma_wait3A_274] : memref<10112x128xf32, #tpu.memory_space<vmem_shared>> -> memref<128x128xf32, #tpu.memory_space<vmem_shared>>
      tpu.wait_dma2 semaphore(%run_scoped3A_251 : memref<!tpu.dma_semaphore, #tpu.memory_space<semaphore_mem>>) src(%dma_wait3A_275 : memref<128x128xf32, #tpu.memory_space<vmem_shared>>) dst(%dma_wait3A_273 : memref<128x128xf32, #tpu.memory_space<vmem>>)
      tpu.yield
    }) : () -> ()
    %add3A_163 = arith.constant 384 : i32
    %add3A_164 = arith.addi %mul3A_45, %add3A_163 : i32
    %dma_start3A_165 = arith.constant 1 : i32
    %dma_start3A_166 = arith.constant 0 : i32
    %dma_start3A_167 = arith.constant 0 : i32
    %dma_start3A_168 = tpu.memref_slice %arg8[%dma_start3A_165, %dma_start3A_166, %dma_start3A_167] : memref<2x128x128xf32, #tpu.memory_space<vmem>> -> memref<1x128x128xf32, #tpu.memory_space<vmem>>
    %dma_start3A_169 = tpu.memref_squeeze %dma_start3A_168 : memref<1x128x128xf32, #tpu.memory_space<vmem>> -> memref<128x128xf32, #tpu.memory_space<vmem>>
    %dma_start3A_170 = arith.constant 0 : i32
    %dma_start3A_171 = tpu.memref_slice %arg5[%arg0, %add3A_164, %dma_start3A_170] : memref<2x10112x128xf32, #tpu.memory_space<hbm>> -> memref<1x128x128xf32, #tpu.memory_space<hbm>>
    %dma_start3A_172 = tpu.memref_squeeze %dma_start3A_171 : memref<1x128x128xf32, #tpu.memory_space<hbm>> -> memref<128x128xf32, #tpu.memory_space<hbm>>
    %dma_start3A_173 = arith.constant 0 : i32
    %dma_start3A_174 = tpu.memref_slice %arg5[%arg0, %add3A_164, %dma_start3A_173] : memref<2x10112x128xf32, #tpu.memory_space<hbm>> -> memref<1x128x128xf32, #tpu.memory_space<hbm>>
    %dma_start3A_175 = tpu.memref_squeeze %dma_start3A_174 : memref<1x128x128xf32, #tpu.memory_space<hbm>> -> memref<128x128xf32, #tpu.memory_space<hbm>>
    %dma_start3A_176 = arith.constant 0 : i32
    %dma_start3A_177 = arith.constant 0 : i32
    %dma_start3A_178 = tpu.memref_slice %arg8[%dma_start3A_165, %dma_start3A_176, %dma_start3A_177] : memref<2x128x128xf32, #tpu.memory_space<vmem>> -> memref<1x128x128xf32, #tpu.memory_space<vmem>>
    %dma_start3A_179 = tpu.memref_squeeze %dma_start3A_178 : memref<1x128x128xf32, #tpu.memory_space<vmem>> -> memref<128x128xf32, #tpu.memory_space<vmem>>
    tpu.enqueue_dma source(%dma_start3A_179 : memref<128x128xf32, #tpu.memory_space<vmem>>) target(%dma_start3A_175 : memref<128x128xf32, #tpu.memory_space<hbm>>) target_semaphore(%arg13 : memref<!tpu.dma_semaphore, #tpu.memory_space<semaphore_mem>>)
    %add3A_180 = arith.constant 256 : i32
    %add3A_181 = arith.addi %mul3A_45, %add3A_180 : i32
    %dma_wait3A_182 = arith.constant 0 : i32
    %dma_wait3A_183 = arith.constant 0 : i32
    %dma_wait3A_184 = arith.constant 0 : i32
    %dma_wait3A_185 = tpu.memref_slice %arg8[%dma_wait3A_182, %dma_wait3A_183, %dma_wait3A_184] : memref<2x128x128xf32, #tpu.memory_space<vmem>> -> memref<1x128x128xf32, #tpu.memory_space<vmem>>
    %dma_wait3A_186 = tpu.memref_squeeze %dma_wait3A_185 : memref<1x128x128xf32, #tpu.memory_space<vmem>> -> memref<128x128xf32, #tpu.memory_space<vmem>>
    %dma_wait3A_187 = arith.constant 0 : i32
    %dma_wait3A_188 = tpu.memref_slice %arg5[%arg0, %add3A_181, %dma_wait3A_187] : memref<2x10112x128xf32, #tpu.memory_space<hbm>> -> memref<1x128x128xf32, #tpu.memory_space<hbm>>
    %dma_wait3A_189 = tpu.memref_squeeze %dma_wait3A_188 : memref<1x128x128xf32, #tpu.memory_space<hbm>> -> memref<128x128xf32, #tpu.memory_space<hbm>>
    %dma_wait3A_190 = arith.constant 0 : i32
    %dma_wait3A_191 = tpu.memref_slice %arg5[%arg0, %add3A_181, %dma_wait3A_190] : memref<2x10112x128xf32, #tpu.memory_space<hbm>> -> memref<1x128x128xf32, #tpu.memory_space<hbm>>
    %dma_wait3A_192 = tpu.memref_squeeze %dma_wait3A_191 : memref<1x128x128xf32, #tpu.memory_space<hbm>> -> memref<128x128xf32, #tpu.memory_space<hbm>>
    %dma_wait3A_193 = arith.constant 0 : i32
    %dma_wait3A_194 = arith.constant 0 : i32
    %dma_wait3A_195 = tpu.memref_slice %arg8[%dma_wait3A_182, %dma_wait3A_193, %dma_wait3A_194] : memref<2x128x128xf32, #tpu.memory_space<vmem>> -> memref<1x128x128xf32, #tpu.memory_space<vmem>>
    %dma_wait3A_196 = tpu.memref_squeeze %dma_wait3A_195 : memref<1x128x128xf32, #tpu.memory_space<vmem>> -> memref<128x128xf32, #tpu.memory_space<vmem>>
    tpu.wait_dma2 semaphore(%arg12 : memref<!tpu.dma_semaphore, #tpu.memory_space<semaphore_mem>>) src(%dma_wait3A_196 : memref<128x128xf32, #tpu.memory_space<vmem>>) dst(%dma_wait3A_192 : memref<128x128xf32, #tpu.memory_space<hbm>>)
    %add3A_197 = arith.constant 512 : i32
    %add3A_198 = arith.addi %mul3A_45, %add3A_197 : i32
    %run_scoped3A_199 = arith.constant 0 : i32
    "tpu.region"() ({
      %run_scoped3A_251 = tpu.sem_alloc : memref<!tpu.dma_semaphore, #tpu.memory_space<semaphore_mem>>
      %dma_start3A_252 = arith.constant 0 : i32
      %dma_start3A_253 = arith.constant 0 : i32
      %dma_start3A_254 = tpu.memref_slice %arg8[%run_scoped3A_199, %dma_start3A_252, %dma_start3A_253] : memref<2x128x128xf32, #tpu.memory_space<vmem>> -> memref<1x120x128xf32, #tpu.memory_space<vmem>>
      %dma_start3A_255 = tpu.memref_squeeze %dma_start3A_254 : memref<1x120x128xf32, #tpu.memory_space<vmem>> -> memref<120x128xf32, #tpu.memory_space<vmem>>
      %dma_start3A_256 = arith.constant 0 : i32
      %dma_start3A_257 = tpu.memref_slice %arg9[%add3A_198, %dma_start3A_256] : memref<10112x128xf32, #tpu.memory_space<vmem_shared>> -> memref<120x128xf32, #tpu.memory_space<vmem_shared>>
      %dma_start3A_258 = arith.constant 0 : i32
      %dma_start3A_259 = arith.constant 0 : i32
      %dma_start3A_260 = tpu.memref_slice %arg8[%run_scoped3A_199, %dma_start3A_258, %dma_start3A_259] : memref<2x128x128xf32, #tpu.memory_space<vmem>> -> memref<1x120x128xf32, #tpu.memory_space<vmem>>
      %dma_start3A_261 = tpu.memref_squeeze %dma_start3A_260 : memref<1x120x128xf32, #tpu.memory_space<vmem>> -> memref<120x128xf32, #tpu.memory_space<vmem>>
      %dma_start3A_262 = arith.constant 0 : i32
      %dma_start3A_263 = tpu.memref_slice %arg9[%add3A_198, %dma_start3A_262] : memref<10112x128xf32, #tpu.memory_space<vmem_shared>> -> memref<120x128xf32, #tpu.memory_space<vmem_shared>>
      tpu.enqueue_dma source(%dma_start3A_263 : memref<120x128xf32, #tpu.memory_space<vmem_shared>>) target(%dma_start3A_261 : memref<120x128xf32, #tpu.memory_space<vmem>>) target_semaphore(%run_scoped3A_251 : memref<!tpu.dma_semaphore, #tpu.memory_space<semaphore_mem>>)
      %dma_wait3A_264 = arith.constant 0 : i32
      %dma_wait3A_265 = arith.constant 0 : i32
      %dma_wait3A_266 = tpu.memref_slice %arg8[%run_scoped3A_199, %dma_wait3A_264, %dma_wait3A_265] : memref<2x128x128xf32, #tpu.memory_space<vmem>> -> memref<1x120x128xf32, #tpu.memory_space<vmem>>
      %dma_wait3A_267 = tpu.memref_squeeze %dma_wait3A_266 : memref<1x120x128xf32, #tpu.memory_space<vmem>> -> memref<120x128xf32, #tpu.memory_space<vmem>>
      %dma_wait3A_268 = arith.constant 0 : i32
      %dma_wait3A_269 = tpu.memref_slice %arg9[%add3A_198, %dma_wait3A_268] : memref<10112x128xf32, #tpu.memory_space<vmem_shared>> -> memref<120x128xf32, #tpu.memory_space<vmem_shared>>
      %dma_wait3A_270 = arith.constant 0 : i32
      %dma_wait3A_271 = arith.constant 0 : i32
      %dma_wait3A_272 = tpu.memref_slice %arg8[%run_scoped3A_199, %dma_wait3A_270, %dma_wait3A_271] : memref<2x128x128xf32, #tpu.memory_space<vmem>> -> memref<1x120x128xf32, #tpu.memory_space<vmem>>
      %dma_wait3A_273 = tpu.memref_squeeze %dma_wait3A_272 : memref<1x120x128xf32, #tpu.memory_space<vmem>> -> memref<120x128xf32, #tpu.memory_space<vmem>>
      %dma_wait3A_274 = arith.constant 0 : i32
      %dma_wait3A_275 = tpu.memref_slice %arg9[%add3A_198, %dma_wait3A_274] : memref<10112x128xf32, #tpu.memory_space<vmem_shared>> -> memref<120x128xf32, #tpu.memory_space<vmem_shared>>
      tpu.wait_dma2 semaphore(%run_scoped3A_251 : memref<!tpu.dma_semaphore, #tpu.memory_space<semaphore_mem>>) src(%dma_wait3A_275 : memref<120x128xf32, #tpu.memory_space<vmem_shared>>) dst(%dma_wait3A_273 : memref<120x128xf32, #tpu.memory_space<vmem>>)
      tpu.yield
    }) : () -> ()
    %add3A_200 = arith.constant 512 : i32
    %add3A_201 = arith.addi %mul3A_45, %add3A_200 : i32
    %dma_start3A_202 = arith.constant 0 : i32
    %dma_start3A_203 = arith.constant 0 : i32
    %dma_start3A_204 = arith.constant 0 : i32
    %dma_start3A_205 = tpu.memref_slice %arg8[%dma_start3A_202, %dma_start3A_203, %dma_start3A_204] : memref<2x128x128xf32, #tpu.memory_space<vmem>> -> memref<1x120x128xf32, #tpu.memory_space<vmem>>
    %dma_start3A_206 = tpu.memref_squeeze %dma_start3A_205 : memref<1x120x128xf32, #tpu.memory_space<vmem>> -> memref<120x128xf32, #tpu.memory_space<vmem>>
    %dma_start3A_207 = arith.constant 0 : i32
    %dma_start3A_208 = tpu.memref_slice %arg5[%arg0, %add3A_201, %dma_start3A_207] : memref<2x10112x128xf32, #tpu.memory_space<hbm>> -> memref<1x120x128xf32, #tpu.memory_space<hbm>>
    %dma_start3A_209 = tpu.memref_squeeze %dma_start3A_208 : memref<1x120x128xf32, #tpu.memory_space<hbm>> -> memref<120x128xf32, #tpu.memory_space<hbm>>
    %dma_start3A_210 = arith.constant 0 : i32
    %dma_start3A_211 = tpu.memref_slice %arg5[%arg0, %add3A_201, %dma_start3A_210] : memref<2x10112x128xf32, #tpu.memory_space<hbm>> -> memref<1x120x128xf32, #tpu.memory_space<hbm>>
    %dma_start3A_212 = tpu.memref_squeeze %dma_start3A_211 : memref<1x120x128xf32, #tpu.memory_space<hbm>> -> memref<120x128xf32, #tpu.memory_space<hbm>>
    %dma_start3A_213 = arith.constant 0 : i32
    %dma_start3A_214 = arith.constant 0 : i32
    %dma_start3A_215 = tpu.memref_slice %arg8[%dma_start3A_202, %dma_start3A_213, %dma_start3A_214] : memref<2x128x128xf32, #tpu.memory_space<vmem>> -> memref<1x120x128xf32, #tpu.memory_space<vmem>>
    %dma_start3A_216 = tpu.memref_squeeze %dma_start3A_215 : memref<1x120x128xf32, #tpu.memory_space<vmem>> -> memref<120x128xf32, #tpu.memory_space<vmem>>
    tpu.enqueue_dma source(%dma_start3A_216 : memref<120x128xf32, #tpu.memory_space<vmem>>) target(%dma_start3A_212 : memref<120x128xf32, #tpu.memory_space<hbm>>) target_semaphore(%arg12 : memref<!tpu.dma_semaphore, #tpu.memory_space<semaphore_mem>>)
    %add3A_217 = arith.constant 384 : i32
    %add3A_218 = arith.addi %mul3A_45, %add3A_217 : i32
    %dma_wait3A_219 = arith.constant 1 : i32
    %dma_wait3A_220 = arith.constant 0 : i32
    %dma_wait3A_221 = arith.constant 0 : i32
    %dma_wait3A_222 = tpu.memref_slice %arg8[%dma_wait3A_219, %dma_wait3A_220, %dma_wait3A_221] : memref<2x128x128xf32, #tpu.memory_space<vmem>> -> memref<1x128x128xf32, #tpu.memory_space<vmem>>
    %dma_wait3A_223 = tpu.memref_squeeze %dma_wait3A_222 : memref<1x128x128xf32, #tpu.memory_space<vmem>> -> memref<128x128xf32, #tpu.memory_space<vmem>>
    %dma_wait3A_224 = arith.constant 0 : i32
    %dma_wait3A_225 = tpu.memref_slice %arg5[%arg0, %add3A_218, %dma_wait3A_224] : memref<2x10112x128xf32, #tpu.memory_space<hbm>> -> memref<1x128x128xf32, #tpu.memory_space<hbm>>
    %dma_wait3A_226 = tpu.memref_squeeze %dma_wait3A_225 : memref<1x128x128xf32, #tpu.memory_space<hbm>> -> memref<128x128xf32, #tpu.memory_space<hbm>>
    %dma_wait3A_227 = arith.constant 0 : i32
    %dma_wait3A_228 = tpu.memref_slice %arg5[%arg0, %add3A_218, %dma_wait3A_227] : memref<2x10112x128xf32, #tpu.memory_space<hbm>> -> memref<1x128x128xf32, #tpu.memory_space<hbm>>
    %dma_wait3A_229 = tpu.memref_squeeze %dma_wait3A_228 : memref<1x128x128xf32, #tpu.memory_space<hbm>> -> memref<128x128xf32, #tpu.memory_space<hbm>>
    %dma_wait3A_230 = arith.constant 0 : i32
    %dma_wait3A_231 = arith.constant 0 : i32
    %dma_wait3A_232 = tpu.memref_slice %arg8[%dma_wait3A_219, %dma_wait3A_230, %dma_wait3A_231] : memref<2x128x128xf32, #tpu.memory_space<vmem>> -> memref<1x128x128xf32, #tpu.memory_space<vmem>>
    %dma_wait3A_233 = tpu.memref_squeeze %dma_wait3A_232 : memref<1x128x128xf32, #tpu.memory_space<vmem>> -> memref<128x128xf32, #tpu.memory_space<vmem>>
    tpu.wait_dma2 semaphore(%arg13 : memref<!tpu.dma_semaphore, #tpu.memory_space<semaphore_mem>>) src(%dma_wait3A_233 : memref<128x128xf32, #tpu.memory_space<vmem>>) dst(%dma_wait3A_229 : memref<128x128xf32, #tpu.memory_space<hbm>>)
    %add3A_234 = arith.constant 512 : i32
    %add3A_235 = arith.addi %mul3A_45, %add3A_234 : i32
    %dma_wait3A_236 = arith.constant 0 : i32
    %dma_wait3A_237 = arith.constant 0 : i32
    %dma_wait3A_238 = arith.constant 0 : i32
    %dma_wait3A_239 = tpu.memref_slice %arg8[%dma_wait3A_236, %dma_wait3A_237, %dma_wait3A_238] : memref<2x128x128xf32, #tpu.memory_space<vmem>> -> memref<1x120x128xf32, #tpu.memory_space<vmem>>
    %dma_wait3A_240 = tpu.memref_squeeze %dma_wait3A_239 : memref<1x120x128xf32, #tpu.memory_space<vmem>> -> memref<120x128xf32, #tpu.memory_space<vmem>>
    %dma_wait3A_241 = arith.constant 0 : i32
    %dma_wait3A_242 = tpu.memref_slice %arg5[%arg0, %add3A_235, %dma_wait3A_241] : memref<2x10112x128xf32, #tpu.memory_space<hbm>> -> memref<1x120x128xf32, #tpu.memory_space<hbm>>
    %dma_wait3A_243 = tpu.memref_squeeze %dma_wait3A_242 : memref<1x120x128xf32, #tpu.memory_space<hbm>> -> memref<120x128xf32, #tpu.memory_space<hbm>>
    %dma_wait3A_244 = arith.constant 0 : i32
    %dma_wait3A_245 = tpu.memref_slice %arg5[%arg0, %add3A_235, %dma_wait3A_244] : memref<2x10112x128xf32, #tpu.memory_space<hbm>> -> memref<1x120x128xf32, #tpu.memory_space<hbm>>
    %dma_wait3A_246 = tpu.memref_squeeze %dma_wait3A_245 : memref<1x120x128xf32, #tpu.memory_space<hbm>> -> memref<120x128xf32, #tpu.memory_space<hbm>>
    %dma_wait3A_247 = arith.constant 0 : i32
    %dma_wait3A_248 = arith.constant 0 : i32
    %dma_wait3A_249 = tpu.memref_slice %arg8[%dma_wait3A_236, %dma_wait3A_247, %dma_wait3A_248] : memref<2x128x128xf32, #tpu.memory_space<vmem>> -> memref<1x120x128xf32, #tpu.memory_space<vmem>>
    %dma_wait3A_250 = tpu.memref_squeeze %dma_wait3A_249 : memref<1x120x128xf32, #tpu.memory_space<vmem>> -> memref<120x128xf32, #tpu.memory_space<vmem>>
    tpu.wait_dma2 semaphore(%arg12 : memref<!tpu.dma_semaphore, #tpu.memory_space<semaphore_mem>>) src(%dma_wait3A_250 : memref<120x128xf32, #tpu.memory_space<vmem>>) dst(%dma_wait3A_246 : memref<120x128xf32, #tpu.memory_space<hbm>>)
    return
  }
}

module attributes {stable_mosaic.version = 14 : i64} {
  func.func @body(%arg0: i32, %arg1: memref<5000x128xf32, #tpu.memory_space<vmem>>, %arg2: memref<128x128xf32, #tpu.memory_space<vmem>>, %arg3: memref<5000x128xf32, #tpu.memory_space<vmem>>) attributes {dimension_semantics = [#tpu.dimension_semantics<arbitrary>], iteration_bounds = array<i64: 2>, scalar_prefetch = 0 : i64, scratch_operands = 0 : i64, tpu.core_type = #tpu.core_type<tc>, window_params = [{transform_indices = @transform_0, window_bounds = array<i64: 5000, 128>}, {pipeline_mode = #tpu.pipeline_mode<synchronous>, transform_indices = @transform_1, window_bounds = array<i64: 128, 128>}, {transform_indices = @transform_2, window_bounds = array<i64: 5000, 128>}]} {
    %get3A = arith.constant 0 : index
    %get3A_0 = arith.constant 0 : index
    %get3A_1 = vector.load %arg1[%get3A, %get3A_0] : memref<5000x128xf32, #tpu.memory_space<vmem>>, vector<5000x128xf32>
    %get3A_2 = arith.constant 0 : index
    %get3A_3 = arith.constant 0 : index
    %get3A_4 = vector.load %arg2[%get3A_2, %get3A_3] : memref<128x128xf32, #tpu.memory_space<vmem>>, vector<128x128xf32>
    %dot_general3A = arith.constant dense<0.000000e+00> : vector<5000x128xf32>
    %dot_general3A_5 = tpu.matmul %get3A_1, %get3A_4, %dot_general3A {dimension_numbers = #tpu.dot_dimension_numbers<[1], [0], [0], [1], [0, 0, 1, 1], [], []>, transpose_lhs_hint = false} : vector<5000x128xf32>, vector<128x128xf32>, vector<5000x128xf32> -> vector<5000x128xf32>
    %swap3A = arith.constant 0 : index
    %swap3A_6 = arith.constant 0 : index
    %swap3A_7 = vector.load %arg3[%swap3A, %swap3A_6] : memref<5000x128xf32, #tpu.memory_space<vmem>>, vector<5000x128xf32>
    tpu.vector_store %arg3[%swap3A, %swap3A_6], %dot_general3A_5 {strides = array<i32>} : memref<5000x128xf32, #tpu.memory_space<vmem>>, vector<5000x128xf32>,
    return
  }
  func.func @transform_0(%arg0: i32) -> (i32, i32) {
    %c0_i32 = arith.constant 0 : i32
    %c0_i32_0 = arith.constant 0 : i32
    return %arg0, %c0_i32 : i32, i32
  }
  func.func @transform_1(%arg0: i32) -> (i32, i32) {
    %c0_i32 = arith.constant 0 : i32
    %c0_i32_0 = arith.constant 0 : i32
    %c0_i32_1 = arith.constant 0 : i32
    return %c0_i32, %c0_i32_0 : i32, i32
  }
  func.func @transform_2(%arg0: i32) -> (i32, i32) {
    %c0_i32 = arith.constant 0 : i32
    %c0_i32_0 = arith.constant 0 : i32
    return %arg0, %c0_i32 : i32, i32
  }
}

module attributes {stable_mosaic.version = 14 : i64} {
  func.func @body(%arg0: i32, %arg1: memref<5000x128xf32, #tpu.memory_space<vmem>>, %arg2: memref<5000x32xf32, #tpu.memory_space<vmem>>, %arg3: memref<5000x128xf32, #tpu.memory_space<vmem>>, %arg4: memref<5000x1xf32, #tpu.memory_space<vmem>>) attributes {dimension_semantics = [#tpu.dimension_semantics<arbitrary>], iteration_bounds = array<i64: 2>, scalar_prefetch = 0 : i64, scratch_operands = 0 : i64, tpu.core_type = #tpu.core_type<tc>, window_params = [{transform_indices = @transform_0, window_bounds = array<i64: 5000, 128>}, {transform_indices = @transform_1, window_bounds = array<i64: 5000, 32>}, {transform_indices = @transform_2, window_bounds = array<i64: 5000, 128>}, {transform_indices = @transform_3, window_bounds = array<i64: 5000, 1>}]} {
    %get3A = arith.constant 0 : index
    %get3A_0 = arith.constant 0 : index
    %get3A_1 = vector.load %arg2[%get3A, %get3A_0] : memref<5000x32xf32, #tpu.memory_space<vmem>>, vector<5000x32xf32>
    %reduce_sum3A = arith.constant dense<0.000000e+00> : vector<5000xf32>
    %reduce_sum3A_2 = vector.multi_reduction <add>, %get3A_1, %reduce_sum3A [1] : vector<5000x32xf32> to vector<5000xf32>
    %broadcast_in_dim3A = vector.shape_cast %reduce_sum3A_2 : vector<5000xf32> to vector<5000x1xf32>
    %add3A = arith.constant 1.000000e+00 : f32
    %add3A_3 = vector.broadcast %add3A : f32 to vector<5000x1xf32>
    %add3A_4 = arith.addf %broadcast_in_dim3A, %add3A_3 : vector<5000x1xf32>
    %rsqrt3A = math.rsqrt %add3A_4 : vector<5000x1xf32>
    %get3A_5 = arith.constant 0 : index
    %get3A_6 = arith.constant 0 : index
    %get3A_7 = vector.load %arg1[%get3A_5, %get3A_6] : memref<5000x128xf32, #tpu.memory_space<vmem>>, vector<5000x128xf32>
    %mul3A = vector.broadcast %rsqrt3A : vector<5000x1xf32> to vector<5000x128xf32>
    %mul3A_8 = arith.mulf %get3A_7, %mul3A : vector<5000x128xf32>
    %swap3A = arith.constant 0 : index
    %swap3A_9 = arith.constant 0 : index
    %swap3A_10 = vector.load %arg3[%swap3A, %swap3A_9] : memref<5000x128xf32, #tpu.memory_space<vmem>>, vector<5000x128xf32>
    tpu.vector_store %arg3[%swap3A, %swap3A_9], %mul3A_8 {strides = array<i32>} : memref<5000x128xf32, #tpu.memory_space<vmem>>, vector<5000x128xf32>,
    %swap3A_11 = arith.constant 0 : index
    %swap3A_12 = arith.constant 0 : index
    %swap3A_13 = vector.load %arg4[%swap3A_11, %swap3A_12] : memref<5000x1xf32, #tpu.memory_space<vmem>>, vector<5000x1xf32>
    tpu.vector_store %arg4[%swap3A_11, %swap3A_12], %rsqrt3A {strides = array<i32>} : memref<5000x1xf32, #tpu.memory_space<vmem>>, vector<5000x1xf32>,
    return
  }
  func.func @transform_0(%arg0: i32) -> (i32, i32) {
    %c0_i32 = arith.constant 0 : i32
    %c0_i32_0 = arith.constant 0 : i32
    return %arg0, %c0_i32 : i32, i32
  }
  func.func @transform_1(%arg0: i32) -> (i32, i32) {
    %c0_i32 = arith.constant 0 : i32
    %c0_i32_0 = arith.constant 0 : i32
    return %arg0, %c0_i32 : i32, i32
  }
  func.func @transform_2(%arg0: i32) -> (i32, i32) {
    %c0_i32 = arith.constant 0 : i32
    %c0_i32_0 = arith.constant 0 : i32
    return %arg0, %c0_i32 : i32, i32
  }
  func.func @transform_3(%arg0: i32) -> (i32, i32) {
    %c0_i32 = arith.constant 0 : i32
    %c0_i32_0 = arith.constant 0 : i32
    return %arg0, %c0_i32 : i32, i32
  }
}

module attributes {stable_mosaic.version = 14 : i64} {
  func.func @body(%arg0: i32, %arg1: memref<2x5000x128xf32, #tpu.memory_space<vmem>>, %arg2: memref<5000x128xf32, #tpu.memory_space<vmem>>, %arg3: memref<5000x1xf32, #tpu.memory_space<vmem>>, %arg4: memref<1x128xf32, #tpu.memory_space<vmem>>, %arg5: memref<128x128xf32, #tpu.memory_space<vmem>>, %arg6: memref<5000x128xf32, #tpu.memory_space<vmem>>) attributes {dimension_semantics = [#tpu.dimension_semantics<arbitrary>], iteration_bounds = array<i64: 2>, scalar_prefetch = 0 : i64, scratch_operands = 0 : i64, tpu.core_type = #tpu.core_type<tc>, window_params = [{transform_indices = @transform_0, window_bounds = array<i64: 2, 5000, 128>}, {transform_indices = @transform_1, window_bounds = array<i64: 5000, 128>}, {transform_indices = @transform_2, window_bounds = array<i64: 5000, 1>}, {pipeline_mode = #tpu.pipeline_mode<synchronous>, transform_indices = @transform_3, window_bounds = array<i64: 1, 128>}, {pipeline_mode = #tpu.pipeline_mode<synchronous>, transform_indices = @transform_4, window_bounds = array<i64: 128, 128>}, {transform_indices = @transform_5, window_bounds = array<i64: 5000, 128>}]} {
    %get3A = arith.constant 0 : index
    %get3A_0 = arith.constant 0 : index
    %get3A_1 = arith.constant 0 : index
    %get3A_2 = vector.load %arg1[%get3A, %get3A_0, %get3A_1] : memref<2x5000x128xf32, #tpu.memory_space<vmem>>, vector<1x5000x128xf32>
    %get3A_3 = vector.shape_cast %get3A_2 : vector<1x5000x128xf32> to vector<5000x128xf32>
    %get3A_4 = arith.constant 1 : index
    %get3A_5 = arith.constant 0 : index
    %get3A_6 = arith.constant 0 : index
    %get3A_7 = vector.load %arg1[%get3A_4, %get3A_5, %get3A_6] : memref<2x5000x128xf32, #tpu.memory_space<vmem>>, vector<1x5000x128xf32>
    %get3A_8 = vector.shape_cast %get3A_7 : vector<1x5000x128xf32> to vector<5000x128xf32>
    %add3A = arith.addf %get3A_3, %get3A_8 : vector<5000x128xf32>
    %get3A_9 = arith.constant 0 : index
    %get3A_10 = arith.constant 0 : index
    %get3A_11 = vector.load %arg2[%get3A_9, %get3A_10] : memref<5000x128xf32, #tpu.memory_space<vmem>>, vector<5000x128xf32>
    %add3A_12 = arith.addf %add3A, %get3A_11 : vector<5000x128xf32>
    %get3A_13 = arith.constant 0 : index
    %get3A_14 = arith.constant 0 : index
    %get3A_15 = vector.load %arg3[%get3A_13, %get3A_14] : memref<5000x1xf32, #tpu.memory_space<vmem>>, vector<5000x1xf32>
    %mul3A = vector.broadcast %get3A_15 : vector<5000x1xf32> to vector<5000x128xf32>
    %mul3A_16 = arith.mulf %mul3A, %add3A_12 : vector<5000x128xf32>
    %get3A_17 = arith.constant 0 : index
    %get3A_18 = arith.constant 0 : index
    %get3A_19 = vector.load %arg4[%get3A_17, %get3A_18] : memref<1x128xf32, #tpu.memory_space<vmem>>, vector<1x128xf32>
    %add3A_20 = vector.broadcast %get3A_19 : vector<1x128xf32> to vector<5000x128xf32>
    %add3A_21 = arith.addf %mul3A_16, %add3A_20 : vector<5000x128xf32>
    %max3A = arith.constant 0.000000e+00 : f32
    %max3A_22 = vector.broadcast %max3A : f32 to vector<5000x128xf32>
    %max3A_23 = arith.maximumf %add3A_21, %max3A_22 : vector<5000x128xf32>
    %get3A_24 = arith.constant 0 : index
    %get3A_25 = arith.constant 0 : index
    %get3A_26 = vector.load %arg3[%get3A_24, %get3A_25] : memref<5000x1xf32, #tpu.memory_space<vmem>>, vector<5000x1xf32>
    %get3A_27 = arith.constant 0 : index
    %get3A_28 = arith.constant 0 : index
    %get3A_29 = vector.load %arg5[%get3A_27, %get3A_28] : memref<128x128xf32, #tpu.memory_space<vmem>>, vector<128x128xf32>
    %dot_general3A = arith.constant dense<0.000000e+00> : vector<5000x128xf32>
    %dot_general3A_30 = tpu.matmul %max3A_23, %get3A_29, %dot_general3A {dimension_numbers = #tpu.dot_dimension_numbers<[1], [0], [0], [1], [0, 0, 1, 1], [], []>, transpose_lhs_hint = false} : vector<5000x128xf32>, vector<128x128xf32>, vector<5000x128xf32> -> vector<5000x128xf32>
    %mul3A_31 = vector.broadcast %get3A_26 : vector<5000x1xf32> to vector<5000x128xf32>
    %mul3A_32 = arith.mulf %mul3A_31, %dot_general3A_30 : vector<5000x128xf32>
    %swap3A = arith.constant 0 : index
    %swap3A_33 = arith.constant 0 : index
    %swap3A_34 = vector.load %arg6[%swap3A, %swap3A_33] : memref<5000x128xf32, #tpu.memory_space<vmem>>, vector<5000x128xf32>
    tpu.vector_store %arg6[%swap3A, %swap3A_33], %mul3A_32 {strides = array<i32>} : memref<5000x128xf32, #tpu.memory_space<vmem>>, vector<5000x128xf32>,
    return
  }
  func.func @transform_0(%arg0: i32) -> (i32, i32, i32) {
    %c0_i32 = arith.constant 0 : i32
    %c0_i32_0 = arith.constant 0 : i32
    %c0_i32_1 = arith.constant 0 : i32
    return %c0_i32, %arg0, %c0_i32_0 : i32, i32, i32
  }
  func.func @transform_1(%arg0: i32) -> (i32, i32) {
    %c0_i32 = arith.constant 0 : i32
    %c0_i32_0 = arith.constant 0 : i32
    return %arg0, %c0_i32 : i32, i32
  }
  func.func @transform_2(%arg0: i32) -> (i32, i32) {
    %c0_i32 = arith.constant 0 : i32
    %c0_i32_0 = arith.constant 0 : i32
    return %arg0, %c0_i32 : i32, i32
  }
  func.func @transform_3(%arg0: i32) -> (i32, i32) {
    %c0_i32 = arith.constant 0 : i32
    %c0_i32_0 = arith.constant 0 : i32
    %c0_i32_1 = arith.constant 0 : i32
    return %c0_i32, %c0_i32_0 : i32, i32
  }
  func.func @transform_4(%arg0: i32) -> (i32, i32) {
    %c0_i32 = arith.constant 0 : i32
    %c0_i32_0 = arith.constant 0 : i32
    %c0_i32_1 = arith.constant 0 : i32
    return %c0_i32, %c0_i32_0 : i32, i32
  }
  func.func @transform_5(%arg0: i32) -> (i32, i32) {
    %c0_i32 = arith.constant 0 : i32
    %c0_i32_0 = arith.constant 0 : i32
    return %arg0, %c0_i32 : i32, i32
  }
}

module attributes {stable_mosaic.version = 14 : i64} {
  func.func @body(%arg0: i32, %arg1: memref<2x5000x128xf32, #tpu.memory_space<vmem>>, %arg2: memref<5000x128xf32, #tpu.memory_space<vmem>>, %arg3: memref<5000x1xf32, #tpu.memory_space<vmem>>, %arg4: memref<1x128xf32, #tpu.memory_space<vmem>>, %arg5: memref<1x1x5000xi32, #tpu.memory_space<vmem>>, %arg6: memref<128x10xf32, #tpu.memory_space<vmem>>, %arg7: memref<1x10xf32, #tpu.memory_space<vmem>>, %arg8: memref<64x10xf32, #tpu.memory_space<vmem>>, %arg9: memref<64x128xf32, #tpu.memory_space<vmem>>, %arg10: memref<64x128xf32, #tpu.memory_space<vmem>>) attributes {dimension_semantics = [#tpu.dimension_semantics<arbitrary>], iteration_bounds = array<i64: 2>, scalar_prefetch = 0 : i64, scratch_operands = 2 : i64, tpu.core_type = #tpu.core_type<tc>, window_params = [{transform_indices = @transform_0, window_bounds = array<i64: 2, 5000, 128>}, {transform_indices = @transform_1, window_bounds = array<i64: 5000, 128>}, {transform_indices = @transform_2, window_bounds = array<i64: 5000, 1>}, {pipeline_mode = #tpu.pipeline_mode<synchronous>, transform_indices = @transform_3, window_bounds = array<i64: 1, 128>}, {transform_indices = @transform_4, window_bounds = array<i64: 1, 1, 5000>}, {pipeline_mode = #tpu.pipeline_mode<synchronous>, transform_indices = @transform_5, window_bounds = array<i64: 128, 10>}, {pipeline_mode = #tpu.pipeline_mode<synchronous>, transform_indices = @transform_6, window_bounds = array<i64: 1, 10>}, {pipeline_mode = #tpu.pipeline_mode<synchronous>, transform_indices = @transform_7, window_bounds = array<i64: 64, 10>}]} {
    %eq3A = arith.constant 0 : i32
    %eq3A_0 = arith.cmpi eq, %arg0, %eq3A : i32
    %convert_element_type3A = arith.extui %eq3A_0 : i1 to i32
    %cond3A = arith.constant 0 : i32
    %cond3A_1 = arith.cmpi ne, %convert_element_type3A, %cond3A : i32
    scf.if %cond3A_1 {
      %broadcast_in_dim3A_57 = arith.constant 0.000000e+00 : f32
      %broadcast_in_dim3A_58 = vector.broadcast %broadcast_in_dim3A_57 : f32 to vector<64x128xf32>
      %swap3A_59 = arith.constant 0 : index
      %swap3A_60 = arith.constant 0 : index
      %swap3A_61 = vector.load %arg9[%swap3A_59, %swap3A_60] : memref<64x128xf32, #tpu.memory_space<vmem>>, vector<64x128xf32>
      tpu.vector_store %arg9[%swap3A_59, %swap3A_60], %broadcast_in_dim3A_58 {strides = array<i32>} : memref<64x128xf32, #tpu.memory_space<vmem>>, vector<64x128xf32>,
      %broadcast_in_dim3A_62 = arith.constant 0.000000e+00 : f32
      %broadcast_in_dim3A_63 = vector.broadcast %broadcast_in_dim3A_62 : f32 to vector<64x128xf32>
      %swap3A_64 = arith.constant 0 : index
      %swap3A_65 = arith.constant 0 : index
      %swap3A_66 = vector.load %arg10[%swap3A_64, %swap3A_65] : memref<64x128xf32, #tpu.memory_space<vmem>>, vector<64x128xf32>
      tpu.vector_store %arg10[%swap3A_64, %swap3A_65], %broadcast_in_dim3A_63 {strides = array<i32>} : memref<64x128xf32, #tpu.memory_space<vmem>>, vector<64x128xf32>,
    } else {
    }
    %get3A = arith.constant 0 : index
    %get3A_2 = arith.constant 0 : index
    %get3A_3 = arith.constant 0 : index
    %get3A_4 = vector.load %arg1[%get3A, %get3A_2, %get3A_3] : memref<2x5000x128xf32, #tpu.memory_space<vmem>>, vector<1x5000x128xf32>
    %get3A_5 = vector.shape_cast %get3A_4 : vector<1x5000x128xf32> to vector<5000x128xf32>
    %get3A_6 = arith.constant 1 : index
    %get3A_7 = arith.constant 0 : index
    %get3A_8 = arith.constant 0 : index
    %get3A_9 = vector.load %arg1[%get3A_6, %get3A_7, %get3A_8] : memref<2x5000x128xf32, #tpu.memory_space<vmem>>, vector<1x5000x128xf32>
    %get3A_10 = vector.shape_cast %get3A_9 : vector<1x5000x128xf32> to vector<5000x128xf32>
    %add3A = arith.addf %get3A_5, %get3A_10 : vector<5000x128xf32>
    %get3A_11 = arith.constant 0 : index
    %get3A_12 = arith.constant 0 : index
    %get3A_13 = vector.load %arg2[%get3A_11, %get3A_12] : memref<5000x128xf32, #tpu.memory_space<vmem>>, vector<5000x128xf32>
    %add3A_14 = arith.addf %add3A, %get3A_13 : vector<5000x128xf32>
    %get3A_15 = arith.constant 0 : index
    %get3A_16 = arith.constant 0 : index
    %get3A_17 = vector.load %arg3[%get3A_15, %get3A_16] : memref<5000x1xf32, #tpu.memory_space<vmem>>, vector<5000x1xf32>
    %mul3A = vector.broadcast %get3A_17 : vector<5000x1xf32> to vector<5000x128xf32>
    %mul3A_18 = arith.mulf %mul3A, %add3A_14 : vector<5000x128xf32>
    %get3A_19 = arith.constant 0 : index
    %get3A_20 = arith.constant 0 : index
    %get3A_21 = vector.load %arg4[%get3A_19, %get3A_20] : memref<1x128xf32, #tpu.memory_space<vmem>>, vector<1x128xf32>
    %add3A_22 = vector.broadcast %get3A_21 : vector<1x128xf32> to vector<5000x128xf32>
    %add3A_23 = arith.addf %mul3A_18, %add3A_22 : vector<5000x128xf32>
    %max3A = arith.constant 0.000000e+00 : f32
    %max3A_24 = vector.broadcast %max3A : f32 to vector<5000x128xf32>
    %max3A_25 = arith.maximumf %add3A_23, %max3A_24 : vector<5000x128xf32>
    %get3A_26 = arith.constant 0 : index
    %get3A_27 = arith.constant 0 : index
    %get3A_28 = arith.constant 0 : index
    %get3A_29 = vector.load %arg5[%get3A_26, %get3A_27, %get3A_28] : memref<1x1x5000xi32, #tpu.memory_space<vmem>>, vector<1x1x5000xi32>
    %get3A_30 = vector.shape_cast %get3A_29 : vector<1x1x5000xi32> to vector<1x5000xi32>
    %iota3A = tpu.iota {dimensions = array<i32: 0>} : vector<64x5000xi32>
    %eq3A_31 = vector.broadcast %get3A_30 : vector<1x5000xi32> to vector<64x5000xi32>
    %eq3A_32 = arith.cmpi eq, %eq3A_31, %iota3A : vector<64x5000xi32>
    %convert_element_type3A_33 = arith.extui %eq3A_32 : vector<64x5000xi1> to vector<64x5000xi32>
    %convert_element_type3A_34 = arith.sitofp %convert_element_type3A_33 : vector<64x5000xi32> to vector<64x5000xf32>
    %get3A_35 = arith.constant 0 : index
    %get3A_36 = arith.constant 0 : index
    %get3A_37 = vector.load %arg9[%get3A_35, %get3A_36] : memref<64x128xf32, #tpu.memory_space<vmem>>, vector<64x128xf32>
    %dot_general3A = arith.constant dense<0.000000e+00> : vector<64x128xf32>
    %dot_general3A_38 = tpu.matmul %convert_element_type3A_34, %max3A_25, %dot_general3A {dimension_numbers = #tpu.dot_dimension_numbers<[1], [0], [0], [1], [0, 0, 1, 1], [], []>, transpose_lhs_hint = false} : vector<64x5000xf32>, vector<5000x128xf32>, vector<64x128xf32> -> vector<64x128xf32>
    %add3A_39 = arith.addf %get3A_37, %dot_general3A_38 : vector<64x128xf32>
    %swap3A = arith.constant 0 : index
    %swap3A_40 = arith.constant 0 : index
    %swap3A_41 = vector.load %arg9[%swap3A, %swap3A_40] : memref<64x128xf32, #tpu.memory_space<vmem>>, vector<64x128xf32>
    tpu.vector_store %arg9[%swap3A, %swap3A_40], %add3A_39 {strides = array<i32>} : memref<64x128xf32, #tpu.memory_space<vmem>>, vector<64x128xf32>,
    %get3A_42 = arith.constant 0 : index
    %get3A_43 = arith.constant 0 : index
    %get3A_44 = vector.load %arg10[%get3A_42, %get3A_43] : memref<64x128xf32, #tpu.memory_space<vmem>>, vector<64x128xf32>
    %reduce_sum3A = arith.constant dense<0.000000e+00> : vector<64xf32>
    %reduce_sum3A_45 = vector.multi_reduction <add>, %convert_element_type3A_34, %reduce_sum3A [1] : vector<64x5000xf32> to vector<64xf32>
    %broadcast_in_dim3A = vector.shape_cast %reduce_sum3A_45 : vector<64xf32> to vector<64x1xf32>
    %broadcast_in_dim3A_46 = vector.shape_cast %broadcast_in_dim3A : vector<64x1xf32> to vector<64x1xf32>
    %broadcast_in_dim3A_47 = vector.broadcast %broadcast_in_dim3A_46 : vector<64x1xf32> to vector<64x128xf32>
    %add3A_48 = arith.addf %get3A_44, %broadcast_in_dim3A_47 : vector<64x128xf32>
    %swap3A_49 = arith.constant 0 : index
    %swap3A_50 = arith.constant 0 : index
    %swap3A_51 = vector.load %arg10[%swap3A_49, %swap3A_50] : memref<64x128xf32, #tpu.memory_space<vmem>>, vector<64x128xf32>
    tpu.vector_store %arg10[%swap3A_49, %swap3A_50], %add3A_48 {strides = array<i32>} : memref<64x128xf32, #tpu.memory_space<vmem>>, vector<64x128xf32>,
    %eq3A_52 = arith.constant 1 : i32
    %eq3A_53 = arith.cmpi eq, %arg0, %eq3A_52 : i32
    %convert_element_type3A_54 = arith.extui %eq3A_53 : i1 to i32
    %cond3A_55 = arith.constant 0 : i32
    %cond3A_56 = arith.cmpi ne, %convert_element_type3A_54, %cond3A_55 : i32
    scf.if %cond3A_56 {
      %get3A_57 = arith.constant 0 : index
      %get3A_58 = arith.constant 0 : index
      %get3A_59 = vector.load %arg9[%get3A_57, %get3A_58] : memref<64x128xf32, #tpu.memory_space<vmem>>, vector<64x128xf32>
      %get3A_60 = arith.constant 0 : index
      %get3A_61 = arith.constant 0 : index
      %get3A_62 = vector.load %arg10[%get3A_60, %get3A_61] : memref<64x128xf32, #tpu.memory_space<vmem>>, vector<64x128xf32>
      %max3A_63 = arith.constant 1.000000e+00 : f32
      %max3A_64 = vector.broadcast %max3A_63 : f32 to vector<64x128xf32>
      %max3A_65 = arith.maximumf %get3A_62, %max3A_64 : vector<64x128xf32>
      %div3A = arith.divf %get3A_59, %max3A_65 : vector<64x128xf32>
      %get3A_66 = arith.constant 0 : index
      %get3A_67 = arith.constant 0 : index
      %get3A_68 = vector.load %arg6[%get3A_66, %get3A_67] : memref<128x10xf32, #tpu.memory_space<vmem>>, vector<128x10xf32>
      %dot_general3A_69 = arith.constant dense<0.000000e+00> : vector<64x10xf32>
      %dot_general3A_70 = tpu.matmul %div3A, %get3A_68, %dot_general3A_69 {dimension_numbers = #tpu.dot_dimension_numbers<[1], [0], [0], [1], [0, 0, 1, 1], [], []>, transpose_lhs_hint = false} : vector<64x128xf32>, vector<128x10xf32>, vector<64x10xf32> -> vector<64x10xf32>
      %get3A_71 = arith.constant 0 : index
      %get3A_72 = arith.constant 0 : index
      %get3A_73 = vector.load %arg7[%get3A_71, %get3A_72] : memref<1x10xf32, #tpu.memory_space<vmem>>, vector<1x10xf32>
      %add3A_74 = vector.broadcast %get3A_73 : vector<1x10xf32> to vector<64x10xf32>
      %add3A_75 = arith.addf %dot_general3A_70, %add3A_74 : vector<64x10xf32>
      %swap3A_76 = arith.constant 0 : index
      %swap3A_77 = arith.constant 0 : index
      %swap3A_78 = vector.load %arg8[%swap3A_76, %swap3A_77] : memref<64x10xf32, #tpu.memory_space<vmem>>, vector<64x10xf32>
      tpu.vector_store %arg8[%swap3A_76, %swap3A_77], %add3A_75 {strides = array<i32>} : memref<64x10xf32, #tpu.memory_space<vmem>>, vector<64x10xf32>,
    } else {
    }
    return
  }
  func.func @transform_0(%arg0: i32) -> (i32, i32, i32) {
    %c0_i32 = arith.constant 0 : i32
    %c0_i32_0 = arith.constant 0 : i32
    %c0_i32_1 = arith.constant 0 : i32
    return %c0_i32, %arg0, %c0_i32_0 : i32, i32, i32
  }
  func.func @transform_1(%arg0: i32) -> (i32, i32) {
    %c0_i32 = arith.constant 0 : i32
    %c0_i32_0 = arith.constant 0 : i32
    return %arg0, %c0_i32 : i32, i32
  }
  func.func @transform_2(%arg0: i32) -> (i32, i32) {
    %c0_i32 = arith.constant 0 : i32
    %c0_i32_0 = arith.constant 0 : i32
    return %arg0, %c0_i32 : i32, i32
  }
  func.func @transform_3(%arg0: i32) -> (i32, i32) {
    %c0_i32 = arith.constant 0 : i32
    %c0_i32_0 = arith.constant 0 : i32
    %c0_i32_1 = arith.constant 0 : i32
    return %c0_i32, %c0_i32_0 : i32, i32
  }
  func.func @transform_4(%arg0: i32) -> (i32, i32, i32) {
    %c0_i32 = arith.constant 0 : i32
    %c0_i32_0 = arith.constant 0 : i32
    %c0_i32_1 = arith.constant 0 : i32
    return %arg0, %c0_i32, %c0_i32_0 : i32, i32, i32
  }
  func.func @transform_5(%arg0: i32) -> (i32, i32) {
    %c0_i32 = arith.constant 0 : i32
    %c0_i32_0 = arith.constant 0 : i32
    %c0_i32_1 = arith.constant 0 : i32
    return %c0_i32, %c0_i32_0 : i32, i32
  }
  func.func @transform_6(%arg0: i32) -> (i32, i32) {
    %c0_i32 = arith.constant 0 : i32
    %c0_i32_0 = arith.constant 0 : i32
    %c0_i32_1 = arith.constant 0 : i32
    return %c0_i32, %c0_i32_0 : i32, i32
  }
  func.func @transform_7(%arg0: i32) -> (i32, i32) {
    %c0_i32 = arith.constant 0 : i32
    %c0_i32_0 = arith.constant 0 : i32
    %c0_i32_1 = arith.constant 0 : i32
    return %c0_i32, %c0_i32_0 : i32, i32
  }
}

</mosaic_0001>

<sc_bundles>
// kernel: kernel.12.cloned.1.call-start
scs
__scs_entry_jumppad:
0x0: {  	(pc) =	sbr.rel $0x88, $3  }
0x1: {  	(tag) =	ssettag $0x0;
	lr =	simm.s32 $0x1  }
0x2: {  	[smem:$0x3F98] =	sst lr;
	_ =	strace $0xD0000000  }
0x3: {  	_ = 	snop  }
0x4: {  	_ = 	snop  }
0x5: {  	_ = 	snop  }
0x6: {  	_ = 	snop  }
0x7: {  	_ = 	snop  }
__scs_overlays_trampoline_lowered:
0x8: {  	[smem:$0x3FA7] =	sst s0  }
0x9: {  	[smem:$0x3FA8] =	sst s1  }
0xa: {  	[smem:$0x3FA9] =	sst s2  }
0xb: {  	[smem:$0x3FAA] =	sst s3  }
0xc: {  	[smem:$0x3FAB] =	sst s4  }
0xd: {  	[smem:$0x3FAC] =	sst s5  }
0xe: {  	[smem:$0x3FAD] =	sst s6  }
0xf: {  	[smem:$0x3FAE] =	sst s7  }
0x10: {  	[smem:$0x3FAF] =	sst s8  }
0x11: {  	[smem:$0x3FB0] =	sst s9;
	s0 =	simm.s32 @!p0 $0x0  }
0x12: {  	s1 =	sld [smem:$0x3F96];
	s0 =	simm.s32 @p0 $0x1  }
0x13: {  	[smem:$0x3FB1] =	sst s0;
	s0 =	simm.s32 @!p1 $0x0  }
0x14: {  	s2 =	sld [smem:$0x3F95];
	s0 =	simm.s32 @p1 $0x1  }
0x15: {  	[smem:$0x3FB2] =	sst s0;
	s0 =	simm.s32 @!p2 $0x0  }
0x16: {  	s3 =	sld [smem:$0x3FDB];
	s0 =	simm.s32 @p2 $0x1  }
0x17: {  	s4 =	simm.s32 $0x1BF5;
	[smem:$0x3FB4] =	sst s0  }
0x18: {  	s0 =	sld [smem:$0x3F97];
	_ =	swait.ge [sflag:s4], $0x0  }
0x19: {  	s7 =	sld [smem:$0x3F98]  }
0x1a: {  	s8 =	sadd.s32 $0xFFFFE003, lr  }
0x1b: {  	s9 =	sadd.s32 $0xFFFFFEF7, lr;
	s5 =	simm.s32 $0xFFFFFFFF;
	p2 =	slt.u32 s8, $0xFFFFF086  }
0x1c: {  	p1 =	slt.u32 s9, $0xF7A;
	s5 =	simm.s32 @!p2 $0x0  }
0x1d: {  	s5 =	simm.s32 @p1 $0x1;
	p0 =	seq.s32 s7, s2  }
0x1e: {  	s7 =	smul.u32 @!p0 $0xF7A, s2;
	p2 =	seq.s32 @!p0 s5, $0x0  }
0x1f: {  	s9 =	smul.u32 $0xF7A, s1;
	s8 =	simm.s32 @!p0 $0x1BF5;
	p2 =	por !p2, p0  }
0x20: {  	[sflag:s8] =	ssyncset.s32 @!p0 $0xFFFFF086;
	s6 =	sadd.s32 @!p0 s3, s7;
	s7 =	simm.s32 @!p0 $0x108  }
0x21: {  	s3 =	sadd.s32 s3, s9;
	s6 =	sadd.s32 @!p0 $0x88, s6;
	s7 =	simm.s32 @p2 $0x1082  }
0x22: {  	[simem:s7], [sflag:s8] =	dma.local @!p0 [hbm:s6], $0xF7A  }
0x23: {  	s9 =	sor.u32 $0xD0000000, s2;
	s6 =	simm.s32 $0x108;
	_ =	swait.ge @!p0 [sflag:s8], $0x0  }
0x24: {  	s3 =	sadd.s32 $0x88, s3;
	s6 =	simm.s32 @!p1 $0x1082;
	[sflag:s4] =	ssyncset.s32 $0xFFFFF086  }
0x25: {  	[simem:s6], [sflag:s4] =	dma.local [hbm:s3], $0xF7A  }
0x26: {  	[smem:$0x3F98] =	sst s1;
	(tag) =	ssettag s2;
	_ =	strace s9  }
0x27: {  	s1 =	sld [smem:$0x3FA8]  }
0x28: {  	s2 =	sld [smem:$0x3FA9]  }
0x29: {  	s4 =	sld [smem:$0x3FAB]  }
0x2a: {  	p0 =	seq.s32 s5, $0x0;
	s5 =	sld [smem:$0x3FAC]  }
0x2b: {  	s6 =	sld [smem:$0x3FAD]  }
0x2c: {  	s7 =	sld [smem:$0x3FAE]  }
0x2d: {  	s3 =	simm.s32 $0x108;
	s8 =	sld [smem:$0x3FAF]  }
0x2e: {  	s3 =	simm.s32 @!p0 $0x1082;
	s9 =	sld [smem:$0x3FB0]  }
0x2f: {  	lr =	sadd.s32 s0, s3;
	s0 =	sld [smem:$0x3FA7]  }
0x30: {  	s3 =	sld [smem:$0x3FAA]  }
0x31: {  	[smem:$0x3FB3] =	sst s10  }
0x32: {  	s10 =	sld [smem:$0x3FB1];
	_ =	sdelay $0x3  }
0x33: {  	p0 =	seq.s32 s10, $0x1;
	s10 =	sld [smem:$0x3FB3];
	_ =	sdelay $0x3  }
0x34: {  	[smem:$0x3FB3] =	sst s10  }
0x35: {  	s10 =	sld [smem:$0x3FB2];
	_ =	sdelay $0x3  }
0x36: {  	p1 =	seq.s32 s10, $0x1;
	s10 =	sld [smem:$0x3FB3];
	_ =	sdelay $0x3  }
0x37: {  	[smem:$0x3FB3] =	sst s10  }
0x38: {  	s10 =	sld [smem:$0x3FB4]  }
0x39: {  	_ = 	snop;
	(pc) =	sbr.ind lr, $3  }
0x3a: {  	_ = 	snop  }
0x3b: {  	_ = 	snop  }
0x3c: {  	p2 =	seq.s32 s10, $0x1;
	s10 =	sld [smem:$0x3FB3]  }
0x3d: {  	_ =	shalt  }
0x3e: {  	_ =	shalt  }
0x3f: {  	_ =	shalt  }
0x40: {  	_ =	shalt  }
0x41: {  	_ =	shalt  }
0x42: {  	_ =	shalt  }
0x43: {  	_ =	shalt  }
0x44: {  	_ =	shalt  }
0x45: {  	_ =	shalt  }
0x46: {  	_ =	shalt  }
0x47: {  	_ =	shalt  }
0x48: {  	_ =	shalt  }
0x49: {  	_ =	shalt  }
0x4a: {  	_ =	shalt  }
0x4b: {  	_ =	shalt  }
0x4c: {  	_ =	shalt  }
0x4d: {  	_ =	shalt  }
0x4e: {  	_ =	shalt  }
0x4f: {  	_ =	shalt  }
0x50: {  	_ =	shalt  }
0x51: {  	_ =	shalt  }
0x52: {  	_ =	shalt  }
0x53: {  	_ =	shalt  }
0x54: {  	_ =	shalt  }
0x55: {  	_ =	shalt  }
0x56: {  	_ =	shalt  }
0x57: {  	_ =	shalt  }
0x58: {  	_ =	shalt  }
0x59: {  	_ =	shalt  }
0x5a: {  	_ =	shalt  }
0x5b: {  	_ =	shalt  }
0x5c: {  	_ =	shalt  }
0x5d: {  	_ =	shalt  }
0x5e: {  	_ =	shalt  }
0x5f: {  	_ =	shalt  }
0x60: {  	_ =	shalt  }
0x61: {  	_ =	shalt  }
0x62: {  	_ =	shalt  }
0x63: {  	_ =	shalt  }
0x64: {  	_ =	shalt  }
0x65: {  	_ =	shalt  }
0x66: {  	_ =	shalt  }
0x67: {  	_ =	shalt  }
0x68: {  	_ =	shalt  }
0x69: {  	_ =	shalt  }
0x6a: {  	_ =	shalt  }
0x6b: {  	_ =	shalt  }
0x6c: {  	_ =	shalt  }
0x6d: {  	_ =	shalt  }
0x6e: {  	_ =	shalt  }
0x6f: {  	_ =	shalt  }
0x70: {  	_ =	shalt  }
0x71: {  	_ =	shalt  }
0x72: {  	_ =	shalt  }
0x73: {  	_ =	shalt  }
0x74: {  	_ =	shalt  }
0x75: {  	_ =	shalt  }
0x76: {  	_ =	shalt  }
0x77: {  	_ =	shalt  }
0x78: {  	_ =	shalt  }
0x79: {  	_ =	shalt  }
0x7a: {  	_ =	shalt  }
0x7b: {  	_ =	shalt  }
0x7c: {  	_ =	shalt  }
0x7d: {  	_ =	shalt  }
0x7e: {  	_ =	shalt  }
0x7f: {  	_ =	shalt  }
0x80: {  	_ =	shalt  }
0x81: {  	_ =	shalt  }
0x82: {  	_ =	shalt  }
0x83: {  	_ =	shalt  }
0x84: {  	_ =	shalt  }
0x85: {  	_ =	shalt  }
0x86: {  	_ =	shalt  }
0x87: {  	_ =	shalt  }
.Lfunc_end0:
.L_simem_size_0:
called_computation.1_lowered:
.L_overlay_start_0:
0x88: {  	s2 =	sld [smem:$0x3FD9]  }
0x89: {  	s3 =	sld [smem:$0x3FFE];
	_ =	sdelay $0x1  }
0x8a: {  	s1 =	srdreg.scid  }
0x8b: {  	s0 =	sand.u32 $0x1, s1  }
0x8c: {  	s16 =	sshll.u32 s0, $0xA;
	s2 =	sadd.s32 s3, s2  }
0x8d: {  	s2 =	sadd.s32 s2, s16  }
0x8e: {  	[smem:$0x3FBF] =	sst s2  }
0x8f: {  	_ = 	snop  }
0x90: {  	(tm) =	ssettm $0x1  }
0x91: {  	s17 =	sld [smem:$0x3FFB];
	_ =	sdelay $0x3  }
0x92: {  	_ =	strace s17  }
0x93: {  	s2 =	sld [smem:$0x3FFC];
	_ =	sdelay $0x3  }
0x94: {  	_ =	strace s2  }
0x95: {  	s2 =	sld [smem:$0x3FFD];
	_ =	sdelay $0x3  }
0x96: {  	_ =	strace s2  }
0x97: {  	_ =	strace $0x8FFFFFFF  }
0x98: {  	s18 =	sld [smem:$0x3FDB];
	_ =	sdelay $0x1  }
0x99: {  	s19 =	simm.s32 $_scs_section_size  }
0x9a: {  	s4 =	simm.s32 $_size__tile_overlayer_lowered;
	s5 =	simm.s32 $_tile_overlayer_lowered  }
0x9b: {  	s22 =	simm.s32 $0x1BFF;
	s21 =	sshll.u32 s5, $0x1;
	s2 =	sadd.s32 s19, s18  }
0x9c: {  	s6 =	simm.s32 $0x0;
	s20 =	sshll.u32 s4, $0x1;
	s4 =	sadd.s32 s21, s2  }
0x9d: {  	[timem:s6], [sflag:s22] =	dma.local [hbm:s4], s20  }
0x9e: {  	_ =	swait.ge [sflag:s22], s20  }
0x9f: {  	s3 =	ssub.s32 $0x0, s20;
	[sflag:s22] =	ssyncset.done $0x0  }
0xa0: {  	[sflag:s22] =	ssyncadd.s32 s3;
	_ =	sdelay $0x1  }
0xa1: {  	s23 =	simm.s32 $0x1B8B  }
0xa2: {  	_ =	swait.ge [sflag:s23], $0x1  }
0xa3: {  	[sflag:s23] =	ssyncset.done $0x0  }
0xa4: {  	s25 =	simm.s32 $0x1B8E;
	s24 =	sld [smem:$0x3FFE];
	[sflag:s23] =	ssyncadd.s32 $0xFFFFFFFF  }
0xa5: {  	s26 =	simm.s32 $execute0_lowered;
	[smem:$0x3FD2] =	sst s25  }
0xa6: {  	s4 =	sshll.u32 s26, $0x1;
	_ =	strace $0x80000049;
	[dreg:$0x1] =	wrdreg $0xFFFFFFFF  }
0xa7: {  	s28 =	simm.s32 $_size_execute0_lowered;
	s2 =	sadd.s32 s2, s4;
	[dreg:$0x0] =	wrdreg $0x0  }
0xa8: {  	s4 =	sshll.u32 s28, $0x1;
	[dreg:$0x2] =	wrdreg s2  }
0xa9: {  	[dreg:$0x3] =	wrdreg s4  }
0xaa: {  	[dreg:$0x4] =	wrdreg $0xC0  }
0xab: {  	_ =	task [dreg:s6], $0x5FFFF  }
0xac: {  	[dreg:$0x1] =	wrdreg $0xFFFFFFFF  }
0xad: {  	[dreg:$0x0] =	wrdreg $0x60  }
0xae: {  	[dreg:$0x2] =	wrdreg s24  }
0xaf: {  	[dreg:$0x3] =	wrdreg $0xA9000  }
0xb0: {  	[dreg:$0x4] =	wrdreg $0x9  }
0xb1: {  	_ =	task.clear_ibuf [dreg:s6], $0x5FFFF;
	_ =	strace $0x90000049  }
0xb2: {  	s29 =	simm.s32 $0x9;
	_ =	strace $0x8000004B  }
0xb3: {  	_ =	swait.ge [sflag:s29], $0x1  }
0xb4: {  	[sflag:s29] =	ssyncadd.s32 $0xFFFFFFFF  }
0xb5: {  	_ =	strace $0x9000004B  }
0xb6: {  	_ =	sfence  }
0xb7: {  	s30 =	sld [smem:$0x0];
	_ =	sdelay $0x2  }
0xb8: {  	s31 =	sshll.u32 s1, $0xD;
	s1 =	sshrl.u32 s1, $0x2  }
0xb9: {  	s3 =	sand.u32 $0x4000, s31;
	s1 =	sadd.s32 s1, s30  }
0xba: {  	s0 =	sor.u32 s3, s0;
	s1 =	sshll.u32 s1, $0x11  }
0xbb: {  	s0 =	sor.u32 s1, s0  }
0xbc: {  	s0 =	sadd.s32 $0x8F2B, s0  }
0xbd: {  	[sflag:s0] =	ssyncadd.remote.s32 $0x1  }
0xbe: {  	_ =	sfence.sel $0xFFFF  }
0xbf: {  	[dreg:$0x0] =	wrdreg $0xFFFFFFFF;
	(pc) =	sbr.abs _section_cstart, $3  }
0xc0: {  	[dreg:$0x1] =	wrdreg $0xFFFFFFFF  }
0xc1: {  	_ =	task.clear_ibuf [dreg:s6], $0x2FFFF;
	_ =	strace $0x9FFFFFFF  }
0xc2: {  	(tm) =	ssettm $0x7FFFFFFF  }
0xc3: {  	_ =	shalt  }
tec
execute0_lowered:
.L_overlay_start_1:
0x0: {  	(tag) =	ssettag $0x1  }
0x1: {  	s0 =	srdreg.scid  }
0x2: {  	s11 =	stileid.u32;
	s7 =	rddreg [dreg:$0x0];
	s28 =	simm.s32 $0x6900  }
0x3: {  	s29 =	simm.s32 $0x1;
	s30 =	simm.s32 $0x5;
	s31 =	simm.s32 $0x2  }
0x4: {  	s0 =	sand.u32 $0x1, s0;
	s3 =	sshll.u32 s11, $0x7;
	s10 =	smul.u32 $0x4F000, s11  }
0x5: {  	s14 =	smul.u32 $0x13C00, s11;
	s1 =	sshll.u32 s0, $0x4;
	s5 =	sand.u32 $0x380, s3  }
0x6: {  	s3 =	simm.s32 $0x0;
	s9 =	ssub.s32 $0x2, s0;
	s0 =	smul.u32 $0x13C000, s0  }
0x7: {  	s1 =	sor.u32 s11, s1;
	[smem:$0x7FF] =	sst s3;
	s19 =	sshrl.u32 s9, $0x1  }
0x8: {  	s21 =	sshrl.u32 s10, $0x2;
	s22 =	sadd.s32 $0x4000, s14;
	s23 =	sadd.s32 $0x8000, s14  }
0x9: {  	s15 =	sadd.s32 $0xC000, s14;
	s17 =	sadd.s32 $0x10000, s14;
	s2 =	sshrl.u32 s1, $0x3  }
0xa: {  	s6 =	smul.u32 $0x2800, s1;
	s1 =	sadd.s32 $0x47E00, s7;
	s16 =	sadd.s32 s14, s0  }
0xb: {  	s24 =	sadd.s32 s0, s23;
	s25 =	sadd.s32 s0, s15;
	s4 =	smul.u32 $0x14000, s2  }
0xc: {  	s2 =	rddreg [dreg:$0x1];
	_ =	strace $0x8000004A;
	s16 =	sshrl.u32 s16, $0x3  }
0xd: {  	s26 =	sshrl.u32 s25, $0x3;
	s25 =	simm.s32 $0x2800;
	s20 =	sshrl.u32 s6, $0x3  }
0xe: {  	s10 =	sadd.s32 s21, s2;
	s11 =	sadd.s32 s22, s2;
	s12 =	sadd.s32 s23, s2  }
0xf: {  	s13 =	sadd.s32 s15, s2;
	s14 =	sadd.s32 s17, s2;
	s16 =	sadd.s32 s1, s16  }
0x10: {  	s18 =	sadd.s32 s1, s26;
	s21 =	simm.s32 $0x80;
	s4 =	sor.u32 s5, s4  }
0x11: {  	s23 =	simm.s32 $0x7;
	s26 =	simm.s32 $0x2880;
	s5 =	sshrl.u32 s4, $0x3  }
0x12: {  	[dreg:$0x6] =	wrdreg s16;
	s4 =	sadd.s32 $0x20C00, s7;
	s8 =	sadd.s32 s5, s7  }
0x13: {  	s5 =	sadd.s32 $0x2E00, s7;
	s7 =	ssub.s32 s9, s19;
	s8 =	sadd.s32 $0x16C00, s8  }
0x14: {  	s9 =	sadd.s32 s5, s20;
	s20 =	smax.u32 s7, $0x1;
	[dreg:$0x3] =	wrdreg s8  }
0x15: {  	s7 =	simm.s32 $0x0;
	[dreg:$0x4] =	wrdreg s9;
	s8 =	sadd.s32 s0, s22  }
0x16: {  	s9 =	sadd.s32 $0x10, s9;
	s0 =	sadd.s32 s0, s17;
	s8 =	sshrl.u32 s8, $0x3  }
0x17: {  	s22 =	simm.s32 $0x3;
	[dreg:$0x5] =	wrdreg s9;
	s8 =	sadd.s32 s1, s8  }
0x18: {  	s0 =	sshrl.u32 s0, $0x3;
	[dreg:$0x7] =	wrdreg s8;
	s8 =	sshrl.u32 s24, $0x3  }
0x19: {  	s19 =	sadd.s32 s1, s0;
	s0 =	simm.s32 $0x4;
	s8 =	sadd.s32 s1, s8  }
0x1a: {  	v0 =	vimm.f32 $0.0e+00;
	s24 =	simm.s32 $0x2900;
	s1 =	simm.s32 $0x6;
	[dreg:$0x8] =	wrdreg s8  }
.LBB2_1:
0x1b: {  	s8 =	rddreg [dreg:$0x3];
	s9 =	simm.s32 $0x400  }
0x1c: {  	[tilespmem:s3], [sflag:$0x7] =	stream.strided.gather [hbm4b:s8+s21], $0x2800, s9, s21, $0x38;
	[tilespmem:$0x1E500] =	vst v63  }
0x1d: {  	_ =	swait.ge [sflag:s23], $0x2800  }
0x1e: {  	[sflag:s23] =	ssyncset.done $0x0  }
0x1f: {  	[sflag:s23] =	ssyncadd.s32 $0xFFFFD800  }
0x20: {  	[tilespmem:s24], [sflag:$0x1] =	stream.indirect.gather [hbm4b:s4+s21], $0x80, s3, s21, $0xb8;
	[tilespmem:$0x1E500] =	vst v63  }
0x21: {  	s9 =	rddreg [dreg:$0x4]  }
0x22: {  	[tilespmem:s25], [sflag:$0x5] =	stream.linear.gather [hbm4b:s9+s3], $0x80, $0x38;
	[tilespmem:$0x1E500] =	vst v63  }
0x23: {  	s16 =	sand.u32 $0xFE00, s3;
	s15 =	rddreg [dreg:$0x5]  }
0x24: {  	[tilespmem:s26], [sflag:$0x6] =	stream.linear.gather [hbm4b:s15+s3], $0x80, $0x38;
	[tilespmem:$0x1E500] =	vst v63  }
0x25: {  	s17 =	sand.u32 $0x70, s3;
	s15 =	sshrl.u32 s16, $0x2  }
0x26: {  	s8 =	simm.s32 $0x40;
	s9 =	simm.s32 $0x0;
	s15 =	sor.u32 s17, s15  }
.LBB2_2:
0x27: {  	p0 =	sne.s32 s8, $0xFFC0  }
0x28: {  	[tilespmem:s15+$0x6900] =	vst v0;
	s9 =	sadd.s32 $0x10, s9;
	s15 =	smov.u32 s8;
	s8 =	sadd.s32 $0x40, s8  }
.Ltmp0:
0x29: {  	(pc) =	sbr.rel @p0 .LBB2_2-.Ltmp0, $4  }
0x2a: {  	_ = 	snop  }
0x2b: {  	s15 =	sand.u32 $0xFE00, s15  }
0x2c: {  	s16 =	sand.u32 $0x70, s9;
	s15 =	sshrl.u32 s15, $0x2  }
0x2d: {  	s15 =	sor.u32 s16, s15  }
0x2e: {  	[tilespmem:s15+$0x6900] =	vst v0  }
0x2f: {  	[spmem:s10] =	stream.linear.scatter [tilespmem:s28], [sflag:$0x7], $0x4000, $0x38;
	[tilespmem:$0x1E500] =	vst v63  }
0x30: {  	_ =	swait.ge [sflag:s23], $0x4000  }
0x31: {  	[sflag:s23] =	ssyncset.done $0x0  }
0x32: {  	[sflag:s23] =	ssyncadd.s32 $0xFFFFC000  }
0x33: {  	[spmem:s11] =	stream.linear.scatter [tilespmem:s28], [sflag:$0x7], $0x4000, $0x38;
	[tilespmem:$0x1E500] =	vst v63  }
0x34: {  	_ =	swait.ge [sflag:s23], $0x4000  }
0x35: {  	[sflag:s23] =	ssyncset.done $0x0  }
0x36: {  	[sflag:s23] =	ssyncadd.s32 $0xFFFFC000  }
0x37: {  	[spmem:s12] =	stream.linear.scatter [tilespmem:s28], [sflag:$0x7], $0x4000, $0x38;
	[tilespmem:$0x1E500] =	vst v63  }
0x38: {  	_ =	swait.ge [sflag:s23], $0x4000  }
0x39: {  	[sflag:s23] =	ssyncset.done $0x0  }
0x3a: {  	[sflag:s23] =	ssyncadd.s32 $0xFFFFC000  }
0x3b: {  	[spmem:s13] =	stream.linear.scatter [tilespmem:s28], [sflag:$0x7], $0x4000, $0x38;
	[tilespmem:$0x1E500] =	vst v63  }
0x3c: {  	_ =	swait.ge [sflag:s23], $0x4000  }
0x3d: {  	[sflag:s23] =	ssyncset.done $0x0  }
0x3e: {  	[sflag:s23] =	ssyncadd.s32 $0xFFFFC000  }
0x3f: {  	[spmem:s14] =	stream.linear.scatter [tilespmem:s28], [sflag:$0x7], $0x3C00, $0x38;
	[tilespmem:$0x1E500] =	vst v63  }
0x40: {  	_ =	swait.ge [sflag:s23], $0x3C00  }
0x41: {  	[sflag:s23] =	ssyncset.done $0x0  }
0x42: {  	[sflag:s23] =	ssyncadd.s32 $0xFFFFC400  }
0x43: {  	s8 =	simm.s32 $0x80;
	[bflag:$0x0] =	sbarrier.arrive $0xFFFF  }
0x44: {  	[tilespmem:s28], [sflag:$0x2] =	stream.indirect.gather [hbm4b:s4+s21], $0x80, s8, s21, $0xb8;
	[tilespmem:$0x1E500] =	vst v63  }
0x45: {  	_ =	swait.ge [sflag:s29], $0x4000  }
0x46: {  	[sflag:s29] =	ssyncset.done $0x0  }
0x47: {  	[sflag:s29] =	ssyncadd.s32 $0xFFFFC000  }
0x48: {  	s15 =	simm.s32 $0x100;
	_ =	swait.ge [sflag:s30], $0x80  }
0x49: {  	s9 =	sand.u32 $0x7C00, s15;
	[sflag:s30] =	ssyncset.done $0x0  }
0x4a: {  	s9 =	sadd.s32 s6, s9;
	s8 =	sand.u32 $0x300, s15;
	[sflag:s30] =	ssyncadd.s32 $0xFFFFFF80  }
0x4b: {  	[spmem:s2] =	stream.indirect.scatter.add.f32 [tilespmem:s24], [sflag:$0x7], $0x80, s25, s21, $0xb8;
	[tilespmem:$0x1E500] =	vst v63  }
0x4c: {  	s8 =	sor.u32 s8, s9;
	_ =	swait.ge [sflag:s23], $0x4000  }
0x4d: {  	s8 =	sshrl.u32 s8, $0x3;
	[sflag:s23] =	ssyncset.done $0x0  }
0x4e: {  	s8 =	sadd.s32 s5, s8;
	[sflag:s23] =	ssyncadd.s32 $0xFFFFC000  }
0x4f: {  	[tilespmem:s25], [sflag:$0x5] =	stream.linear.gather [hbm4b:s8+s3], $0x80, $0x38;
	[tilespmem:$0x1E500] =	vst v63  }
0x50: {  	s9 =	simm.s32 $0x100  }
0x51: {  	[tilespmem:s24], [sflag:$0x1] =	stream.indirect.gather [hbm4b:s4+s21], $0x80, s9, s21, $0xb8;
	[tilespmem:$0x1E500] =	vst v63  }
0x52: {  	_ =	swait.ge [sflag:s31], $0x4000  }
0x53: {  	[sflag:s31] =	ssyncset.done $0x0  }
0x54: {  	[sflag:s31] =	ssyncadd.s32 $0xFFFFC000  }
0x55: {  	s16 =	simm.s32 $0x180;
	_ =	swait.ge [sflag:s1], $0x80  }
0x56: {  	s17 =	sand.u32 $0x7C00, s16;
	[sflag:s1] =	ssyncset.done $0x0  }
0x57: {  	s15 =	sadd.s32 s6, s17;
	s8 =	sand.u32 $0x380, s16;
	[sflag:s1] =	ssyncadd.s32 $0xFFFFFF80  }
0x58: {  	[spmem:s2] =	stream.indirect.scatter.add.f32 [tilespmem:s28], [sflag:$0x7], $0x80, s26, s21, $0xb8;
	[tilespmem:$0x1E500] =	vst v63  }
0x59: {  	s15 =	sor.u32 s8, s15;
	_ =	swait.ge [sflag:s23], $0x4000  }
0x5a: {  	s8 =	simm.s32 $0x280;
	s15 =	sshrl.u32 s15, $0x3;
	[sflag:s23] =	ssyncset.done $0x0  }
.LBB2_4:
0x5b: {  	[sflag:s23] =	ssyncadd.s32 $0xFFFFC000  }
0x5c: {  	s15 =	sadd.s32 s5, s15;
	s9 =	sadd.s32 $0x100, s9;
	s16 =	smov.u32 s8  }
0x5d: {  	[tilespmem:s26], [sflag:$0x6] =	stream.linear.gather [hbm4b:s15+s3], $0x80, $0x38;
	[tilespmem:$0x1E500] =	vst v63  }
0x5e: {  	p0 =	sne.s32 s8, $0x2780;
	s8 =	sadd.s32 $0x100, s8;
	s15 =	sadd.s32 $0xFFFFFF80, s9  }
0x5f: {  	[tilespmem:s28], [sflag:$0x2] =	stream.indirect.gather [hbm4b:s4+s21], $0x80, s15, s21, $0xb8;
	[tilespmem:$0x1E500] =	vst v63  }
0x60: {  	_ =	swait.ge [sflag:s29], $0x4000  }
0x61: {  	[sflag:s29] =	ssyncset.done $0x0  }
0x62: {  	[sflag:s29] =	ssyncadd.s32 $0xFFFFC000  }
0x63: {  	s15 =	sadd.s32 $0xFFFFFF80, s16;
	_ =	swait.ge [sflag:s30], $0x80  }
0x64: {  	s17 =	sand.u32 $0x7C00, s15;
	s15 =	sand.u32 $0x300, s15;
	[sflag:s30] =	ssyncset.done $0x0  }
0x65: {  	s17 =	sadd.s32 s6, s17;
	[sflag:s30] =	ssyncadd.s32 $0xFFFFFF80  }
0x66: {  	[spmem:s2] =	stream.indirect.scatter.add.f32 [tilespmem:s24], [sflag:$0x7], $0x80, s25, s21, $0xb8;
	[tilespmem:$0x1E500] =	vst v63  }
0x67: {  	s15 =	sor.u32 s15, s17;
	_ =	swait.ge [sflag:s23], $0x4000  }
0x68: {  	s15 =	sshrl.u32 s15, $0x3;
	[sflag:s23] =	ssyncset.done $0x0  }
0x69: {  	s15 =	sadd.s32 s5, s15;
	[sflag:s23] =	ssyncadd.s32 $0xFFFFC000  }
0x6a: {  	[tilespmem:s25], [sflag:$0x5] =	stream.linear.gather [hbm4b:s15+s3], $0x80, $0x38;
	[tilespmem:$0x1E500] =	vst v63  }
0x6b: {  	_ = 	snop  }
0x6c: {  	[tilespmem:s24], [sflag:$0x1] =	stream.indirect.gather [hbm4b:s4+s21], $0x80, s9, s21, $0xb8;
	[tilespmem:$0x1E500] =	vst v63  }
0x6d: {  	_ =	swait.ge [sflag:s31], $0x4000  }
0x6e: {  	[sflag:s31] =	ssyncset.done $0x0  }
0x6f: {  	[sflag:s31] =	ssyncadd.s32 $0xFFFFC000  }
0x70: {  	_ =	swait.ge [sflag:s1], $0x80  }
.Ltmp1:
0x71: {  	s15 =	sand.u32 $0x7C00, s16;
	[sflag:s1] =	ssyncset.done $0x0;
	(pc) =	sbr.rel @p0 .LBB2_4-.Ltmp1, $4  }
0x72: {  	s16 =	sand.u32 $0x380, s16;
	s15 =	sadd.s32 s6, s15;
	[sflag:s1] =	ssyncadd.s32 $0xFFFFFF80  }
0x73: {  	[spmem:s2] =	stream.indirect.scatter.add.f32 [tilespmem:s28], [sflag:$0x7], $0x80, s26, s21, $0xb8;
	[tilespmem:$0x1E500] =	vst v63  }
0x74: {  	s15 =	sor.u32 s16, s15;
	_ =	swait.ge [sflag:s23], $0x4000  }
0x75: {  	s15 =	sshrl.u32 s15, $0x3;
	[sflag:s23] =	ssyncset.done $0x0  }
0x76: {  	[sflag:s23] =	ssyncadd.s32 $0xFFFFC000;
	s8 =	sadd.s32 s5, s15  }
0x77: {  	[tilespmem:s26], [sflag:$0x6] =	stream.linear.gather [hbm4b:s8+s3], $0x80, $0x38;
	[tilespmem:$0x1E500] =	vst v63  }
0x78: {  	s9 =	simm.s32 $0x2780  }
0x79: {  	[tilespmem:s28], [sflag:$0x2] =	stream.indirect.gather [hbm4b:s4+s21], $0x80, s9, s21, $0xb8;
	[tilespmem:$0x1E500] =	vst v63  }
0x7a: {  	_ =	swait.ge [sflag:s29], $0x4000  }
0x7b: {  	[sflag:s29] =	ssyncset.done $0x0  }
0x7c: {  	[sflag:s29] =	ssyncadd.s32 $0xFFFFC000  }
0x7d: {  	_ =	swait.ge [sflag:s30], $0x80  }
0x7e: {  	[sflag:s30] =	ssyncset.done $0x0  }
0x7f: {  	[sflag:s30] =	ssyncadd.s32 $0xFFFFFF80  }
0x80: {  	[spmem:s2] =	stream.indirect.scatter.add.f32 [tilespmem:s24], [sflag:$0x7], $0x80, s25, s21, $0xb8;
	[tilespmem:$0x1E500] =	vst v63  }
0x81: {  	_ =	swait.ge [sflag:s23], $0x4000  }
0x82: {  	[sflag:s23] =	ssyncset.done $0x0  }
0x83: {  	[sflag:s23] =	ssyncadd.s32 $0xFFFFC000  }
0x84: {  	_ =	swait.ge [sflag:s31], $0x4000  }
0x85: {  	[sflag:s31] =	ssyncset.done $0x0  }
0x86: {  	[sflag:s31] =	ssyncadd.s32 $0xFFFFC000  }
0x87: {  	_ =	swait.ge [sflag:s1], $0x80  }
0x88: {  	[sflag:s1] =	ssyncset.done $0x0  }
0x89: {  	[sflag:s1] =	ssyncadd.s32 $0xFFFFFF80  }
0x8a: {  	[spmem:s2] =	stream.indirect.scatter.add.f32 [tilespmem:s28], [sflag:$0x7], $0x80, s26, s21, $0xb8;
	[tilespmem:$0x1E500] =	vst v63  }
0x8b: {  	_ =	swait.ge [sflag:s23], $0x4000  }
0x8c: {  	[sflag:s23] =	ssyncset.done $0x0  }
0x8d: {  	[sflag:s23] =	ssyncadd.s32 $0xFFFFC000  }
0x8e: {  	[bflag:$0x0] =	sbarrier.arrive $0xFFFF  }
0x8f: {  	[tilespmem:s24], [sflag:$0x7] =	stream.linear.gather [spmem:s10], $0x4000, $0x38;
	[tilespmem:$0x1E500] =	vst v63  }
0x90: {  	_ =	swait.ge [sflag:s23], $0x4000  }
0x91: {  	[sflag:s23] =	ssyncset.done $0x0  }
0x92: {  	s15 =	rddreg [dreg:$0x6];
	[sflag:s23] =	ssyncadd.s32 $0xFFFFC000  }
0x93: {  	[hbm4b:s15+s3] =	stream.linear.scatter [tilespmem:s24], [sflag:$0x3], $0x4000, $0x38;
	[tilespmem:$0x1E500] =	vst v63  }
0x94: {  	_ = 	snop  }
0x95: {  	[tilespmem:s28], [sflag:$0x7] =	stream.linear.gather [spmem:s11], $0x4000, $0x38;
	[tilespmem:$0x1E500] =	vst v63  }
0x96: {  	_ =	swait.ge [sflag:s23], $0x4000  }
0x97: {  	[sflag:s23] =	ssyncset.done $0x0  }
0x98: {  	s16 =	rddreg [dreg:$0x7];
	[sflag:s23] =	ssyncadd.s32 $0xFFFFC000  }
0x99: {  	[hbm4b:s16+s3] =	stream.linear.scatter [tilespmem:s28], [sflag:$0x4], $0x4000, $0x38;
	[tilespmem:$0x1E500] =	vst v63  }
0x9a: {  	_ =	swait.ge [sflag:s22], $0x4000  }
0x9b: {  	[sflag:s22] =	ssyncset.done $0x0  }
0x9c: {  	[sflag:s22] =	ssyncadd.s32 $0xFFFFC000  }
0x9d: {  	[tilespmem:s24], [sflag:$0x7] =	stream.linear.gather [spmem:s12], $0x4000, $0x38;
	[tilespmem:$0x1E500] =	vst v63  }
0x9e: {  	_ =	swait.ge [sflag:s23], $0x4000  }
0x9f: {  	[sflag:s23] =	ssyncset.done $0x0  }
0xa0: {  	s17 =	rddreg [dreg:$0x8];
	[sflag:s23] =	ssyncadd.s32 $0xFFFFC000  }
0xa1: {  	[hbm4b:s17+s3] =	stream.linear.scatter [tilespmem:s24], [sflag:$0x3], $0x4000, $0x38;
	[tilespmem:$0x1E500] =	vst v63  }
0xa2: {  	_ =	swait.ge [sflag:s0], $0x4000  }
0xa3: {  	[sflag:s0] =	ssyncset.done $0x0  }
0xa4: {  	[sflag:s0] =	ssyncadd.s32 $0xFFFFC000  }
0xa5: {  	[tilespmem:s28], [sflag:$0x7] =	stream.linear.gather [spmem:s13], $0x4000, $0x38;
	[tilespmem:$0x1E500] =	vst v63  }
0xa6: {  	_ =	swait.ge [sflag:s23], $0x4000  }
0xa7: {  	[sflag:s23] =	ssyncset.done $0x0  }
0xa8: {  	[sflag:s23] =	ssyncadd.s32 $0xFFFFC000  }
0xa9: {  	[hbm4b:s18+s3] =	stream.linear.scatter [tilespmem:s28], [sflag:$0x4], $0x4000, $0x38;
	[tilespmem:$0x1E500] =	vst v63  }
0xaa: {  	_ =	swait.ge [sflag:s22], $0x4000  }
0xab: {  	[sflag:s22] =	ssyncset.done $0x0  }
0xac: {  	[sflag:s22] =	ssyncadd.s32 $0xFFFFC000  }
0xad: {  	[tilespmem:s24], [sflag:$0x7] =	stream.linear.gather [spmem:s14], $0x3C00, $0x38;
	[tilespmem:$0x1E500] =	vst v63  }
0xae: {  	_ =	swait.ge [sflag:s23], $0x3C00  }
0xaf: {  	[sflag:s23] =	ssyncset.done $0x0  }
0xb0: {  	s7 =	sadd.s32 $0x1, s7;
	[sflag:s23] =	ssyncadd.s32 $0xFFFFC400  }
0xb1: {  	[hbm4b:s19+s3] =	stream.linear.scatter [tilespmem:s24], [sflag:$0x3], $0x3C00, $0x38;
	[tilespmem:$0x1E500] =	vst v63  }
0xb2: {  	p0 =	sne.s32 s7, s20;
	_ =	swait.ge [sflag:s0], $0x4000  }
.Ltmp2:
0xb3: {  	[sflag:s0] =	ssyncset.done $0x0;
	(pc) =	sbr.rel @p0 .LBB2_1-.Ltmp2, $4  }
0xb4: {  	[sflag:s0] =	ssyncadd.s32 $0xFFFFC000  }
0xb5: {  	_ =	swait.ge [sflag:s22], $0x3C00  }
0xb6: {  	[sflag:s22] =	ssyncset.done $0x0  }
0xb7: {  	[sflag:s22] =	ssyncadd.s32 $0xFFFFC400  }
0xb8: {  	_ =	sfence.sel $0x180000  }
0xb9: {  	[bflag:$0x0] =	sbarrier.arrive $0xFFFF  }
0xba: {  	_ =	strace $0x9000004A  }
0xbb: {  	s0 =	stileid.u32;
	[bflag:$0x2] =	sbarrier.arrive $0xFFFF  }
0xbc: {  	p0 =	sne.s32 s0, $0x0;
	s0 =	rddreg [dreg:$0x2]  }
0xbd: {  	s0 =	sadd.s32 @!p0 $0x100000, s0  }
0xbe: {  	[sflag:s0] =	ssyncadd.tile.s32 @!p0 $0x1;
	_ =	shalt  }
.Lfunc_end2:
_tile_overlayer_lowered:
.L_overlay_start_2:
0xbf: {  	(tag) =	ssettag $0x2  }
0xc0: {  	s0 =	rddreg [dreg:$0x0];
	s2 =	stileid.u32  }
0xc1: {  	s1 =	rddreg [dreg:$0x1];
	p0 =	sne.s32 s2, $0x0  }
0xc2: {  	s3 =	rddreg [dreg:$0x2];
	[bflag:$0x3] =	sbarrier.arrive $0xFFFF;
	s2 =	simm.s32 @!p0 $0x1C07  }
0xc3: {  	[timem:s3], [sflag:s2] =	dma.local @!p0 [hbm:s0], s1  }
0xc4: {  	s0 =	simm.s32 @!p0 $0x7  }
0xc5: {  	_ =	swait.ge @!p0 [sflag:s0], s1  }
0xc6: {  	s1 =	ssub.s32 @!p0 $0x0, s1;
	[sflag:s0] =	ssyncset.done @!p0 $0x0  }
0xc7: {  	[sflag:s0] =	ssyncadd.s32 @!p0 s1  }
0xc8: {  	[bflag:$0x3] =	sbarrier.arrive $0xFFFF  }
0xc9: {  	_ =	shalt  }

// kernel: kernel.15.cloned.1.call-start
scs
__scs_entry_jumppad:
0x0: {  	(pc) =	sbr.rel $0x88, $3  }
0x1: {  	(tag) =	ssettag $0x0;
	lr =	simm.s32 $0x1  }
0x2: {  	[smem:$0x3F98] =	sst lr;
	_ =	strace $0xD0000000  }
0x3: {  	_ = 	snop  }
0x4: {  	_ = 	snop  }
0x5: {  	_ = 	snop  }
0x6: {  	_ = 	snop  }
0x7: {  	_ = 	snop  }
__scs_overlays_trampoline_lowered:
0x8: {  	[smem:$0x3FA7] =	sst s0  }
0x9: {  	[smem:$0x3FA8] =	sst s1  }
0xa: {  	[smem:$0x3FA9] =	sst s2  }
0xb: {  	[smem:$0x3FAA] =	sst s3  }
0xc: {  	[smem:$0x3FAB] =	sst s4  }
0xd: {  	[smem:$0x3FAC] =	sst s5  }
0xe: {  	[smem:$0x3FAD] =	sst s6  }
0xf: {  	[smem:$0x3FAE] =	sst s7  }
0x10: {  	[smem:$0x3FAF] =	sst s8  }
0x11: {  	[smem:$0x3FB0] =	sst s9;
	s0 =	simm.s32 @!p0 $0x0  }
0x12: {  	s1 =	sld [smem:$0x3F96];
	s0 =	simm.s32 @p0 $0x1  }
0x13: {  	[smem:$0x3FB1] =	sst s0;
	s0 =	simm.s32 @!p1 $0x0  }
0x14: {  	s2 =	sld [smem:$0x3F95];
	s0 =	simm.s32 @p1 $0x1  }
0x15: {  	[smem:$0x3FB2] =	sst s0;
	s0 =	simm.s32 @!p2 $0x0  }
0x16: {  	s3 =	sld [smem:$0x3FDB];
	s0 =	simm.s32 @p2 $0x1  }
0x17: {  	s4 =	simm.s32 $0x1BF5;
	[smem:$0x3FB4] =	sst s0  }
0x18: {  	s0 =	sld [smem:$0x3F97];
	_ =	swait.ge [sflag:s4], $0x0  }
0x19: {  	s7 =	sld [smem:$0x3F98]  }
0x1a: {  	s8 =	sadd.s32 $0xFFFFE003, lr  }
0x1b: {  	s9 =	sadd.s32 $0xFFFFFEF7, lr;
	s5 =	simm.s32 $0xFFFFFFFF;
	p2 =	slt.u32 s8, $0xFFFFF086  }
0x1c: {  	p1 =	slt.u32 s9, $0xF7A;
	s5 =	simm.s32 @!p2 $0x0  }
0x1d: {  	s5 =	simm.s32 @p1 $0x1;
	p0 =	seq.s32 s7, s2  }
0x1e: {  	s7 =	smul.u32 @!p0 $0xF7A, s2;
	p2 =	seq.s32 @!p0 s5, $0x0  }
0x1f: {  	s9 =	smul.u32 $0xF7A, s1;
	s8 =	simm.s32 @!p0 $0x1BF5;
	p2 =	por !p2, p0  }
0x20: {  	[sflag:s8] =	ssyncset.s32 @!p0 $0xFFFFF086;
	s6 =	sadd.s32 @!p0 s3, s7;
	s7 =	simm.s32 @!p0 $0x108  }
0x21: {  	s3 =	sadd.s32 s3, s9;
	s6 =	sadd.s32 @!p0 $0x88, s6;
	s7 =	simm.s32 @p2 $0x1082  }
0x22: {  	[simem:s7], [sflag:s8] =	dma.local @!p0 [hbm:s6], $0xF7A  }
0x23: {  	s9 =	sor.u32 $0xD0000000, s2;
	s6 =	simm.s32 $0x108;
	_ =	swait.ge @!p0 [sflag:s8], $0x0  }
0x24: {  	s3 =	sadd.s32 $0x88, s3;
	s6 =	simm.s32 @!p1 $0x1082;
	[sflag:s4] =	ssyncset.s32 $0xFFFFF086  }
0x25: {  	[simem:s6], [sflag:s4] =	dma.local [hbm:s3], $0xF7A  }
0x26: {  	[smem:$0x3F98] =	sst s1;
	(tag) =	ssettag s2;
	_ =	strace s9  }
0x27: {  	s1 =	sld [smem:$0x3FA8]  }
0x28: {  	s2 =	sld [smem:$0x3FA9]  }
0x29: {  	s4 =	sld [smem:$0x3FAB]  }
0x2a: {  	p0 =	seq.s32 s5, $0x0;
	s5 =	sld [smem:$0x3FAC]  }
0x2b: {  	s6 =	sld [smem:$0x3FAD]  }
0x2c: {  	s7 =	sld [smem:$0x3FAE]  }
0x2d: {  	s3 =	simm.s32 $0x108;
	s8 =	sld [smem:$0x3FAF]  }
0x2e: {  	s3 =	simm.s32 @!p0 $0x1082;
	s9 =	sld [smem:$0x3FB0]  }
0x2f: {  	lr =	sadd.s32 s0, s3;
	s0 =	sld [smem:$0x3FA7]  }
0x30: {  	s3 =	sld [smem:$0x3FAA]  }
0x31: {  	[smem:$0x3FB3] =	sst s10  }
0x32: {  	s10 =	sld [smem:$0x3FB1];
	_ =	sdelay $0x3  }
0x33: {  	p0 =	seq.s32 s10, $0x1;
	s10 =	sld [smem:$0x3FB3];
	_ =	sdelay $0x3  }
0x34: {  	[smem:$0x3FB3] =	sst s10  }
0x35: {  	s10 =	sld [smem:$0x3FB2];
	_ =	sdelay $0x3  }
0x36: {  	p1 =	seq.s32 s10, $0x1;
	s10 =	sld [smem:$0x3FB3];
	_ =	sdelay $0x3  }
0x37: {  	[smem:$0x3FB3] =	sst s10  }
0x38: {  	s10 =	sld [smem:$0x3FB4]  }
0x39: {  	_ = 	snop;
	(pc) =	sbr.ind lr, $3  }
0x3a: {  	_ = 	snop  }
0x3b: {  	_ = 	snop  }
0x3c: {  	p2 =	seq.s32 s10, $0x1;
	s10 =	sld [smem:$0x3FB3]  }
0x3d: {  	_ =	shalt  }
0x3e: {  	_ =	shalt  }
0x3f: {  	_ =	shalt  }
0x40: {  	_ =	shalt  }
0x41: {  	_ =	shalt  }
0x42: {  	_ =	shalt  }
0x43: {  	_ =	shalt  }
0x44: {  	_ =	shalt  }
0x45: {  	_ =	shalt  }
0x46: {  	_ =	shalt  }
0x47: {  	_ =	shalt  }
0x48: {  	_ =	shalt  }
0x49: {  	_ =	shalt  }
0x4a: {  	_ =	shalt  }
0x4b: {  	_ =	shalt  }
0x4c: {  	_ =	shalt  }
0x4d: {  	_ =	shalt  }
0x4e: {  	_ =	shalt  }
0x4f: {  	_ =	shalt  }
0x50: {  	_ =	shalt  }
0x51: {  	_ =	shalt  }
0x52: {  	_ =	shalt  }
0x53: {  	_ =	shalt  }
0x54: {  	_ =	shalt  }
0x55: {  	_ =	shalt  }
0x56: {  	_ =	shalt  }
0x57: {  	_ =	shalt  }
0x58: {  	_ =	shalt  }
0x59: {  	_ =	shalt  }
0x5a: {  	_ =	shalt  }
0x5b: {  	_ =	shalt  }
0x5c: {  	_ =	shalt  }
0x5d: {  	_ =	shalt  }
0x5e: {  	_ =	shalt  }
0x5f: {  	_ =	shalt  }
0x60: {  	_ =	shalt  }
0x61: {  	_ =	shalt  }
0x62: {  	_ =	shalt  }
0x63: {  	_ =	shalt  }
0x64: {  	_ =	shalt  }
0x65: {  	_ =	shalt  }
0x66: {  	_ =	shalt  }
0x67: {  	_ =	shalt  }
0x68: {  	_ =	shalt  }
0x69: {  	_ =	shalt  }
0x6a: {  	_ =	shalt  }
0x6b: {  	_ =	shalt  }
0x6c: {  	_ =	shalt  }
0x6d: {  	_ =	shalt  }
0x6e: {  	_ =	shalt  }
0x6f: {  	_ =	shalt  }
0x70: {  	_ =	shalt  }
0x71: {  	_ =	shalt  }
0x72: {  	_ =	shalt  }
0x73: {  	_ =	shalt  }
0x74: {  	_ =	shalt  }
0x75: {  	_ =	shalt  }
0x76: {  	_ =	shalt  }
0x77: {  	_ =	shalt  }
0x78: {  	_ =	shalt  }
0x79: {  	_ =	shalt  }
0x7a: {  	_ =	shalt  }
0x7b: {  	_ =	shalt  }
0x7c: {  	_ =	shalt  }
0x7d: {  	_ =	shalt  }
0x7e: {  	_ =	shalt  }
0x7f: {  	_ =	shalt  }
0x80: {  	_ =	shalt  }
0x81: {  	_ =	shalt  }
0x82: {  	_ =	shalt  }
0x83: {  	_ =	shalt  }
0x84: {  	_ =	shalt  }
0x85: {  	_ =	shalt  }
0x86: {  	_ =	shalt  }
0x87: {  	_ =	shalt  }
.Lfunc_end0:
.L_simem_size_0:
called_computation.2_lowered:
.L_overlay_start_0:
0x88: {  	s2 =	sld [smem:$0x3FD9]  }
0x89: {  	s3 =	sld [smem:$0x3FFE];
	_ =	sdelay $0x1  }
0x8a: {  	s1 =	srdreg.scid  }
0x8b: {  	s0 =	sand.u32 $0x1, s1  }
0x8c: {  	s16 =	sshll.u32 s0, $0xA;
	s2 =	sadd.s32 s3, s2  }
0x8d: {  	s2 =	sadd.s32 s2, s16  }
0x8e: {  	[smem:$0x3FBF] =	sst s2  }
0x8f: {  	_ = 	snop  }
0x90: {  	(tm) =	ssettm $0x1  }
0x91: {  	s17 =	sld [smem:$0x3FFB];
	_ =	sdelay $0x3  }
0x92: {  	_ =	strace s17  }
0x93: {  	s2 =	sld [smem:$0x3FFC];
	_ =	sdelay $0x3  }
0x94: {  	_ =	strace s2  }
0x95: {  	s2 =	sld [smem:$0x3FFD];
	_ =	sdelay $0x3  }
0x96: {  	_ =	strace s2  }
0x97: {  	_ =	strace $0x8FFFFFFF  }
0x98: {  	s18 =	sld [smem:$0x3FDB];
	_ =	sdelay $0x1  }
0x99: {  	s19 =	simm.s32 $_scs_section_size  }
0x9a: {  	s4 =	simm.s32 $_size__tile_overlayer_lowered;
	s5 =	simm.s32 $_tile_overlayer_lowered  }
0x9b: {  	s22 =	simm.s32 $0x1BFF;
	s21 =	sshll.u32 s5, $0x1;
	s2 =	sadd.s32 s19, s18  }
0x9c: {  	s6 =	simm.s32 $0x0;
	s20 =	sshll.u32 s4, $0x1;
	s4 =	sadd.s32 s21, s2  }
0x9d: {  	[timem:s6], [sflag:s22] =	dma.local [hbm:s4], s20  }
0x9e: {  	_ =	swait.ge [sflag:s22], s20  }
0x9f: {  	s3 =	ssub.s32 $0x0, s20;
	[sflag:s22] =	ssyncset.done $0x0  }
0xa0: {  	[sflag:s22] =	ssyncadd.s32 s3;
	_ =	sdelay $0x1  }
0xa1: {  	s23 =	simm.s32 $0x1B8B  }
0xa2: {  	_ =	swait.ge [sflag:s23], $0x1  }
0xa3: {  	[sflag:s23] =	ssyncset.done $0x0  }
0xa4: {  	s25 =	simm.s32 $0x1B8E;
	s24 =	sld [smem:$0x3FFE];
	[sflag:s23] =	ssyncadd.s32 $0xFFFFFFFF  }
0xa5: {  	s26 =	simm.s32 $execute0_lowered;
	[smem:$0x3FD2] =	sst s25  }
0xa6: {  	s4 =	sshll.u32 s26, $0x1;
	_ =	strace $0x8000004C;
	[dreg:$0x1] =	wrdreg $0xFFFFFFFF  }
0xa7: {  	s28 =	simm.s32 $_size_execute0_lowered;
	s2 =	sadd.s32 s2, s4;
	[dreg:$0x0] =	wrdreg $0x0  }
0xa8: {  	s4 =	sshll.u32 s28, $0x1;
	[dreg:$0x2] =	wrdreg s2  }
0xa9: {  	[dreg:$0x3] =	wrdreg s4  }
0xaa: {  	[dreg:$0x4] =	wrdreg $0xC0  }
0xab: {  	_ =	task [dreg:s6], $0x5FFFF  }
0xac: {  	[dreg:$0x1] =	wrdreg $0xFFFFFFFF  }
0xad: {  	[dreg:$0x0] =	wrdreg $0x60  }
0xae: {  	[dreg:$0x2] =	wrdreg s24  }
0xaf: {  	[dreg:$0x3] =	wrdreg $0xA9000  }
0xb0: {  	[dreg:$0x4] =	wrdreg $0x9  }
0xb1: {  	_ =	task.clear_ibuf [dreg:s6], $0x5FFFF;
	_ =	strace $0x9000004C  }
0xb2: {  	s29 =	simm.s32 $0x9;
	_ =	strace $0x8000004E  }
0xb3: {  	_ =	swait.ge [sflag:s29], $0x1  }
0xb4: {  	[sflag:s29] =	ssyncadd.s32 $0xFFFFFFFF  }
0xb5: {  	_ =	strace $0x9000004E  }
0xb6: {  	_ =	sfence  }
0xb7: {  	s30 =	sld [smem:$0x0];
	_ =	sdelay $0x2  }
0xb8: {  	s31 =	sshll.u32 s1, $0xD;
	s1 =	sshrl.u32 s1, $0x2  }
0xb9: {  	s3 =	sand.u32 $0x4000, s31;
	s1 =	sadd.s32 s1, s30  }
0xba: {  	s0 =	sor.u32 s3, s0;
	s1 =	sshll.u32 s1, $0x11  }
0xbb: {  	s0 =	sor.u32 s1, s0  }
0xbc: {  	s0 =	sadd.s32 $0x8F2B, s0  }
0xbd: {  	[sflag:s0] =	ssyncadd.remote.s32 $0x1  }
0xbe: {  	_ =	sfence.sel $0xFFFF  }
0xbf: {  	[dreg:$0x0] =	wrdreg $0xFFFFFFFF;
	(pc) =	sbr.abs _section_cstart, $3  }
0xc0: {  	[dreg:$0x1] =	wrdreg $0xFFFFFFFF  }
0xc1: {  	_ =	task.clear_ibuf [dreg:s6], $0x2FFFF;
	_ =	strace $0x9FFFFFFF  }
0xc2: {  	(tm) =	ssettm $0x7FFFFFFF  }
0xc3: {  	_ =	shalt  }
tec
execute0_lowered:
.L_overlay_start_1:
0x0: {  	(tag) =	ssettag $0x1  }
0x1: {  	s0 =	srdreg.scid  }
0x2: {  	s11 =	stileid.u32;
	s7 =	rddreg [dreg:$0x0];
	s28 =	simm.s32 $0x6900  }
0x3: {  	s29 =	simm.s32 $0x1;
	s30 =	simm.s32 $0x5;
	s31 =	simm.s32 $0x2  }
0x4: {  	s0 =	sand.u32 $0x1, s0;
	s3 =	sshll.u32 s11, $0x7;
	s10 =	smul.u32 $0x4F000, s11  }
0x5: {  	s14 =	smul.u32 $0x13C00, s11;
	s1 =	sshll.u32 s0, $0x4;
	s5 =	sand.u32 $0x380, s3  }
0x6: {  	s3 =	simm.s32 $0x0;
	s9 =	ssub.s32 $0x2, s0;
	s0 =	smul.u32 $0x13C000, s0  }
0x7: {  	s1 =	sor.u32 s11, s1;
	[smem:$0x7FF] =	sst s3;
	s19 =	sshrl.u32 s9, $0x1  }
0x8: {  	s21 =	sshrl.u32 s10, $0x2;
	s22 =	sadd.s32 $0x4000, s14;
	s23 =	sadd.s32 $0x8000, s14  }
0x9: {  	s15 =	sadd.s32 $0xC000, s14;
	s17 =	sadd.s32 $0x10000, s14;
	s2 =	sshrl.u32 s1, $0x3  }
0xa: {  	s6 =	smul.u32 $0x2800, s1;
	s1 =	sadd.s32 $0x47E00, s7;
	s16 =	sadd.s32 s14, s0  }
0xb: {  	s24 =	sadd.s32 s0, s23;
	s25 =	sadd.s32 s0, s15;
	s4 =	smul.u32 $0x14000, s2  }
0xc: {  	s2 =	rddreg [dreg:$0x1];
	_ =	strace $0x8000004D;
	s16 =	sshrl.u32 s16, $0x3  }
0xd: {  	s26 =	sshrl.u32 s25, $0x3;
	s25 =	simm.s32 $0x2800;
	s20 =	sshrl.u32 s6, $0x3  }
0xe: {  	s10 =	sadd.s32 s21, s2;
	s11 =	sadd.s32 s22, s2;
	s12 =	sadd.s32 s23, s2  }
0xf: {  	s13 =	sadd.s32 s15, s2;
	s14 =	sadd.s32 s17, s2;
	s16 =	sadd.s32 s1, s16  }
0x10: {  	s18 =	sadd.s32 s1, s26;
	s21 =	simm.s32 $0x80;
	s4 =	sor.u32 s5, s4  }
0x11: {  	s23 =	simm.s32 $0x7;
	s26 =	simm.s32 $0x2880;
	s5 =	sshrl.u32 s4, $0x3  }
0x12: {  	[dreg:$0x6] =	wrdreg s16;
	s4 =	sadd.s32 $0x20C00, s7;
	s8 =	sadd.s32 s5, s7  }
0x13: {  	s5 =	sadd.s32 $0x2E00, s7;
	s7 =	ssub.s32 s9, s19;
	s8 =	sadd.s32 $0x16C00, s8  }
0x14: {  	s9 =	sadd.s32 s5, s20;
	s20 =	smax.u32 s7, $0x1;
	[dreg:$0x3] =	wrdreg s8  }
0x15: {  	s7 =	simm.s32 $0x0;
	[dreg:$0x4] =	wrdreg s9;
	s8 =	sadd.s32 s0, s22  }
0x16: {  	s9 =	sadd.s32 $0x10, s9;
	s0 =	sadd.s32 s0, s17;
	s8 =	sshrl.u32 s8, $0x3  }
0x17: {  	s22 =	simm.s32 $0x3;
	[dreg:$0x5] =	wrdreg s9;
	s8 =	sadd.s32 s1, s8  }
0x18: {  	s0 =	sshrl.u32 s0, $0x3;
	[dreg:$0x7] =	wrdreg s8;
	s8 =	sshrl.u32 s24, $0x3  }
0x19: {  	s19 =	sadd.s32 s1, s0;
	s0 =	simm.s32 $0x4;
	s8 =	sadd.s32 s1, s8  }
0x1a: {  	v0 =	vimm.f32 $0.0e+00;
	s24 =	simm.s32 $0x2900;
	s1 =	simm.s32 $0x6;
	[dreg:$0x8] =	wrdreg s8  }
.LBB2_1:
0x1b: {  	s8 =	rddreg [dreg:$0x3];
	s9 =	simm.s32 $0x400  }
0x1c: {  	[tilespmem:s3], [sflag:$0x7] =	stream.strided.gather [hbm4b:s8+s21], $0x2800, s9, s21, $0x38;
	[tilespmem:$0x1E500] =	vst v63  }
0x1d: {  	_ =	swait.ge [sflag:s23], $0x2800  }
0x1e: {  	[sflag:s23] =	ssyncset.done $0x0  }
0x1f: {  	[sflag:s23] =	ssyncadd.s32 $0xFFFFD800  }
0x20: {  	[tilespmem:s24], [sflag:$0x1] =	stream.indirect.gather [hbm4b:s4+s21], $0x80, s3, s21, $0xb8;
	[tilespmem:$0x1E500] =	vst v63  }
0x21: {  	s9 =	rddreg [dreg:$0x4]  }
0x22: {  	[tilespmem:s25], [sflag:$0x5] =	stream.linear.gather [hbm4b:s9+s3], $0x80, $0x38;
	[tilespmem:$0x1E500] =	vst v63  }
0x23: {  	s16 =	sand.u32 $0xFE00, s3;
	s15 =	rddreg [dreg:$0x5]  }
0x24: {  	[tilespmem:s26], [sflag:$0x6] =	stream.linear.gather [hbm4b:s15+s3], $0x80, $0x38;
	[tilespmem:$0x1E500] =	vst v63  }
0x25: {  	s17 =	sand.u32 $0x70, s3;
	s15 =	sshrl.u32 s16, $0x2  }
0x26: {  	s8 =	simm.s32 $0x40;
	s9 =	simm.s32 $0x0;
	s15 =	sor.u32 s17, s15  }
.LBB2_2:
0x27: {  	p0 =	sne.s32 s8, $0xFFC0  }
0x28: {  	[tilespmem:s15+$0x6900] =	vst v0;
	s9 =	sadd.s32 $0x10, s9;
	s15 =	smov.u32 s8;
	s8 =	sadd.s32 $0x40, s8  }
.Ltmp0:
0x29: {  	(pc) =	sbr.rel @p0 .LBB2_2-.Ltmp0, $4  }
0x2a: {  	_ = 	snop  }
0x2b: {  	s15 =	sand.u32 $0xFE00, s15  }
0x2c: {  	s16 =	sand.u32 $0x70, s9;
	s15 =	sshrl.u32 s15, $0x2  }
0x2d: {  	s15 =	sor.u32 s16, s15  }
0x2e: {  	[tilespmem:s15+$0x6900] =	vst v0  }
0x2f: {  	[spmem:s10] =	stream.linear.scatter [tilespmem:s28], [sflag:$0x7], $0x4000, $0x38;
	[tilespmem:$0x1E500] =	vst v63  }
0x30: {  	_ =	swait.ge [sflag:s23], $0x4000  }
0x31: {  	[sflag:s23] =	ssyncset.done $0x0  }
0x32: {  	[sflag:s23] =	ssyncadd.s32 $0xFFFFC000  }
0x33: {  	[spmem:s11] =	stream.linear.scatter [tilespmem:s28], [sflag:$0x7], $0x4000, $0x38;
	[tilespmem:$0x1E500] =	vst v63  }
0x34: {  	_ =	swait.ge [sflag:s23], $0x4000  }
0x35: {  	[sflag:s23] =	ssyncset.done $0x0  }
0x36: {  	[sflag:s23] =	ssyncadd.s32 $0xFFFFC000  }
0x37: {  	[spmem:s12] =	stream.linear.scatter [tilespmem:s28], [sflag:$0x7], $0x4000, $0x38;
	[tilespmem:$0x1E500] =	vst v63  }
0x38: {  	_ =	swait.ge [sflag:s23], $0x4000  }
0x39: {  	[sflag:s23] =	ssyncset.done $0x0  }
0x3a: {  	[sflag:s23] =	ssyncadd.s32 $0xFFFFC000  }
0x3b: {  	[spmem:s13] =	stream.linear.scatter [tilespmem:s28], [sflag:$0x7], $0x4000, $0x38;
	[tilespmem:$0x1E500] =	vst v63  }
0x3c: {  	_ =	swait.ge [sflag:s23], $0x4000  }
0x3d: {  	[sflag:s23] =	ssyncset.done $0x0  }
0x3e: {  	[sflag:s23] =	ssyncadd.s32 $0xFFFFC000  }
0x3f: {  	[spmem:s14] =	stream.linear.scatter [tilespmem:s28], [sflag:$0x7], $0x3C00, $0x38;
	[tilespmem:$0x1E500] =	vst v63  }
0x40: {  	_ =	swait.ge [sflag:s23], $0x3C00  }
0x41: {  	[sflag:s23] =	ssyncset.done $0x0  }
0x42: {  	[sflag:s23] =	ssyncadd.s32 $0xFFFFC400  }
0x43: {  	s8 =	simm.s32 $0x80;
	[bflag:$0x0] =	sbarrier.arrive $0xFFFF  }
0x44: {  	[tilespmem:s28], [sflag:$0x2] =	stream.indirect.gather [hbm4b:s4+s21], $0x80, s8, s21, $0xb8;
	[tilespmem:$0x1E500] =	vst v63  }
0x45: {  	_ =	swait.ge [sflag:s29], $0x4000  }
0x46: {  	[sflag:s29] =	ssyncset.done $0x0  }
0x47: {  	[sflag:s29] =	ssyncadd.s32 $0xFFFFC000  }
0x48: {  	s15 =	simm.s32 $0x100;
	_ =	swait.ge [sflag:s30], $0x80  }
0x49: {  	s9 =	sand.u32 $0x7C00, s15;
	[sflag:s30] =	ssyncset.done $0x0  }
0x4a: {  	s9 =	sadd.s32 s6, s9;
	s8 =	sand.u32 $0x300, s15;
	[sflag:s30] =	ssyncadd.s32 $0xFFFFFF80  }
0x4b: {  	[spmem:s2] =	stream.indirect.scatter.add.f32 [tilespmem:s24], [sflag:$0x7], $0x80, s25, s21, $0xb8;
	[tilespmem:$0x1E500] =	vst v63  }
0x4c: {  	s8 =	sor.u32 s8, s9;
	_ =	swait.ge [sflag:s23], $0x4000  }
0x4d: {  	s8 =	sshrl.u32 s8, $0x3;
	[sflag:s23] =	ssyncset.done $0x0  }
0x4e: {  	s8 =	sadd.s32 s5, s8;
	[sflag:s23] =	ssyncadd.s32 $0xFFFFC000  }
0x4f: {  	[tilespmem:s25], [sflag:$0x5] =	stream.linear.gather [hbm4b:s8+s3], $0x80, $0x38;
	[tilespmem:$0x1E500] =	vst v63  }
0x50: {  	s9 =	simm.s32 $0x100  }
0x51: {  	[tilespmem:s24], [sflag:$0x1] =	stream.indirect.gather [hbm4b:s4+s21], $0x80, s9, s21, $0xb8;
	[tilespmem:$0x1E500] =	vst v63  }
0x52: {  	_ =	swait.ge [sflag:s31], $0x4000  }
0x53: {  	[sflag:s31] =	ssyncset.done $0x0  }
0x54: {  	[sflag:s31] =	ssyncadd.s32 $0xFFFFC000  }
0x55: {  	s16 =	simm.s32 $0x180;
	_ =	swait.ge [sflag:s1], $0x80  }
0x56: {  	s17 =	sand.u32 $0x7C00, s16;
	[sflag:s1] =	ssyncset.done $0x0  }
0x57: {  	s15 =	sadd.s32 s6, s17;
	s8 =	sand.u32 $0x380, s16;
	[sflag:s1] =	ssyncadd.s32 $0xFFFFFF80  }
0x58: {  	[spmem:s2] =	stream.indirect.scatter.add.f32 [tilespmem:s28], [sflag:$0x7], $0x80, s26, s21, $0xb8;
	[tilespmem:$0x1E500] =	vst v63  }
0x59: {  	s15 =	sor.u32 s8, s15;
	_ =	swait.ge [sflag:s23], $0x4000  }
0x5a: {  	s8 =	simm.s32 $0x280;
	s15 =	sshrl.u32 s15, $0x3;
	[sflag:s23] =	ssyncset.done $0x0  }
.LBB2_4:
0x5b: {  	[sflag:s23] =	ssyncadd.s32 $0xFFFFC000  }
0x5c: {  	s15 =	sadd.s32 s5, s15;
	s9 =	sadd.s32 $0x100, s9;
	s16 =	smov.u32 s8  }
0x5d: {  	[tilespmem:s26], [sflag:$0x6] =	stream.linear.gather [hbm4b:s15+s3], $0x80, $0x38;
	[tilespmem:$0x1E500] =	vst v63  }
0x5e: {  	p0 =	sne.s32 s8, $0x2780;
	s8 =	sadd.s32 $0x100, s8;
	s15 =	sadd.s32 $0xFFFFFF80, s9  }
0x5f: {  	[tilespmem:s28], [sflag:$0x2] =	stream.indirect.gather [hbm4b:s4+s21], $0x80, s15, s21, $0xb8;
	[tilespmem:$0x1E500] =	vst v63  }
0x60: {  	_ =	swait.ge [sflag:s29], $0x4000  }
0x61: {  	[sflag:s29] =	ssyncset.done $0x0  }
0x62: {  	[sflag:s29] =	ssyncadd.s32 $0xFFFFC000  }
0x63: {  	s15 =	sadd.s32 $0xFFFFFF80, s16;
	_ =	swait.ge [sflag:s30], $0x80  }
0x64: {  	s17 =	sand.u32 $0x7C00, s15;
	s15 =	sand.u32 $0x300, s15;
	[sflag:s30] =	ssyncset.done $0x0  }
0x65: {  	s17 =	sadd.s32 s6, s17;
	[sflag:s30] =	ssyncadd.s32 $0xFFFFFF80  }
0x66: {  	[spmem:s2] =	stream.indirect.scatter.add.f32 [tilespmem:s24], [sflag:$0x7], $0x80, s25, s21, $0xb8;
	[tilespmem:$0x1E500] =	vst v63  }
0x67: {  	s15 =	sor.u32 s15, s17;
	_ =	swait.ge [sflag:s23], $0x4000  }
0x68: {  	s15 =	sshrl.u32 s15, $0x3;
	[sflag:s23] =	ssyncset.done $0x0  }
0x69: {  	s15 =	sadd.s32 s5, s15;
	[sflag:s23] =	ssyncadd.s32 $0xFFFFC000  }
0x6a: {  	[tilespmem:s25], [sflag:$0x5] =	stream.linear.gather [hbm4b:s15+s3], $0x80, $0x38;
	[tilespmem:$0x1E500] =	vst v63  }
0x6b: {  	_ = 	snop  }
0x6c: {  	[tilespmem:s24], [sflag:$0x1] =	stream.indirect.gather [hbm4b:s4+s21], $0x80, s9, s21, $0xb8;
	[tilespmem:$0x1E500] =	vst v63  }
0x6d: {  	_ =	swait.ge [sflag:s31], $0x4000  }
0x6e: {  	[sflag:s31] =	ssyncset.done $0x0  }
0x6f: {  	[sflag:s31] =	ssyncadd.s32 $0xFFFFC000  }
0x70: {  	_ =	swait.ge [sflag:s1], $0x80  }
.Ltmp1:
0x71: {  	s15 =	sand.u32 $0x7C00, s16;
	[sflag:s1] =	ssyncset.done $0x0;
	(pc) =	sbr.rel @p0 .LBB2_4-.Ltmp1, $4  }
0x72: {  	s16 =	sand.u32 $0x380, s16;
	s15 =	sadd.s32 s6, s15;
	[sflag:s1] =	ssyncadd.s32 $0xFFFFFF80  }
0x73: {  	[spmem:s2] =	stream.indirect.scatter.add.f32 [tilespmem:s28], [sflag:$0x7], $0x80, s26, s21, $0xb8;
	[tilespmem:$0x1E500] =	vst v63  }
0x74: {  	s15 =	sor.u32 s16, s15;
	_ =	swait.ge [sflag:s23], $0x4000  }
0x75: {  	s15 =	sshrl.u32 s15, $0x3;
	[sflag:s23] =	ssyncset.done $0x0  }
0x76: {  	[sflag:s23] =	ssyncadd.s32 $0xFFFFC000;
	s8 =	sadd.s32 s5, s15  }
0x77: {  	[tilespmem:s26], [sflag:$0x6] =	stream.linear.gather [hbm4b:s8+s3], $0x80, $0x38;
	[tilespmem:$0x1E500] =	vst v63  }
0x78: {  	s9 =	simm.s32 $0x2780  }
0x79: {  	[tilespmem:s28], [sflag:$0x2] =	stream.indirect.gather [hbm4b:s4+s21], $0x80, s9, s21, $0xb8;
	[tilespmem:$0x1E500] =	vst v63  }
0x7a: {  	_ =	swait.ge [sflag:s29], $0x4000  }
0x7b: {  	[sflag:s29] =	ssyncset.done $0x0  }
0x7c: {  	[sflag:s29] =	ssyncadd.s32 $0xFFFFC000  }
0x7d: {  	_ =	swait.ge [sflag:s30], $0x80  }
0x7e: {  	[sflag:s30] =	ssyncset.done $0x0  }
0x7f: {  	[sflag:s30] =	ssyncadd.s32 $0xFFFFFF80  }
0x80: {  	[spmem:s2] =	stream.indirect.scatter.add.f32 [tilespmem:s24], [sflag:$0x7], $0x80, s25, s21, $0xb8;
	[tilespmem:$0x1E500] =	vst v63  }
0x81: {  	_ =	swait.ge [sflag:s23], $0x4000  }
0x82: {  	[sflag:s23] =	ssyncset.done $0x0  }
0x83: {  	[sflag:s23] =	ssyncadd.s32 $0xFFFFC000  }
0x84: {  	_ =	swait.ge [sflag:s31], $0x4000  }
0x85: {  	[sflag:s31] =	ssyncset.done $0x0  }
0x86: {  	[sflag:s31] =	ssyncadd.s32 $0xFFFFC000  }
0x87: {  	_ =	swait.ge [sflag:s1], $0x80  }
0x88: {  	[sflag:s1] =	ssyncset.done $0x0  }
0x89: {  	[sflag:s1] =	ssyncadd.s32 $0xFFFFFF80  }
0x8a: {  	[spmem:s2] =	stream.indirect.scatter.add.f32 [tilespmem:s28], [sflag:$0x7], $0x80, s26, s21, $0xb8;
	[tilespmem:$0x1E500] =	vst v63  }
0x8b: {  	_ =	swait.ge [sflag:s23], $0x4000  }
0x8c: {  	[sflag:s23] =	ssyncset.done $0x0  }
0x8d: {  	[sflag:s23] =	ssyncadd.s32 $0xFFFFC000  }
0x8e: {  	[bflag:$0x0] =	sbarrier.arrive $0xFFFF  }
0x8f: {  	[tilespmem:s24], [sflag:$0x7] =	stream.linear.gather [spmem:s10], $0x4000, $0x38;
	[tilespmem:$0x1E500] =	vst v63  }
0x90: {  	_ =	swait.ge [sflag:s23], $0x4000  }
0x91: {  	[sflag:s23] =	ssyncset.done $0x0  }
0x92: {  	s15 =	rddreg [dreg:$0x6];
	[sflag:s23] =	ssyncadd.s32 $0xFFFFC000  }
0x93: {  	[hbm4b:s15+s3] =	stream.linear.scatter [tilespmem:s24], [sflag:$0x3], $0x4000, $0x38;
	[tilespmem:$0x1E500] =	vst v63  }
0x94: {  	_ = 	snop  }
0x95: {  	[tilespmem:s28], [sflag:$0x7] =	stream.linear.gather [spmem:s11], $0x4000, $0x38;
	[tilespmem:$0x1E500] =	vst v63  }
0x96: {  	_ =	swait.ge [sflag:s23], $0x4000  }
0x97: {  	[sflag:s23] =	ssyncset.done $0x0  }
0x98: {  	s16 =	rddreg [dreg:$0x7];
	[sflag:s23] =	ssyncadd.s32 $0xFFFFC000  }
0x99: {  	[hbm4b:s16+s3] =	stream.linear.scatter [tilespmem:s28], [sflag:$0x4], $0x4000, $0x38;
	[tilespmem:$0x1E500] =	vst v63  }
0x9a: {  	_ =	swait.ge [sflag:s22], $0x4000  }
0x9b: {  	[sflag:s22] =	ssyncset.done $0x0  }
0x9c: {  	[sflag:s22] =	ssyncadd.s32 $0xFFFFC000  }
0x9d: {  	[tilespmem:s24], [sflag:$0x7] =	stream.linear.gather [spmem:s12], $0x4000, $0x38;
	[tilespmem:$0x1E500] =	vst v63  }
0x9e: {  	_ =	swait.ge [sflag:s23], $0x4000  }
0x9f: {  	[sflag:s23] =	ssyncset.done $0x0  }
0xa0: {  	s17 =	rddreg [dreg:$0x8];
	[sflag:s23] =	ssyncadd.s32 $0xFFFFC000  }
0xa1: {  	[hbm4b:s17+s3] =	stream.linear.scatter [tilespmem:s24], [sflag:$0x3], $0x4000, $0x38;
	[tilespmem:$0x1E500] =	vst v63  }
0xa2: {  	_ =	swait.ge [sflag:s0], $0x4000  }
0xa3: {  	[sflag:s0] =	ssyncset.done $0x0  }
0xa4: {  	[sflag:s0] =	ssyncadd.s32 $0xFFFFC000  }
0xa5: {  	[tilespmem:s28], [sflag:$0x7] =	stream.linear.gather [spmem:s13], $0x4000, $0x38;
	[tilespmem:$0x1E500] =	vst v63  }
0xa6: {  	_ =	swait.ge [sflag:s23], $0x4000  }
0xa7: {  	[sflag:s23] =	ssyncset.done $0x0  }
0xa8: {  	[sflag:s23] =	ssyncadd.s32 $0xFFFFC000  }
0xa9: {  	[hbm4b:s18+s3] =	stream.linear.scatter [tilespmem:s28], [sflag:$0x4], $0x4000, $0x38;
	[tilespmem:$0x1E500] =	vst v63  }
0xaa: {  	_ =	swait.ge [sflag:s22], $0x4000  }
0xab: {  	[sflag:s22] =	ssyncset.done $0x0  }
0xac: {  	[sflag:s22] =	ssyncadd.s32 $0xFFFFC000  }
0xad: {  	[tilespmem:s24], [sflag:$0x7] =	stream.linear.gather [spmem:s14], $0x3C00, $0x38;
	[tilespmem:$0x1E500] =	vst v63  }
0xae: {  	_ =	swait.ge [sflag:s23], $0x3C00  }
0xaf: {  	[sflag:s23] =	ssyncset.done $0x0  }
0xb0: {  	s7 =	sadd.s32 $0x1, s7;
	[sflag:s23] =	ssyncadd.s32 $0xFFFFC400  }
0xb1: {  	[hbm4b:s19+s3] =	stream.linear.scatter [tilespmem:s24], [sflag:$0x3], $0x3C00, $0x38;
	[tilespmem:$0x1E500] =	vst v63  }
0xb2: {  	p0 =	sne.s32 s7, s20;
	_ =	swait.ge [sflag:s0], $0x4000  }
.Ltmp2:
0xb3: {  	[sflag:s0] =	ssyncset.done $0x0;
	(pc) =	sbr.rel @p0 .LBB2_1-.Ltmp2, $4  }
0xb4: {  	[sflag:s0] =	ssyncadd.s32 $0xFFFFC000  }
0xb5: {  	_ =	swait.ge [sflag:s22], $0x3C00  }
0xb6: {  	[sflag:s22] =	ssyncset.done $0x0  }
0xb7: {  	[sflag:s22] =	ssyncadd.s32 $0xFFFFC400  }
0xb8: {  	_ =	sfence.sel $0x180000  }
0xb9: {  	[bflag:$0x0] =	sbarrier.arrive $0xFFFF  }
0xba: {  	_ =	strace $0x9000004D  }
0xbb: {  	s0 =	stileid.u32;
	[bflag:$0x2] =	sbarrier.arrive $0xFFFF  }
0xbc: {  	p0 =	sne.s32 s0, $0x0;
	s0 =	rddreg [dreg:$0x2]  }
0xbd: {  	s0 =	sadd.s32 @!p0 $0x100000, s0  }
0xbe: {  	[sflag:s0] =	ssyncadd.tile.s32 @!p0 $0x1;
	_ =	shalt  }
.Lfunc_end2:
_tile_overlayer_lowered:
.L_overlay_start_2:
0xbf: {  	(tag) =	ssettag $0x2  }
0xc0: {  	s0 =	rddreg [dreg:$0x0];
	s2 =	stileid.u32  }
0xc1: {  	s1 =	rddreg [dreg:$0x1];
	p0 =	sne.s32 s2, $0x0  }
0xc2: {  	s3 =	rddreg [dreg:$0x2];
	[bflag:$0x3] =	sbarrier.arrive $0xFFFF;
	s2 =	simm.s32 @!p0 $0x1C07  }
0xc3: {  	[timem:s3], [sflag:s2] =	dma.local @!p0 [hbm:s0], s1  }
0xc4: {  	s0 =	simm.s32 @!p0 $0x7  }
0xc5: {  	_ =	swait.ge @!p0 [sflag:s0], s1  }
0xc6: {  	s1 =	ssub.s32 @!p0 $0x0, s1;
	[sflag:s0] =	ssyncset.done @!p0 $0x0  }
0xc7: {  	[sflag:s0] =	ssyncadd.s32 @!p0 s1  }
0xc8: {  	[bflag:$0x3] =	sbarrier.arrive $0xFFFF  }
0xc9: {  	_ =	shalt  }

// kernel: kernel.9.cloned.1.call-start
scs
__scs_entry_jumppad:
0x0: {  	(pc) =	sbr.rel $0x88, $3  }
0x1: {  	(tag) =	ssettag $0x0;
	lr =	simm.s32 $0x1  }
0x2: {  	[smem:$0x3F98] =	sst lr;
	_ =	strace $0xD0000000  }
0x3: {  	_ = 	snop  }
0x4: {  	_ = 	snop  }
0x5: {  	_ = 	snop  }
0x6: {  	_ = 	snop  }
0x7: {  	_ = 	snop  }
__scs_overlays_trampoline_lowered:
0x8: {  	[smem:$0x3FA7] =	sst s0  }
0x9: {  	[smem:$0x3FA8] =	sst s1  }
0xa: {  	[smem:$0x3FA9] =	sst s2  }
0xb: {  	[smem:$0x3FAA] =	sst s3  }
0xc: {  	[smem:$0x3FAB] =	sst s4  }
0xd: {  	[smem:$0x3FAC] =	sst s5  }
0xe: {  	[smem:$0x3FAD] =	sst s6  }
0xf: {  	[smem:$0x3FAE] =	sst s7  }
0x10: {  	[smem:$0x3FAF] =	sst s8  }
0x11: {  	[smem:$0x3FB0] =	sst s9;
	s0 =	simm.s32 @!p0 $0x0  }
0x12: {  	s1 =	sld [smem:$0x3F96];
	s0 =	simm.s32 @p0 $0x1  }
0x13: {  	[smem:$0x3FB1] =	sst s0;
	s0 =	simm.s32 @!p1 $0x0  }
0x14: {  	s2 =	sld [smem:$0x3F95];
	s0 =	simm.s32 @p1 $0x1  }
0x15: {  	[smem:$0x3FB2] =	sst s0;
	s0 =	simm.s32 @!p2 $0x0  }
0x16: {  	s3 =	sld [smem:$0x3FDB];
	s0 =	simm.s32 @p2 $0x1  }
0x17: {  	s4 =	simm.s32 $0x1BF5;
	[smem:$0x3FB4] =	sst s0  }
0x18: {  	s0 =	sld [smem:$0x3F97];
	_ =	swait.ge [sflag:s4], $0x0  }
0x19: {  	s7 =	sld [smem:$0x3F98]  }
0x1a: {  	s8 =	sadd.s32 $0xFFFFE003, lr  }
0x1b: {  	s9 =	sadd.s32 $0xFFFFFEF7, lr;
	s5 =	simm.s32 $0xFFFFFFFF;
	p2 =	slt.u32 s8, $0xFFFFF086  }
0x1c: {  	p1 =	slt.u32 s9, $0xF7A;
	s5 =	simm.s32 @!p2 $0x0  }
0x1d: {  	s5 =	simm.s32 @p1 $0x1;
	p0 =	seq.s32 s7, s2  }
0x1e: {  	s7 =	smul.u32 @!p0 $0xF7A, s2;
	p2 =	seq.s32 @!p0 s5, $0x0  }
0x1f: {  	s9 =	smul.u32 $0xF7A, s1;
	s8 =	simm.s32 @!p0 $0x1BF5;
	p2 =	por !p2, p0  }
0x20: {  	[sflag:s8] =	ssyncset.s32 @!p0 $0xFFFFF086;
	s6 =	sadd.s32 @!p0 s3, s7;
	s7 =	simm.s32 @!p0 $0x108  }
0x21: {  	s3 =	sadd.s32 s3, s9;
	s6 =	sadd.s32 @!p0 $0x88, s6;
	s7 =	simm.s32 @p2 $0x1082  }
0x22: {  	[simem:s7], [sflag:s8] =	dma.local @!p0 [hbm:s6], $0xF7A  }
0x23: {  	s9 =	sor.u32 $0xD0000000, s2;
	s6 =	simm.s32 $0x108;
	_ =	swait.ge @!p0 [sflag:s8], $0x0  }
0x24: {  	s3 =	sadd.s32 $0x88, s3;
	s6 =	simm.s32 @!p1 $0x1082;
	[sflag:s4] =	ssyncset.s32 $0xFFFFF086  }
0x25: {  	[simem:s6], [sflag:s4] =	dma.local [hbm:s3], $0xF7A  }
0x26: {  	[smem:$0x3F98] =	sst s1;
	(tag) =	ssettag s2;
	_ =	strace s9  }
0x27: {  	s1 =	sld [smem:$0x3FA8]  }
0x28: {  	s2 =	sld [smem:$0x3FA9]  }
0x29: {  	s4 =	sld [smem:$0x3FAB]  }
0x2a: {  	p0 =	seq.s32 s5, $0x0;
	s5 =	sld [smem:$0x3FAC]  }
0x2b: {  	s6 =	sld [smem:$0x3FAD]  }
0x2c: {  	s7 =	sld [smem:$0x3FAE]  }
0x2d: {  	s3 =	simm.s32 $0x108;
	s8 =	sld [smem:$0x3FAF]  }
0x2e: {  	s3 =	simm.s32 @!p0 $0x1082;
	s9 =	sld [smem:$0x3FB0]  }
0x2f: {  	lr =	sadd.s32 s0, s3;
	s0 =	sld [smem:$0x3FA7]  }
0x30: {  	s3 =	sld [smem:$0x3FAA]  }
0x31: {  	[smem:$0x3FB3] =	sst s10  }
0x32: {  	s10 =	sld [smem:$0x3FB1];
	_ =	sdelay $0x3  }
0x33: {  	p0 =	seq.s32 s10, $0x1;
	s10 =	sld [smem:$0x3FB3];
	_ =	sdelay $0x3  }
0x34: {  	[smem:$0x3FB3] =	sst s10  }
0x35: {  	s10 =	sld [smem:$0x3FB2];
	_ =	sdelay $0x3  }
0x36: {  	p1 =	seq.s32 s10, $0x1;
	s10 =	sld [smem:$0x3FB3];
	_ =	sdelay $0x3  }
0x37: {  	[smem:$0x3FB3] =	sst s10  }
0x38: {  	s10 =	sld [smem:$0x3FB4]  }
0x39: {  	_ = 	snop;
	(pc) =	sbr.ind lr, $3  }
0x3a: {  	_ = 	snop  }
0x3b: {  	_ = 	snop  }
0x3c: {  	p2 =	seq.s32 s10, $0x1;
	s10 =	sld [smem:$0x3FB3]  }
0x3d: {  	_ =	shalt  }
0x3e: {  	_ =	shalt  }
0x3f: {  	_ =	shalt  }
0x40: {  	_ =	shalt  }
0x41: {  	_ =	shalt  }
0x42: {  	_ =	shalt  }
0x43: {  	_ =	shalt  }
0x44: {  	_ =	shalt  }
0x45: {  	_ =	shalt  }
0x46: {  	_ =	shalt  }
0x47: {  	_ =	shalt  }
0x48: {  	_ =	shalt  }
0x49: {  	_ =	shalt  }
0x4a: {  	_ =	shalt  }
0x4b: {  	_ =	shalt  }
0x4c: {  	_ =	shalt  }
0x4d: {  	_ =	shalt  }
0x4e: {  	_ =	shalt  }
0x4f: {  	_ =	shalt  }
0x50: {  	_ =	shalt  }
0x51: {  	_ =	shalt  }
0x52: {  	_ =	shalt  }
0x53: {  	_ =	shalt  }
0x54: {  	_ =	shalt  }
0x55: {  	_ =	shalt  }
0x56: {  	_ =	shalt  }
0x57: {  	_ =	shalt  }
0x58: {  	_ =	shalt  }
0x59: {  	_ =	shalt  }
0x5a: {  	_ =	shalt  }
0x5b: {  	_ =	shalt  }
0x5c: {  	_ =	shalt  }
0x5d: {  	_ =	shalt  }
0x5e: {  	_ =	shalt  }
0x5f: {  	_ =	shalt  }
0x60: {  	_ =	shalt  }
0x61: {  	_ =	shalt  }
0x62: {  	_ =	shalt  }
0x63: {  	_ =	shalt  }
0x64: {  	_ =	shalt  }
0x65: {  	_ =	shalt  }
0x66: {  	_ =	shalt  }
0x67: {  	_ =	shalt  }
0x68: {  	_ =	shalt  }
0x69: {  	_ =	shalt  }
0x6a: {  	_ =	shalt  }
0x6b: {  	_ =	shalt  }
0x6c: {  	_ =	shalt  }
0x6d: {  	_ =	shalt  }
0x6e: {  	_ =	shalt  }
0x6f: {  	_ =	shalt  }
0x70: {  	_ =	shalt  }
0x71: {  	_ =	shalt  }
0x72: {  	_ =	shalt  }
0x73: {  	_ =	shalt  }
0x74: {  	_ =	shalt  }
0x75: {  	_ =	shalt  }
0x76: {  	_ =	shalt  }
0x77: {  	_ =	shalt  }
0x78: {  	_ =	shalt  }
0x79: {  	_ =	shalt  }
0x7a: {  	_ =	shalt  }
0x7b: {  	_ =	shalt  }
0x7c: {  	_ =	shalt  }
0x7d: {  	_ =	shalt  }
0x7e: {  	_ =	shalt  }
0x7f: {  	_ =	shalt  }
0x80: {  	_ =	shalt  }
0x81: {  	_ =	shalt  }
0x82: {  	_ =	shalt  }
0x83: {  	_ =	shalt  }
0x84: {  	_ =	shalt  }
0x85: {  	_ =	shalt  }
0x86: {  	_ =	shalt  }
0x87: {  	_ =	shalt  }
.Lfunc_end0:
.L_simem_size_0:
called_computation_lowered:
.L_overlay_start_0:
0x88: {  	s2 =	sld [smem:$0x3FD9]  }
0x89: {  	s3 =	sld [smem:$0x3FFE];
	_ =	sdelay $0x1  }
0x8a: {  	s1 =	srdreg.scid  }
0x8b: {  	s0 =	sand.u32 $0x1, s1  }
0x8c: {  	s16 =	sshll.u32 s0, $0xA;
	s2 =	sadd.s32 s3, s2  }
0x8d: {  	s2 =	sadd.s32 s2, s16  }
0x8e: {  	[smem:$0x3FBF] =	sst s2  }
0x8f: {  	_ = 	snop  }
0x90: {  	(tm) =	ssettm $0x1  }
0x91: {  	s17 =	sld [smem:$0x3FFB];
	_ =	sdelay $0x3  }
0x92: {  	_ =	strace s17  }
0x93: {  	s2 =	sld [smem:$0x3FFC];
	_ =	sdelay $0x3  }
0x94: {  	_ =	strace s2  }
0x95: {  	s2 =	sld [smem:$0x3FFD];
	_ =	sdelay $0x3  }
0x96: {  	_ =	strace s2  }
0x97: {  	_ =	strace $0x8FFFFFFF  }
0x98: {  	s18 =	sld [smem:$0x3FDB];
	_ =	sdelay $0x1  }
0x99: {  	s19 =	simm.s32 $_scs_section_size  }
0x9a: {  	s4 =	simm.s32 $_size__tile_overlayer_lowered;
	s5 =	simm.s32 $_tile_overlayer_lowered  }
0x9b: {  	s22 =	simm.s32 $0x1BFF;
	s21 =	sshll.u32 s5, $0x1;
	s2 =	sadd.s32 s19, s18  }
0x9c: {  	s6 =	simm.s32 $0x0;
	s20 =	sshll.u32 s4, $0x1;
	s4 =	sadd.s32 s21, s2  }
0x9d: {  	[timem:s6], [sflag:s22] =	dma.local [hbm:s4], s20  }
0x9e: {  	_ =	swait.ge [sflag:s22], s20  }
0x9f: {  	s3 =	ssub.s32 $0x0, s20;
	[sflag:s22] =	ssyncset.done $0x0  }
0xa0: {  	[sflag:s22] =	ssyncadd.s32 s3;
	_ =	sdelay $0x1  }
0xa1: {  	s23 =	simm.s32 $0x1B8B  }
0xa2: {  	_ =	swait.ge [sflag:s23], $0x1  }
0xa3: {  	[sflag:s23] =	ssyncset.done $0x0  }
0xa4: {  	s25 =	simm.s32 $0x1B8E;
	s24 =	sld [smem:$0x3FFE];
	[sflag:s23] =	ssyncadd.s32 $0xFFFFFFFF  }
0xa5: {  	s26 =	simm.s32 $execute0_lowered;
	[smem:$0x3FD2] =	sst s25  }
0xa6: {  	s4 =	sshll.u32 s26, $0x1;
	_ =	strace $0x80000046;
	[dreg:$0x1] =	wrdreg $0xFFFFFFFF  }
0xa7: {  	s28 =	simm.s32 $_size_execute0_lowered;
	s2 =	sadd.s32 s2, s4;
	[dreg:$0x0] =	wrdreg $0x0  }
0xa8: {  	s4 =	sshll.u32 s28, $0x1;
	[dreg:$0x2] =	wrdreg s2  }
0xa9: {  	[dreg:$0x3] =	wrdreg s4  }
0xaa: {  	[dreg:$0x4] =	wrdreg $0xC0  }
0xab: {  	_ =	task [dreg:s6], $0x5FFFF  }
0xac: {  	[dreg:$0x1] =	wrdreg $0xFFFFFFFF  }
0xad: {  	[dreg:$0x0] =	wrdreg $0x60  }
0xae: {  	[dreg:$0x2] =	wrdreg s24  }
0xaf: {  	[dreg:$0x3] =	wrdreg $0x9  }
0xb0: {  	_ =	task.clear_ibuf [dreg:s6], $0x4FFFF;
	_ =	strace $0x90000046  }
0xb1: {  	s29 =	simm.s32 $0x9;
	_ =	strace $0x80000048  }
0xb2: {  	_ =	swait.ge [sflag:s29], $0x1  }
0xb3: {  	[sflag:s29] =	ssyncadd.s32 $0xFFFFFFFF  }
0xb4: {  	_ =	strace $0x90000048  }
0xb5: {  	_ =	sfence  }
0xb6: {  	s30 =	sld [smem:$0x0];
	_ =	sdelay $0x2  }
0xb7: {  	s31 =	sshll.u32 s1, $0xD;
	s1 =	sshrl.u32 s1, $0x2  }
0xb8: {  	s3 =	sand.u32 $0x4000, s31;
	s1 =	sadd.s32 s1, s30  }
0xb9: {  	s0 =	sor.u32 s3, s0;
	s1 =	sshll.u32 s1, $0x11  }
0xba: {  	s0 =	sor.u32 s1, s0  }
0xbb: {  	s0 =	sadd.s32 $0x8F2B, s0  }
0xbc: {  	[sflag:s0] =	ssyncadd.remote.s32 $0x1  }
0xbd: {  	_ =	sfence.sel $0xFFFF  }
0xbe: {  	[dreg:$0x0] =	wrdreg $0xFFFFFFFF;
	(pc) =	sbr.abs _section_cstart, $3  }
0xbf: {  	[dreg:$0x1] =	wrdreg $0xFFFFFFFF  }
0xc0: {  	_ =	task.clear_ibuf [dreg:s6], $0x2FFFF;
	_ =	strace $0x9FFFFFFF  }
0xc1: {  	(tm) =	ssettm $0x7FFFFFFF  }
tec
execute0_lowered:
.L_overlay_start_1:
0x0: {  	(tag) =	ssettag $0x1  }
0x1: {  	s0 =	srdreg.scid  }
0x2: {  	s3 =	sand.u32 $0x1, s0  }
0x3: {  	s4 =	rddreg [dreg:$0x0];
	s0 =	stileid.u32;
	s1 =	sshll.u32 s3, $0x4  }
0x4: {  	s2 =	simm.s32 $0x0;
	s8 =	simm.s32 $0x0;
	s5 =	sor.u32 s0, s1  }
0x5: {  	[smem:$0x7FF] =	sst s2;
	s3 =	ssub.s32 $0x2, s3;
	s6 =	smul.u32 $0x500, s5  }
0x6: {  	s1 =	rddreg [dreg:$0x1];
	s7 =	sshrl.u32 s3, $0x1;
	s5 =	smul.u32 $0x4F0, s5  }
0x7: {  	_ =	strace $0x80000047;
	s31 =	ssub.s32 s3, s7;
	s7 =	simm.s32 $0x2800  }
0x8: {  	s6 =	sadd.s32 s6, s4;
	s4 =	sadd.s32 s5, s4;
	s5 =	smax.u32 s31, $0x1  }
0x9: {  	v0 =	vimm.f32 $0.0e+00;
	v1 =	vimm.f32 $1.000000000e+00;
	s3 =	sadd.s32 $0x2E00, s6;
	s4 =	sadd.s32 $0xCE00, s4;
	s6 =	simm.s32 $0x1  }
.LBB2_1:
0xa: {  	[tilespmem:s2], [sflag:$0x1] =	stream.linear.gather [hbm4b:s3+s2], $0x2800, $0x38;
	[tilespmem:$0x4F80] =	vst v63  }
0xb: {  	_ =	swait.ge [sflag:s6], $0x2800  }
0xc: {  	[sflag:s6] =	ssyncset.done $0x0  }
0xd: {  	s9 =	simm.s32 $0x0;
	[sflag:s6] =	ssyncadd.s32 $0xFFFFD800  }
.LBB2_2:
0xe: {  	p0 =	sne.s32 s9, $0x9DC0  }
.Ltmp0:
0xf: {  	_ = 	snop;
	(pc) =	sbr.rel @p0 .LBB2_2-.Ltmp0, $3  }
0x10: {  	_ =	sdelay $0x1  }
0x11: {  	s10 =	sshra.s32 s9, $0x2  }
0x12: {  	s9 =	sadd.s32 $0x40, s9;
	[tilespmem:s10+$0x2800] =	vst v0  }
0x13: {  	s9 =	simm.s32 $0x0  }
.LBB2_4:
0x14: {  	s10 =	sshra.s32 s9, $0x2  }
0x15: {  	v2 =	vld [tilespmem:s10+$0x0];
	_ =	sdelay $0x7  }
0x16: {  	[tilespmem:v2+s7+$0x0] =	vst.idx.add.f32.msk $0xffff, v1  }
0x17: {  	v2 =	vld [tilespmem:s10+$0x10];
	_ =	sdelay $0x7  }
0x18: {  	[tilespmem:v2+s7+$0x0] =	vst.idx.add.f32.msk $0xffff, v1  }
0x19: {  	v2 =	vld [tilespmem:s10+$0x20];
	_ =	sdelay $0x7  }
0x1a: {  	[tilespmem:v2+s7+$0x0] =	vst.idx.add.f32.msk $0xffff, v1  }
0x1b: {  	v2 =	vld [tilespmem:s10+$0x30];
	_ =	sdelay $0x7  }
0x1c: {  	[tilespmem:v2+s7+$0x0] =	vst.idx.add.f32.msk $0xffff, v1  }
0x1d: {  	v2 =	vld [tilespmem:s10+$0x40];
	_ =	sdelay $0x7  }
0x1e: {  	[tilespmem:v2+s7+$0x0] =	vst.idx.add.f32.msk $0xffff, v1  }
0x1f: {  	v2 =	vld [tilespmem:s10+$0x50];
	_ =	sdelay $0x7  }
0x20: {  	[tilespmem:v2+s7+$0x0] =	vst.idx.add.f32.msk $0xffff, v1  }
0x21: {  	v2 =	vld [tilespmem:s10+$0x60];
	_ =	sdelay $0x7  }
0x22: {  	[tilespmem:v2+s7+$0x0] =	vst.idx.add.f32.msk $0xffff, v1  }
0x23: {  	v2 =	vld [tilespmem:s10+$0x70];
	_ =	sdelay $0x2  }
0x24: {  	p0 =	sne.s32 s9, $0x9E00  }
.Ltmp1:
0x25: {  	_ = 	snop;
	(pc) =	sbr.rel @p0 .LBB2_4-.Ltmp1, $2  }
0x26: {  	_ =	sdelay $0x2  }
0x27: {  	s9 =	sadd.s32 $0x200, s9;
	[tilespmem:v2+s7+$0x0] =	vst.idx.add.f32.msk $0xffff, v1  }
0x28: {  	s8 =	sadd.s32 $0x1, s8  }
0x29: {  	p0 =	sne.s32 s8, s5  }
.Ltmp2:
0x2a: {  	_ = 	snop;
	(pc) =	sbr.rel @p0 .LBB2_1-.Ltmp2, $4  }
0x2b: {  	[hbm4b:s4+s2] =	stream.linear.scatter [tilespmem:s7], [sflag:$0x1], $0x2780, $0x38;
	[tilespmem:$0x4F80] =	vst v63  }
0x2c: {  	_ =	swait.ge [sflag:s6], $0x2780  }
0x2d: {  	[sflag:s6] =	ssyncset.done $0x0  }
0x2e: {  	[sflag:s6] =	ssyncadd.s32 $0xFFFFD880  }
0x2f: {  	_ =	sfence.sel $0x180000  }
0x30: {  	[bflag:$0x0] =	sbarrier.arrive $0xFFFF  }
0x31: {  	p0 =	sne.s32 s0, $0x0;
	_ =	strace $0x90000047  }
0x32: {  	s0 =	sadd.s32 @!p0 $0x100000, s1;
	[bflag:$0x2] =	sbarrier.arrive $0xFFFF  }
0x33: {  	[sflag:s0] =	ssyncadd.tile.s32 @!p0 $0x1;
	_ =	shalt  }
.Lfunc_end2:
_tile_overlayer_lowered:
.L_overlay_start_2:
0x34: {  	(tag) =	ssettag $0x2  }
0x35: {  	s0 =	rddreg [dreg:$0x0];
	s2 =	stileid.u32  }
0x36: {  	s1 =	rddreg [dreg:$0x1];
	p0 =	sne.s32 s2, $0x0  }
0x37: {  	s3 =	rddreg [dreg:$0x2];
	[bflag:$0x3] =	sbarrier.arrive $0xFFFF;
	s2 =	simm.s32 @!p0 $0x1C01  }
0x38: {  	[timem:s3], [sflag:s2] =	dma.local @!p0 [hbm:s0], s1  }
0x39: {  	s0 =	simm.s32 @!p0 $0x1  }
0x3a: {  	_ =	swait.ge @!p0 [sflag:s0], s1  }
0x3b: {  	s1 =	ssub.s32 @!p0 $0x0, s1;
	[sflag:s0] =	ssyncset.done @!p0 $0x0  }
0x3c: {  	[sflag:s0] =	ssyncadd.s32 @!p0 s1  }
0x3d: {  	[bflag:$0x3] =	sbarrier.arrive $0xFFFF  }
0x3e: {  	_ =	shalt  }

</sc_bundles>
